<compile_context>
chip_gen: v7x
topology: tpu7x:2x2x1
jax: 0.10.2.dev20260603
libtpu: 0.0.44.dev20260713+nightly
codegen_flags: <defaults>
</compile_context>

<pallas_src>
import jax
import jax.numpy as jnp
from jax import lax
from jax.experimental import pallas as pl
from jax.experimental.pallas import tpu as pltpu
from jax.experimental.pallas import tpu_sc as plsc

F, B, L, V, D = 26, 1024, 20, 100000, 128
N = F * B * L
NC, NS = 2, 16
NW = NC * NS
LANES = 16

CHUNK = 160
SLICES = ((0, 80), (80, 80))
NCHUNK = (N // NW) // CHUNK
BAGS = CHUNK // L
UNITS_PER_F = B // BAGS
ROWS_PER_W = N // NW
NT = 4
AHEAD = 2


def _sc_body(idx_hbm, ebc1_hbm, ec1_hbm, ebc2_hbm, ec2_hbm,
             o_ebc1, o_ec1, o_ebc2, o_ec2,
             rows0, rows1, rows2, rows3, idx_all, acc0, acc1,
             gsem0, gsem1, gsem2, gsem3, wsem0, wsem1, wsem2, wsem3):
    wid = lax.axis_index("s") * NC + lax.axis_index("c")
    rows = (rows0, rows1, rows2, rows3)
    accb = {1: acc0, 3: acc1}
    gsem = (gsem0, gsem1, gsem2, gsem3)
    wsem = (wsem0, wsem1, wsem2, wsem3)

    pltpu.sync_copy(idx_hbm.at[pl.ds(wid * ROWS_PER_W, ROWS_PER_W)], idx_all)

    tables = (ec1_hbm, ebc1_hbm, ec2_hbm, ebc2_hbm)
    outs = (o_ec1, o_ebc1, o_ec2, o_ebc2)

    def fire(b, i, table_hbm):
        for (off, sz) in SLICES:
            o = pl.multiple_of(i * CHUNK + off, 8)
            pltpu.async_copy(table_hbm.at[idx_all.at[pl.ds(o, sz)]],
                             rows[b].at[pl.ds(off, sz)], gsem[b])

    def drain_gather(b, table_hbm):
        pltpu.make_async_copy(table_hbm.at[pl.ds(0, CHUNK)], rows[b],
                              gsem[b]).wait()

    def process(t, i):
        out_hbm = outs[t]
        if t % 2 == 0:
            o0 = pl.multiple_of(wid * ROWS_PER_W + i * CHUNK, CHUNK)
            pltpu.async_copy(rows[t], out_hbm.at[pl.ds(o0, CHUNK)], wsem[t])
        else:
            acc = accb[t]

            def pool(bag, c2):
                base = bag * L
                for c in range(D // LANES):
                    a = rows[t][base, pl.ds(c * LANES, LANES)]
                    for l in range(1, L):
                        a = a + rows[t][base + l, pl.ds(c * LANES, LANES)]
                    acc[bag, pl.ds(c * LANES, LANES)] = a
                return c2

            lax.fori_loop(0, BAGS, pool, 0)
            u = wid * NCHUNK + i
            f = u // UNITS_PER_F
            bc = u % UNITS_PER_F
            b0 = pl.multiple_of(bc * BAGS, BAGS)
            col0 = pl.multiple_of(f * D, D)
            pltpu.async_copy(acc, out_hbm.at[pl.ds(b0, BAGS), pl.ds(col0, D)],
                             wsem[t])

    def drain_write(t):
        out_hbm = outs[t]
        if t % 2 == 0:
            pltpu.make_async_copy(rows[t], out_hbm.at[pl.ds(0, CHUNK)],
                                  wsem[t]).wait()
        else:
            pltpu.make_async_copy(accb[t],
                                  out_hbm.at[pl.ds(0, BAGS), pl.ds(0, D)],
                                  wsem[t]).wait()

    for s in range(AHEAD):
        fire(s % NT, 0, tables[s % NT])

    def outer(i, carry):
        for t in range(NT):
            ft = (t + AHEAD) % NT
            fi = i + 1 if t + AHEAD >= NT else i

            if t + AHEAD < NT:
                @pl.when(i >= 1)
                def _():
                    drain_write(ft)
                fire(ft, fi, tables[ft])
            else:
                drain_write(ft)

                @pl.when(fi < NCHUNK)
                def _():
                    fire(ft, fi, tables[ft])

            drain_gather(t, tables[t])
            process(t, i)
        return carry

    lax.fori_loop(0, NCHUNK, outer, 0)
    for t in range(NT - AHEAD, NT):
        drain_write(t)


@jax.jit
def kernel(indices, ebc1_table, ec1_table, ebc2_table, ec2_table):
    idx1d = indices.reshape(N)
    mesh = plsc.VectorSubcoreMesh(core_axis_name="c", subcore_axis_name="s",
                                  num_cores=NC, num_subcores=NS)
    out_type = (
        jax.ShapeDtypeStruct((B, F * D), jnp.float32),
        jax.ShapeDtypeStruct((N, D), jnp.float32),
        jax.ShapeDtypeStruct((B, F * D), jnp.float32),
        jax.ShapeDtypeStruct((N, D), jnp.float32),
    )
    scratch = [
        pltpu.VMEM((CHUNK, D), jnp.float32),
        pltpu.VMEM((CHUNK, D), jnp.float32),
        pltpu.VMEM((CHUNK, D), jnp.float32),
        pltpu.VMEM((CHUNK, D), jnp.float32),
        pltpu.VMEM((ROWS_PER_W,), jnp.int32),
        pltpu.VMEM((BAGS, D), jnp.float32),
        pltpu.VMEM((BAGS, D), jnp.float32),
        pltpu.SemaphoreType.DMA,
        pltpu.SemaphoreType.DMA,
        pltpu.SemaphoreType.DMA,
        pltpu.SemaphoreType.DMA,
        pltpu.SemaphoreType.DMA,
        pltpu.SemaphoreType.DMA,
        pltpu.SemaphoreType.DMA,
        pltpu.SemaphoreType.DMA,
    ]
    fn = pl.kernel(_sc_body, out_type=out_type, mesh=mesh,
                   scratch_types=scratch)
    return fn(idx1d, ebc1_table, ec1_table, ebc2_table, ec2_table)

# --- scband reference (transcript-rebuilt; emitter-appended) ---
"""Pipeline reference for scband-two-sparse-arch-model-9844065042900 (READ-ONLY COPY).

The authoritative reference and input builder live on the scoring server;
editing this copy changes nothing except your own understanding.
"""

import jax, jax.numpy as jnp
import numpy as np

F, B, L, V, D = 26, 1024, 20, 100000, 128


def setup_inputs(seed: int = 0) -> dict:
    key = jax.random.key(seed)
    k1, k2, k3, k4, k5 = jax.random.split(key, 5)
    indices = jax.random.randint(k1, (F, B, L), 0, V, dtype=jnp.int64 if jax.config.jax_enable_x64 else jnp.int32).astype(jnp.int32)
    ebc1_table = jax.random.normal(k2, (V, D), dtype=jnp.float32) * 0.02
    ec1_table = jax.random.normal(k3, (V, D), dtype=jnp.float32) * 0.02
    ebc2_table = jax.random.normal(k4, (V, D), dtype=jnp.float32) * 0.02
    ec2_table = jax.random.normal(k5, (V, D), dtype=jnp.float32) * 0.02
    return {
        "indices": indices,
        "ebc1_table": ebc1_table,
        "ec1_table": ec1_table,
        "ebc2_table": ebc2_table,
        "ec2_table": ec2_table,
    }


def _sparse_arch(indices, ebc_table, ec_table):
    # EmbeddingBagCollection: per-feature sum-pooled embeddings, concatenated over features -> KeyedTensor.values() [B, F*D]
    ebc_emb = jnp.take(ebc_table, indices, axis=0)          # [F, B, L, D]
    pooled = ebc_emb.sum(axis=2)                            # [F, B, D]
    ebc_vals = jnp.transpose(pooled, (1, 0, 2)).reshape(indices.shape[1], indices.shape[0] * ebc_table.shape[1])  # [B, F*D]
    # EmbeddingCollection: per-id (unpooled) embeddings; JaggedTensor.values() -> [total_ids, D]
    ec_vals = jnp.take(ec_table, indices, axis=0).reshape(-1, ec_table.shape[1])  # [F*B*L, D]
    return ebc_vals, ec_vals


def reference(indices, ebc1_table, ec1_table, ebc2_table, ec2_table):
    ebc1_out, ec1_out = _sparse_arch(indices, ebc1_table, ec1_table)
    ebc2_out, ec2_out = _sparse_arch(indices, ebc2_table, ec2_table)
    return (ebc1_out, ec1_out, ebc2_out, ec2_out)

if __name__ == "__main__":
    import jax
    _d = setup_inputs()
    print(jax.jit(kernel)(*tuple(_d.values())))

</pallas_src>

<mosaic_0001>
#map = affine_map<(d0, d1) -> (0)>
#map1 = affine_map<(d0, d1) -> (0, 0)>
module attributes {stable_mosaic.version = 14 : i64} {
  func.func @_sc_body(%arg0: i32, %arg1: i32, %arg2: memref<532480xi32, #tpu.memory_space<hbm>>, %arg3: memref<100000x128xf32, #tpu.memory_space<hbm>>, %arg4: memref<100000x128xf32, #tpu.memory_space<hbm>>, %arg5: memref<100000x128xf32, #tpu.memory_space<hbm>>, %arg6: memref<100000x128xf32, #tpu.memory_space<hbm>>, %arg7: memref<1024x3328xf32, #tpu.memory_space<hbm>>, %arg8: memref<532480x128xf32, #tpu.memory_space<hbm>>, %arg9: memref<1024x3328xf32, #tpu.memory_space<hbm>>, %arg10: memref<532480x128xf32, #tpu.memory_space<hbm>>, %arg11: memref<160x128xf32, #tpu.memory_space<vmem>>, %arg12: memref<160x128xf32, #tpu.memory_space<vmem>>, %arg13: memref<160x128xf32, #tpu.memory_space<vmem>>, %arg14: memref<160x128xf32, #tpu.memory_space<vmem>>, %arg15: memref<16640xi32, #tpu.memory_space<vmem>>, %arg16: memref<8x128xf32, #tpu.memory_space<vmem>>, %arg17: memref<8x128xf32, #tpu.memory_space<vmem>>, %arg18: memref<!tpu.dma_semaphore, #tpu.memory_space<semaphore_mem>>, %arg19: memref<!tpu.dma_semaphore, #tpu.memory_space<semaphore_mem>>, %arg20: memref<!tpu.dma_semaphore, #tpu.memory_space<semaphore_mem>>, %arg21: memref<!tpu.dma_semaphore, #tpu.memory_space<semaphore_mem>>, %arg22: memref<!tpu.dma_semaphore, #tpu.memory_space<semaphore_mem>>, %arg23: memref<!tpu.dma_semaphore, #tpu.memory_space<semaphore_mem>>, %arg24: memref<!tpu.dma_semaphore, #tpu.memory_space<semaphore_mem>>, %arg25: memref<!tpu.dma_semaphore, #tpu.memory_space<semaphore_mem>>) attributes {dimension_semantics = [#tpu.dimension_semantics<core_parallel>, #tpu.dimension_semantics<subcore_parallel>], iteration_bounds = array<i64: 2, 16>, scalar_prefetch = 0 : i64, scratch_operands = 15 : i64, tpu.core_type = #tpu.core_type<sc_vector_subcore>, window_params = [{transform_indices = #map}, {transform_indices = #map1}, {transform_indices = #map1}, {transform_indices = #map1}, {transform_indices = #map1}, {transform_indices = #map1}, {transform_indices = #map1}, {transform_indices = #map1}, {transform_indices = #map1}]} {
    %mul3A = arith.constant 2 : i32
    %mul3A_0 = arith.muli %arg1, %mul3A : i32
    %add3A = arith.addi %mul3A_0, %arg0 : i32
    %mul3A_1 = arith.constant 16640 : i32
    %mul3A_2 = arith.muli %add3A, %mul3A_1 : i32
    "tpu.region"() ({
      %run_scoped3A = tpu.sem_alloc : memref<!tpu.dma_semaphore, #tpu.memory_space<semaphore_mem>>
      %dma_start3A_53 = tpu.memref_slice %arg2[%mul3A_2] : memref<532480xi32, #tpu.memory_space<hbm>> -> memref<16640xi32, #tpu.memory_space<hbm>>
      %dma_start3A_54 = tpu.memref_slice %arg2[%mul3A_2] : memref<532480xi32, #tpu.memory_space<hbm>> -> memref<16640xi32, #tpu.memory_space<hbm>>
      tpu.enqueue_dma source(%dma_start3A_54 : memref<16640xi32, #tpu.memory_space<hbm>>) target(%arg15 : memref<16640xi32, #tpu.memory_space<vmem>>) target_semaphore(%run_scoped3A : memref<!tpu.dma_semaphore, #tpu.memory_space<semaphore_mem>>)
      %dma_wait3A_55 = tpu.memref_slice %arg2[%mul3A_2] : memref<532480xi32, #tpu.memory_space<hbm>> -> memref<16640xi32, #tpu.memory_space<hbm>>
      %dma_wait3A_56 = tpu.memref_slice %arg2[%mul3A_2] : memref<532480xi32, #tpu.memory_space<hbm>> -> memref<16640xi32, #tpu.memory_space<hbm>>
      tpu.wait_dma2 semaphore(%run_scoped3A : memref<!tpu.dma_semaphore, #tpu.memory_space<semaphore_mem>>) src(%dma_wait3A_56 : memref<16640xi32, #tpu.memory_space<hbm>>) dst(%arg15 : memref<16640xi32, #tpu.memory_space<vmem>>)
      tpu.yield
    }) : () -> ()
    %multiple_of3A = arith.constant 0 : i32
    %multiple_of3A_3 = tpu.assume_multiple %multiple_of3A, 8 : i32
    %dma_start3A = arith.constant 0 : i32
    %dma_start3A_4 = arith.constant 0 : i32
    %dma_start3A_5 = tpu.memref_slice %arg11[%dma_start3A, %dma_start3A_4] : memref<160x128xf32, #tpu.memory_space<vmem>> -> memref<80x128xf32, #tpu.memory_space<vmem>>
    %dma_start3A_6 = tpu.memref_slice %arg15[%multiple_of3A_3] : memref<16640xi32, #tpu.memory_space<vmem>> -> memref<80xi32, #tpu.memory_space<vmem>>
    %dma_start3A_7 = arith.constant 0 : i32
    %dma_start3A_8 = arith.constant 0 : i32
    %dma_start3A_9 = tpu.memref_slice %arg4[%dma_start3A_7, %dma_start3A_8] : memref<100000x128xf32, #tpu.memory_space<hbm>> -> memref<100000x128xf32, #tpu.memory_space<hbm>>
    tpu.enqueue_indirect_dma source(%dma_start3A_9 : memref<100000x128xf32, #tpu.memory_space<hbm>>) target(%dma_start3A_5 : memref<80x128xf32, #tpu.memory_space<vmem>>) offsets(%dma_start3A_6 : memref<80xi32, #tpu.memory_space<vmem>>) semaphore(%arg18 : memref<!tpu.dma_semaphore, #tpu.memory_space<semaphore_mem>>)
    %multiple_of3A_10 = arith.constant 80 : i32
    %multiple_of3A_11 = tpu.assume_multiple %multiple_of3A_10, 8 : i32
    %dma_start3A_12 = arith.constant 80 : i32
    %dma_start3A_13 = arith.constant 0 : i32
    %dma_start3A_14 = tpu.memref_slice %arg11[%dma_start3A_12, %dma_start3A_13] : memref<160x128xf32, #tpu.memory_space<vmem>> -> memref<80x128xf32, #tpu.memory_space<vmem>>
    %dma_start3A_15 = tpu.memref_slice %arg15[%multiple_of3A_11] : memref<16640xi32, #tpu.memory_space<vmem>> -> memref<80xi32, #tpu.memory_space<vmem>>
    %dma_start3A_16 = arith.constant 0 : i32
    %dma_start3A_17 = arith.constant 0 : i32
    %dma_start3A_18 = tpu.memref_slice %arg4[%dma_start3A_16, %dma_start3A_17] : memref<100000x128xf32, #tpu.memory_space<hbm>> -> memref<100000x128xf32, #tpu.memory_space<hbm>>
    tpu.enqueue_indirect_dma source(%dma_start3A_18 : memref<100000x128xf32, #tpu.memory_space<hbm>>) target(%dma_start3A_14 : memref<80x128xf32, #tpu.memory_space<vmem>>) offsets(%dma_start3A_15 : memref<80xi32, #tpu.memory_space<vmem>>) semaphore(%arg18 : memref<!tpu.dma_semaphore, #tpu.memory_space<semaphore_mem>>)
    %multiple_of3A_19 = arith.constant 0 : i32
    %multiple_of3A_20 = tpu.assume_multiple %multiple_of3A_19, 8 : i32
    %dma_start3A_21 = arith.constant 0 : i32
    %dma_start3A_22 = arith.constant 0 : i32
    %dma_start3A_23 = tpu.memref_slice %arg12[%dma_start3A_21, %dma_start3A_22] : memref<160x128xf32, #tpu.memory_space<vmem>> -> memref<80x128xf32, #tpu.memory_space<vmem>>
    %dma_start3A_24 = tpu.memref_slice %arg15[%multiple_of3A_20] : memref<16640xi32, #tpu.memory_space<vmem>> -> memref<80xi32, #tpu.memory_space<vmem>>
    %dma_start3A_25 = arith.constant 0 : i32
    %dma_start3A_26 = arith.constant 0 : i32
    %dma_start3A_27 = tpu.memref_slice %arg3[%dma_start3A_25, %dma_start3A_26] : memref<100000x128xf32, #tpu.memory_space<hbm>> -> memref<100000x128xf32, #tpu.memory_space<hbm>>
    tpu.enqueue_indirect_dma source(%dma_start3A_27 : memref<100000x128xf32, #tpu.memory_space<hbm>>) target(%dma_start3A_23 : memref<80x128xf32, #tpu.memory_space<vmem>>) offsets(%dma_start3A_24 : memref<80xi32, #tpu.memory_space<vmem>>) semaphore(%arg19 : memref<!tpu.dma_semaphore, #tpu.memory_space<semaphore_mem>>)
    %multiple_of3A_28 = arith.constant 80 : i32
    %multiple_of3A_29 = tpu.assume_multiple %multiple_of3A_28, 8 : i32
    %dma_start3A_30 = arith.constant 80 : i32
    %dma_start3A_31 = arith.constant 0 : i32
    %dma_start3A_32 = tpu.memref_slice %arg12[%dma_start3A_30, %dma_start3A_31] : memref<160x128xf32, #tpu.memory_space<vmem>> -> memref<80x128xf32, #tpu.memory_space<vmem>>
    %dma_start3A_33 = tpu.memref_slice %arg15[%multiple_of3A_29] : memref<16640xi32, #tpu.memory_space<vmem>> -> memref<80xi32, #tpu.memory_space<vmem>>
    %dma_start3A_34 = arith.constant 0 : i32
    %dma_start3A_35 = arith.constant 0 : i32
    %dma_start3A_36 = tpu.memref_slice %arg3[%dma_start3A_34, %dma_start3A_35] : memref<100000x128xf32, #tpu.memory_space<hbm>> -> memref<100000x128xf32, #tpu.memory_space<hbm>>
    tpu.enqueue_indirect_dma source(%dma_start3A_36 : memref<100000x128xf32, #tpu.memory_space<hbm>>) target(%dma_start3A_32 : memref<80x128xf32, #tpu.memory_space<vmem>>) offsets(%dma_start3A_33 : memref<80xi32, #tpu.memory_space<vmem>>) semaphore(%arg19 : memref<!tpu.dma_semaphore, #tpu.memory_space<semaphore_mem>>)
    %scan3A = arith.constant 0 : i32
    %scan3A_37 = arith.constant 0 : i32
    %scan3A_38 = arith.constant 104 : i32
    %scan3A_39 = arith.addi %scan3A_37, %scan3A_38 : i32
    %scan3A_40 = arith.constant 1 : i32
    scf.for %scan3A_53 = %scan3A_37 to %scan3A_39 step %scan3A_40  : i32 {
      %ge3A = arith.constant 1 : i32
      %ge3A_54 = arith.cmpi sge, %scan3A_53, %ge3A : i32
      %convert_element_type3A = arith.extui %ge3A_54 : i1 to i32
      %cond3A = arith.constant 0 : i32
      %cond3A_55 = arith.cmpi ne, %convert_element_type3A, %cond3A : i32
      scf.if %cond3A_55 {
        %dma_wait3A_283 = arith.constant 0 : i32
        %dma_wait3A_284 = arith.constant 0 : i32
        %dma_wait3A_285 = tpu.memref_slice %arg10[%dma_wait3A_283, %dma_wait3A_284] : memref<532480x128xf32, #tpu.memory_space<hbm>> -> memref<160x128xf32, #tpu.memory_space<hbm>>
        %dma_wait3A_286 = arith.constant 0 : i32
        %dma_wait3A_287 = arith.constant 0 : i32
        %dma_wait3A_288 = tpu.memref_slice %arg10[%dma_wait3A_286, %dma_wait3A_287] : memref<532480x128xf32, #tpu.memory_space<hbm>> -> memref<160x128xf32, #tpu.memory_space<hbm>>
        tpu.wait_dma2 semaphore(%arg24 : memref<!tpu.dma_semaphore, #tpu.memory_space<semaphore_mem>>) src(%arg13 : memref<160x128xf32, #tpu.memory_space<vmem>>) dst(%dma_wait3A_288 : memref<160x128xf32, #tpu.memory_space<hbm>>)
      } else {
      }
      %mul3A_56 = arith.constant 160 : i32
      %mul3A_57 = arith.muli %scan3A_53, %mul3A_56 : i32
      %add3A_58 = arith.constant 0 : i32
      %add3A_59 = arith.addi %mul3A_57, %add3A_58 : i32
      %multiple_of3A_60 = tpu.assume_multiple %add3A_59, 8 : i32
      %dma_start3A_61 = arith.constant 0 : i32
      %dma_start3A_62 = arith.constant 0 : i32
      %dma_start3A_63 = tpu.memref_slice %arg13[%dma_start3A_61, %dma_start3A_62] : memref<160x128xf32, #tpu.memory_space<vmem>> -> memref<80x128xf32, #tpu.memory_space<vmem>>
      %dma_start3A_64 = tpu.memref_slice %arg15[%multiple_of3A_60] : memref<16640xi32, #tpu.memory_space<vmem>> -> memref<80xi32, #tpu.memory_space<vmem>>
      %dma_start3A_65 = arith.constant 0 : i32
      %dma_start3A_66 = arith.constant 0 : i32
      %dma_start3A_67 = tpu.memref_slice %arg6[%dma_start3A_65, %dma_start3A_66] : memref<100000x128xf32, #tpu.memory_space<hbm>> -> memref<100000x128xf32, #tpu.memory_space<hbm>>
      tpu.enqueue_indirect_dma source(%dma_start3A_67 : memref<100000x128xf32, #tpu.memory_space<hbm>>) target(%dma_start3A_63 : memref<80x128xf32, #tpu.memory_space<vmem>>) offsets(%dma_start3A_64 : memref<80xi32, #tpu.memory_space<vmem>>) semaphore(%arg20 : memref<!tpu.dma_semaphore, #tpu.memory_space<semaphore_mem>>)
      %mul3A_68 = arith.constant 160 : i32
      %mul3A_69 = arith.muli %scan3A_53, %mul3A_68 : i32
      %add3A_70 = arith.constant 80 : i32
      %add3A_71 = arith.addi %mul3A_69, %add3A_70 : i32
      %multiple_of3A_72 = tpu.assume_multiple %add3A_71, 8 : i32
      %dma_start3A_73 = arith.constant 80 : i32
      %dma_start3A_74 = arith.constant 0 : i32
      %dma_start3A_75 = tpu.memref_slice %arg13[%dma_start3A_73, %dma_start3A_74] : memref<160x128xf32, #tpu.memory_space<vmem>> -> memref<80x128xf32, #tpu.memory_space<vmem>>
      %dma_start3A_76 = tpu.memref_slice %arg15[%multiple_of3A_72] : memref<16640xi32, #tpu.memory_space<vmem>> -> memref<80xi32, #tpu.memory_space<vmem>>
      %dma_start3A_77 = arith.constant 0 : i32
      %dma_start3A_78 = arith.constant 0 : i32
      %dma_start3A_79 = tpu.memref_slice %arg6[%dma_start3A_77, %dma_start3A_78] : memref<100000x128xf32, #tpu.memory_space<hbm>> -> memref<100000x128xf32, #tpu.memory_space<hbm>>
      tpu.enqueue_indirect_dma source(%dma_start3A_79 : memref<100000x128xf32, #tpu.memory_space<hbm>>) target(%dma_start3A_75 : memref<80x128xf32, #tpu.memory_space<vmem>>) offsets(%dma_start3A_76 : memref<80xi32, #tpu.memory_space<vmem>>) semaphore(%arg20 : memref<!tpu.dma_semaphore, #tpu.memory_space<semaphore_mem>>)
      %dma_wait3A_80 = arith.constant 0 : i32
      %dma_wait3A_81 = arith.constant 0 : i32
      %dma_wait3A_82 = tpu.memref_slice %arg4[%dma_wait3A_80, %dma_wait3A_81] : memref<100000x128xf32, #tpu.memory_space<hbm>> -> memref<160x128xf32, #tpu.memory_space<hbm>>
      %dma_wait3A_83 = arith.constant 0 : i32
      %dma_wait3A_84 = arith.constant 0 : i32
      %dma_wait3A_85 = tpu.memref_slice %arg4[%dma_wait3A_83, %dma_wait3A_84] : memref<100000x128xf32, #tpu.memory_space<hbm>> -> memref<160x128xf32, #tpu.memory_space<hbm>>
      tpu.wait_dma2 semaphore(%arg18 : memref<!tpu.dma_semaphore, #tpu.memory_space<semaphore_mem>>) src(%dma_wait3A_85 : memref<160x128xf32, #tpu.memory_space<hbm>>) dst(%arg11 : memref<160x128xf32, #tpu.memory_space<vmem>>)
      %mul3A_86 = arith.constant 16640 : i32
      %mul3A_87 = arith.muli %add3A, %mul3A_86 : i32
      %mul3A_88 = arith.constant 160 : i32
      %mul3A_89 = arith.muli %scan3A_53, %mul3A_88 : i32
      %add3A_90 = arith.addi %mul3A_87, %mul3A_89 : i32
      %multiple_of3A_91 = tpu.assume_multiple %add3A_90, 160 : i32
      %dma_start3A_92 = arith.constant 0 : i32
      %dma_start3A_93 = tpu.memref_slice %arg8[%multiple_of3A_91, %dma_start3A_92] : memref<532480x128xf32, #tpu.memory_space<hbm>> -> memref<160x128xf32, #tpu.memory_space<hbm>>
      %dma_start3A_94 = arith.constant 0 : i32
      %dma_start3A_95 = tpu.memref_slice %arg8[%multiple_of3A_91, %dma_start3A_94] : memref<532480x128xf32, #tpu.memory_space<hbm>> -> memref<160x128xf32, #tpu.memory_space<hbm>>
      tpu.enqueue_dma source(%arg11 : memref<160x128xf32, #tpu.memory_space<vmem>>) target(%dma_start3A_95 : memref<160x128xf32, #tpu.memory_space<hbm>>) target_semaphore(%arg22 : memref<!tpu.dma_semaphore, #tpu.memory_space<semaphore_mem>>)
      %ge3A_96 = arith.constant 1 : i32
      %ge3A_97 = arith.cmpi sge, %scan3A_53, %ge3A_96 : i32
      %convert_element_type3A_98 = arith.extui %ge3A_97 : i1 to i32
      %cond3A_99 = arith.constant 0 : i32
      %cond3A_100 = arith.cmpi ne, %convert_element_type3A_98, %cond3A_99 : i32
      scf.if %cond3A_100 {
        %dma_wait3A_283 = arith.constant 0 : i32
        %dma_wait3A_284 = arith.constant 0 : i32
        %dma_wait3A_285 = tpu.memref_slice %arg9[%dma_wait3A_283, %dma_wait3A_284] : memref<1024x3328xf32, #tpu.memory_space<hbm>> -> memref<8x128xf32, #tpu.memory_space<hbm>>
        %dma_wait3A_286 = arith.constant 0 : i32
        %dma_wait3A_287 = arith.constant 0 : i32
        %dma_wait3A_288 = tpu.memref_slice %arg9[%dma_wait3A_286, %dma_wait3A_287] : memref<1024x3328xf32, #tpu.memory_space<hbm>> -> memref<8x128xf32, #tpu.memory_space<hbm>>
        tpu.wait_dma2 semaphore(%arg25 : memref<!tpu.dma_semaphore, #tpu.memory_space<semaphore_mem>>) src(%arg17 : memref<8x128xf32, #tpu.memory_space<vmem>>) dst(%dma_wait3A_288 : memref<8x128xf32, #tpu.memory_space<hbm>>)
      } else {
      }
      %mul3A_101 = arith.constant 160 : i32
      %mul3A_102 = arith.muli %scan3A_53, %mul3A_101 : i32
      %add3A_103 = arith.constant 0 : i32
      %add3A_104 = arith.addi %mul3A_102, %add3A_103 : i32
      %multiple_of3A_105 = tpu.assume_multiple %add3A_104, 8 : i32
      %dma_start3A_106 = arith.constant 0 : i32
      %dma_start3A_107 = arith.constant 0 : i32
      %dma_start3A_108 = tpu.memref_slice %arg14[%dma_start3A_106, %dma_start3A_107] : memref<160x128xf32, #tpu.memory_space<vmem>> -> memref<80x128xf32, #tpu.memory_space<vmem>>
      %dma_start3A_109 = tpu.memref_slice %arg15[%multiple_of3A_105] : memref<16640xi32, #tpu.memory_space<vmem>> -> memref<80xi32, #tpu.memory_space<vmem>>
      %dma_start3A_110 = arith.constant 0 : i32
      %dma_start3A_111 = arith.constant 0 : i32
      %dma_start3A_112 = tpu.memref_slice %arg5[%dma_start3A_110, %dma_start3A_111] : memref<100000x128xf32, #tpu.memory_space<hbm>> -> memref<100000x128xf32, #tpu.memory_space<hbm>>
      tpu.enqueue_indirect_dma source(%dma_start3A_112 : memref<100000x128xf32, #tpu.memory_space<hbm>>) target(%dma_start3A_108 : memref<80x128xf32, #tpu.memory_space<vmem>>) offsets(%dma_start3A_109 : memref<80xi32, #tpu.memory_space<vmem>>) semaphore(%arg21 : memref<!tpu.dma_semaphore, #tpu.memory_space<semaphore_mem>>)
      %mul3A_113 = arith.constant 160 : i32
      %mul3A_114 = arith.muli %scan3A_53, %mul3A_113 : i32
      %add3A_115 = arith.constant 80 : i32
      %add3A_116 = arith.addi %mul3A_114, %add3A_115 : i32
      %multiple_of3A_117 = tpu.assume_multiple %add3A_116, 8 : i32
      %dma_start3A_118 = arith.constant 80 : i32
      %dma_start3A_119 = arith.constant 0 : i32
      %dma_start3A_120 = tpu.memref_slice %arg14[%dma_start3A_118, %dma_start3A_119] : memref<160x128xf32, #tpu.memory_space<vmem>> -> memref<80x128xf32, #tpu.memory_space<vmem>>
      %dma_start3A_121 = tpu.memref_slice %arg15[%multiple_of3A_117] : memref<16640xi32, #tpu.memory_space<vmem>> -> memref<80xi32, #tpu.memory_space<vmem>>
      %dma_start3A_122 = arith.constant 0 : i32
      %dma_start3A_123 = arith.constant 0 : i32
      %dma_start3A_124 = tpu.memref_slice %arg5[%dma_start3A_122, %dma_start3A_123] : memref<100000x128xf32, #tpu.memory_space<hbm>> -> memref<100000x128xf32, #tpu.memory_space<hbm>>
      tpu.enqueue_indirect_dma source(%dma_start3A_124 : memref<100000x128xf32, #tpu.memory_space<hbm>>) target(%dma_start3A_120 : memref<80x128xf32, #tpu.memory_space<vmem>>) offsets(%dma_start3A_121 : memref<80xi32, #tpu.memory_space<vmem>>) semaphore(%arg21 : memref<!tpu.dma_semaphore, #tpu.memory_space<semaphore_mem>>)
      %dma_wait3A_125 = arith.constant 0 : i32
      %dma_wait3A_126 = arith.constant 0 : i32
      %dma_wait3A_127 = tpu.memref_slice %arg3[%dma_wait3A_125, %dma_wait3A_126] : memref<100000x128xf32, #tpu.memory_space<hbm>> -> memref<160x128xf32, #tpu.memory_space<hbm>>
      %dma_wait3A_128 = arith.constant 0 : i32
      %dma_wait3A_129 = arith.constant 0 : i32
      %dma_wait3A_130 = tpu.memref_slice %arg3[%dma_wait3A_128, %dma_wait3A_129] : memref<100000x128xf32, #tpu.memory_space<hbm>> -> memref<160x128xf32, #tpu.memory_space<hbm>>
      tpu.wait_dma2 semaphore(%arg19 : memref<!tpu.dma_semaphore, #tpu.memory_space<semaphore_mem>>) src(%dma_wait3A_130 : memref<160x128xf32, #tpu.memory_space<hbm>>) dst(%arg12 : memref<160x128xf32, #tpu.memory_space<vmem>>)
      %scan3A_131 = arith.constant 0 : i32
      %scan3A_132 = arith.constant 0 : i32
      %scan3A_133 = arith.constant 8 : i32
      %scan3A_134 = arith.addi %scan3A_132, %scan3A_133 : i32
      %scan3A_135 = arith.constant 1 : i32
      scf.for %scan3A_283 = %scan3A_132 to %scan3A_134 step %scan3A_135  : i32 {
        %mul3A_284 = arith.constant 20 : i32
        %mul3A_285 = arith.muli %scan3A_283, %mul3A_284 : i32
        %get3A = arith.index_cast %mul3A_285 : i32 to index
        %get3A_286 = arith.constant 0 : index
        %get3A_287 = tpu.vector_load %arg12[%get3A, %get3A_286] {strides = array<i32>} : memref<160x128xf32, #tpu.memory_space<vmem>>, vector<1x16xf32>,
        %get3A_288 = vector.shape_cast %get3A_287 : vector<1x16xf32> to vector<16xf32>
        %add3A_289 = arith.constant 1 : i32
        %add3A_290 = arith.addi %mul3A_285, %add3A_289 : i32
        %get3A_291 = arith.index_cast %add3A_290 : i32 to index
        %get3A_292 = arith.constant 0 : index
        %get3A_293 = tpu.vector_load %arg12[%get3A_291, %get3A_292] {strides = array<i32>} : memref<160x128xf32, #tpu.memory_space<vmem>>, vector<1x16xf32>,
        %get3A_294 = vector.shape_cast %get3A_293 : vector<1x16xf32> to vector<16xf32>
        %add3A_295 = arith.addf %get3A_288, %get3A_294 : vector<16xf32>
        %add3A_296 = arith.constant 2 : i32
        %add3A_297 = arith.addi %mul3A_285, %add3A_296 : i32
        %get3A_298 = arith.index_cast %add3A_297 : i32 to index
        %get3A_299 = arith.constant 0 : index
        %get3A_300 = tpu.vector_load %arg12[%get3A_298, %get3A_299] {strides = array<i32>} : memref<160x128xf32, #tpu.memory_space<vmem>>, vector<1x16xf32>,
        %get3A_301 = vector.shape_cast %get3A_300 : vector<1x16xf32> to vector<16xf32>
        %add3A_302 = arith.addf %add3A_295, %get3A_301 : vector<16xf32>
        %add3A_303 = arith.constant 3 : i32
        %add3A_304 = arith.addi %mul3A_285, %add3A_303 : i32
        %get3A_305 = arith.index_cast %add3A_304 : i32 to index
        %get3A_306 = arith.constant 0 : index
        %get3A_307 = tpu.vector_load %arg12[%get3A_305, %get3A_306] {strides = array<i32>} : memref<160x128xf32, #tpu.memory_space<vmem>>, vector<1x16xf32>,
        %get3A_308 = vector.shape_cast %get3A_307 : vector<1x16xf32> to vector<16xf32>
        %add3A_309 = arith.addf %add3A_302, %get3A_308 : vector<16xf32>
        %add3A_310 = arith.constant 4 : i32
        %add3A_311 = arith.addi %mul3A_285, %add3A_310 : i32
        %get3A_312 = arith.index_cast %add3A_311 : i32 to index
        %get3A_313 = arith.constant 0 : index
        %get3A_314 = tpu.vector_load %arg12[%get3A_312, %get3A_313] {strides = array<i32>} : memref<160x128xf32, #tpu.memory_space<vmem>>, vector<1x16xf32>,
        %get3A_315 = vector.shape_cast %get3A_314 : vector<1x16xf32> to vector<16xf32>
        %add3A_316 = arith.addf %add3A_309, %get3A_315 : vector<16xf32>
        %add3A_317 = arith.constant 5 : i32
        %add3A_318 = arith.addi %mul3A_285, %add3A_317 : i32
        %get3A_319 = arith.index_cast %add3A_318 : i32 to index
        %get3A_320 = arith.constant 0 : index
        %get3A_321 = tpu.vector_load %arg12[%get3A_319, %get3A_320] {strides = array<i32>} : memref<160x128xf32, #tpu.memory_space<vmem>>, vector<1x16xf32>,
        %get3A_322 = vector.shape_cast %get3A_321 : vector<1x16xf32> to vector<16xf32>
        %add3A_323 = arith.addf %add3A_316, %get3A_322 : vector<16xf32>
        %add3A_324 = arith.constant 6 : i32
        %add3A_325 = arith.addi %mul3A_285, %add3A_324 : i32
        %get3A_326 = arith.index_cast %add3A_325 : i32 to index
        %get3A_327 = arith.constant 0 : index
        %get3A_328 = tpu.vector_load %arg12[%get3A_326, %get3A_327] {strides = array<i32>} : memref<160x128xf32, #tpu.memory_space<vmem>>, vector<1x16xf32>,
        %get3A_329 = vector.shape_cast %get3A_328 : vector<1x16xf32> to vector<16xf32>
        %add3A_330 = arith.addf %add3A_323, %get3A_329 : vector<16xf32>
        %add3A_331 = arith.constant 7 : i32
        %add3A_332 = arith.addi %mul3A_285, %add3A_331 : i32
        %get3A_333 = arith.index_cast %add3A_332 : i32 to index
        %get3A_334 = arith.constant 0 : index
        %get3A_335 = tpu.vector_load %arg12[%get3A_333, %get3A_334] {strides = array<i32>} : memref<160x128xf32, #tpu.memory_space<vmem>>, vector<1x16xf32>,
        %get3A_336 = vector.shape_cast %get3A_335 : vector<1x16xf32> to vector<16xf32>
        %add3A_337 = arith.addf %add3A_330, %get3A_336 : vector<16xf32>
        %add3A_338 = arith.constant 8 : i32
        %add3A_339 = arith.addi %mul3A_285, %add3A_338 : i32
        %get3A_340 = arith.index_cast %add3A_339 : i32 to index
        %get3A_341 = arith.constant 0 : index
        %get3A_342 = tpu.vector_load %arg12[%get3A_340, %get3A_341] {strides = array<i32>} : memref<160x128xf32, #tpu.memory_space<vmem>>, vector<1x16xf32>,
        %get3A_343 = vector.shape_cast %get3A_342 : vector<1x16xf32> to vector<16xf32>
        %add3A_344 = arith.addf %add3A_337, %get3A_343 : vector<16xf32>
        %add3A_345 = arith.constant 9 : i32
        %add3A_346 = arith.addi %mul3A_285, %add3A_345 : i32
        %get3A_347 = arith.index_cast %add3A_346 : i32 to index
        %get3A_348 = arith.constant 0 : index
        %get3A_349 = tpu.vector_load %arg12[%get3A_347, %get3A_348] {strides = array<i32>} : memref<160x128xf32, #tpu.memory_space<vmem>>, vector<1x16xf32>,
        %get3A_350 = vector.shape_cast %get3A_349 : vector<1x16xf32> to vector<16xf32>
        %add3A_351 = arith.addf %add3A_344, %get3A_350 : vector<16xf32>
        %add3A_352 = arith.constant 10 : i32
        %add3A_353 = arith.addi %mul3A_285, %add3A_352 : i32
        %get3A_354 = arith.index_cast %add3A_353 : i32 to index
        %get3A_355 = arith.constant 0 : index
        %get3A_356 = tpu.vector_load %arg12[%get3A_354, %get3A_355] {strides = array<i32>} : memref<160x128xf32, #tpu.memory_space<vmem>>, vector<1x16xf32>,
        %get3A_357 = vector.shape_cast %get3A_356 : vector<1x16xf32> to vector<16xf32>
        %add3A_358 = arith.addf %add3A_351, %get3A_357 : vector<16xf32>
        %add3A_359 = arith.constant 11 : i32
        %add3A_360 = arith.addi %mul3A_285, %add3A_359 : i32
        %get3A_361 = arith.index_cast %add3A_360 : i32 to index
        %get3A_362 = arith.constant 0 : index
        %get3A_363 = tpu.vector_load %arg12[%get3A_361, %get3A_362] {strides = array<i32>} : memref<160x128xf32, #tpu.memory_space<vmem>>, vector<1x16xf32>,
        %get3A_364 = vector.shape_cast %get3A_363 : vector<1x16xf32> to vector<16xf32>
        %add3A_365 = arith.addf %add3A_358, %get3A_364 : vector<16xf32>
        %add3A_366 = arith.constant 12 : i32
        %add3A_367 = arith.addi %mul3A_285, %add3A_366 : i32
        %get3A_368 = arith.index_cast %add3A_367 : i32 to index
        %get3A_369 = arith.constant 0 : index
        %get3A_370 = tpu.vector_load %arg12[%get3A_368, %get3A_369] {strides = array<i32>} : memref<160x128xf32, #tpu.memory_space<vmem>>, vector<1x16xf32>,
        %get3A_371 = vector.shape_cast %get3A_370 : vector<1x16xf32> to vector<16xf32>
        %add3A_372 = arith.addf %add3A_365, %get3A_371 : vector<16xf32>
        %add3A_373 = arith.constant 13 : i32
        %add3A_374 = arith.addi %mul3A_285, %add3A_373 : i32
        %get3A_375 = arith.index_cast %add3A_374 : i32 to index
        %get3A_376 = arith.constant 0 : index
        %get3A_377 = tpu.vector_load %arg12[%get3A_375, %get3A_376] {strides = array<i32>} : memref<160x128xf32, #tpu.memory_space<vmem>>, vector<1x16xf32>,
        %get3A_378 = vector.shape_cast %get3A_377 : vector<1x16xf32> to vector<16xf32>
        %add3A_379 = arith.addf %add3A_372, %get3A_378 : vector<16xf32>
        %add3A_380 = arith.constant 14 : i32
        %add3A_381 = arith.addi %mul3A_285, %add3A_380 : i32
        %get3A_382 = arith.index_cast %add3A_381 : i32 to index
        %get3A_383 = arith.constant 0 : index
        %get3A_384 = tpu.vector_load %arg12[%get3A_382, %get3A_383] {strides = array<i32>} : memref<160x128xf32, #tpu.memory_space<vmem>>, vector<1x16xf32>,
        %get3A_385 = vector.shape_cast %get3A_384 : vector<1x16xf32> to vector<16xf32>
        %add3A_386 = arith.addf %add3A_379, %get3A_385 : vector<16xf32>
        %add3A_387 = arith.constant 15 : i32
        %add3A_388 = arith.addi %mul3A_285, %add3A_387 : i32
        %get3A_389 = arith.index_cast %add3A_388 : i32 to index
        %get3A_390 = arith.constant 0 : index
        %get3A_391 = tpu.vector_load %arg12[%get3A_389, %get3A_390] {strides = array<i32>} : memref<160x128xf32, #tpu.memory_space<vmem>>, vector<1x16xf32>,
        %get3A_392 = vector.shape_cast %get3A_391 : vector<1x16xf32> to vector<16xf32>
        %add3A_393 = arith.addf %add3A_386, %get3A_392 : vector<16xf32>
        %add3A_394 = arith.constant 16 : i32
        %add3A_395 = arith.addi %mul3A_285, %add3A_394 : i32
        %get3A_396 = arith.index_cast %add3A_395 : i32 to index
        %get3A_397 = arith.constant 0 : index
        %get3A_398 = tpu.vector_load %arg12[%get3A_396, %get3A_397] {strides = array<i32>} : memref<160x128xf32, #tpu.memory_space<vmem>>, vector<1x16xf32>,
        %get3A_399 = vector.shape_cast %get3A_398 : vector<1x16xf32> to vector<16xf32>
        %add3A_400 = arith.addf %add3A_393, %get3A_399 : vector<16xf32>
        %add3A_401 = arith.constant 17 : i32
        %add3A_402 = arith.addi %mul3A_285, %add3A_401 : i32
        %get3A_403 = arith.index_cast %add3A_402 : i32 to index
        %get3A_404 = arith.constant 0 : index
        %get3A_405 = tpu.vector_load %arg12[%get3A_403, %get3A_404] {strides = array<i32>} : memref<160x128xf32, #tpu.memory_space<vmem>>, vector<1x16xf32>,
        %get3A_406 = vector.shape_cast %get3A_405 : vector<1x16xf32> to vector<16xf32>
        %add3A_407 = arith.addf %add3A_400, %get3A_406 : vector<16xf32>
        %add3A_408 = arith.constant 18 : i32
        %add3A_409 = arith.addi %mul3A_285, %add3A_408 : i32
        %get3A_410 = arith.index_cast %add3A_409 : i32 to index
        %get3A_411 = arith.constant 0 : index
        %get3A_412 = tpu.vector_load %arg12[%get3A_410, %get3A_411] {strides = array<i32>} : memref<160x128xf32, #tpu.memory_space<vmem>>, vector<1x16xf32>,
        %get3A_413 = vector.shape_cast %get3A_412 : vector<1x16xf32> to vector<16xf32>
        %add3A_414 = arith.addf %add3A_407, %get3A_413 : vector<16xf32>
        %add3A_415 = arith.constant 19 : i32
        %add3A_416 = arith.addi %mul3A_285, %add3A_415 : i32
        %get3A_417 = arith.index_cast %add3A_416 : i32 to index
        %get3A_418 = arith.constant 0 : index
        %get3A_419 = tpu.vector_load %arg12[%get3A_417, %get3A_418] {strides = array<i32>} : memref<160x128xf32, #tpu.memory_space<vmem>>, vector<1x16xf32>,
        %get3A_420 = vector.shape_cast %get3A_419 : vector<1x16xf32> to vector<16xf32>
        %add3A_421 = arith.addf %add3A_414, %get3A_420 : vector<16xf32>
        %swap3A = arith.index_cast %scan3A_283 : i32 to index
        %swap3A_422 = arith.constant 0 : index
        %swap3A_423 = tpu.vector_load %arg16[%swap3A, %swap3A_422] {strides = array<i32>} : memref<8x128xf32, #tpu.memory_space<vmem>>, vector<1x16xf32>,
        %swap3A_424 = vector.shape_cast %swap3A_423 : vector<1x16xf32> to vector<16xf32>
        %swap3A_425 = vector.shape_cast %add3A_421 : vector<16xf32> to vector<1x16xf32>
        tpu.vector_store %arg16[%swap3A, %swap3A_422], %swap3A_425 {strides = array<i32>} : memref<8x128xf32, #tpu.memory_space<vmem>>, vector<1x16xf32>,
        %get3A_426 = arith.index_cast %mul3A_285 : i32 to index
        %get3A_427 = arith.constant 16 : index
        %get3A_428 = tpu.vector_load %arg12[%get3A_426, %get3A_427] {strides = array<i32>} : memref<160x128xf32, #tpu.memory_space<vmem>>, vector<1x16xf32>,
        %get3A_429 = vector.shape_cast %get3A_428 : vector<1x16xf32> to vector<16xf32>
        %add3A_430 = arith.constant 1 : i32
        %add3A_431 = arith.addi %mul3A_285, %add3A_430 : i32
        %get3A_432 = arith.index_cast %add3A_431 : i32 to index
        %get3A_433 = arith.constant 16 : index
        %get3A_434 = tpu.vector_load %arg12[%get3A_432, %get3A_433] {strides = array<i32>} : memref<160x128xf32, #tpu.memory_space<vmem>>, vector<1x16xf32>,
        %get3A_435 = vector.shape_cast %get3A_434 : vector<1x16xf32> to vector<16xf32>
        %add3A_436 = arith.addf %get3A_429, %get3A_435 : vector<16xf32>
        %add3A_437 = arith.constant 2 : i32
        %add3A_438 = arith.addi %mul3A_285, %add3A_437 : i32
        %get3A_439 = arith.index_cast %add3A_438 : i32 to index
        %get3A_440 = arith.constant 16 : index
        %get3A_441 = tpu.vector_load %arg12[%get3A_439, %get3A_440] {strides = array<i32>} : memref<160x128xf32, #tpu.memory_space<vmem>>, vector<1x16xf32>,
        %get3A_442 = vector.shape_cast %get3A_441 : vector<1x16xf32> to vector<16xf32>
        %add3A_443 = arith.addf %add3A_436, %get3A_442 : vector<16xf32>
        %add3A_444 = arith.constant 3 : i32
        %add3A_445 = arith.addi %mul3A_285, %add3A_444 : i32
        %get3A_446 = arith.index_cast %add3A_445 : i32 to index
        %get3A_447 = arith.constant 16 : index
        %get3A_448 = tpu.vector_load %arg12[%get3A_446, %get3A_447] {strides = array<i32>} : memref<160x128xf32, #tpu.memory_space<vmem>>, vector<1x16xf32>,
        %get3A_449 = vector.shape_cast %get3A_448 : vector<1x16xf32> to vector<16xf32>
        %add3A_450 = arith.addf %add3A_443, %get3A_449 : vector<16xf32>
        %add3A_451 = arith.constant 4 : i32
        %add3A_452 = arith.addi %mul3A_285, %add3A_451 : i32
        %get3A_453 = arith.index_cast %add3A_452 : i32 to index
        %get3A_454 = arith.constant 16 : index
        %get3A_455 = tpu.vector_load %arg12[%get3A_453, %get3A_454] {strides = array<i32>} : memref<160x128xf32, #tpu.memory_space<vmem>>, vector<1x16xf32>,
        %get3A_456 = vector.shape_cast %get3A_455 : vector<1x16xf32> to vector<16xf32>
        %add3A_457 = arith.addf %add3A_450, %get3A_456 : vector<16xf32>
        %add3A_458 = arith.constant 5 : i32
        %add3A_459 = arith.addi %mul3A_285, %add3A_458 : i32
        %get3A_460 = arith.index_cast %add3A_459 : i32 to index
        %get3A_461 = arith.constant 16 : index
        %get3A_462 = tpu.vector_load %arg12[%get3A_460, %get3A_461] {strides = array<i32>} : memref<160x128xf32, #tpu.memory_space<vmem>>, vector<1x16xf32>,
        %get3A_463 = vector.shape_cast %get3A_462 : vector<1x16xf32> to vector<16xf32>
        %add3A_464 = arith.addf %add3A_457, %get3A_463 : vector<16xf32>
        %add3A_465 = arith.constant 6 : i32
        %add3A_466 = arith.addi %mul3A_285, %add3A_465 : i32
        %get3A_467 = arith.index_cast %add3A_466 : i32 to index
        %get3A_468 = arith.constant 16 : index
        %get3A_469 = tpu.vector_load %arg12[%get3A_467, %get3A_468] {strides = array<i32>} : memref<160x128xf32, #tpu.memory_space<vmem>>, vector<1x16xf32>,
        %get3A_470 = vector.shape_cast %get3A_469 : vector<1x16xf32> to vector<16xf32>
        %add3A_471 = arith.addf %add3A_464, %get3A_470 : vector<16xf32>
        %add3A_472 = arith.constant 7 : i32
        %add3A_473 = arith.addi %mul3A_285, %add3A_472 : i32
        %get3A_474 = arith.index_cast %add3A_473 : i32 to index
        %get3A_475 = arith.constant 16 : index
        %get3A_476 = tpu.vector_load %arg12[%get3A_474, %get3A_475] {strides = array<i32>} : memref<160x128xf32, #tpu.memory_space<vmem>>, vector<1x16xf32>,
        %get3A_477 = vector.shape_cast %get3A_476 : vector<1x16xf32> to vector<16xf32>
        %add3A_478 = arith.addf %add3A_471, %get3A_477 : vector<16xf32>
        %add3A_479 = arith.constant 8 : i32
        %add3A_480 = arith.addi %mul3A_285, %add3A_479 : i32
        %get3A_481 = arith.index_cast %add3A_480 : i32 to index
        %get3A_482 = arith.constant 16 : index
        %get3A_483 = tpu.vector_load %arg12[%get3A_481, %get3A_482] {strides = array<i32>} : memref<160x128xf32, #tpu.memory_space<vmem>>, vector<1x16xf32>,
        %get3A_484 = vector.shape_cast %get3A_483 : vector<1x16xf32> to vector<16xf32>
        %add3A_485 = arith.addf %add3A_478, %get3A_484 : vector<16xf32>
        %add3A_486 = arith.constant 9 : i32
        %add3A_487 = arith.addi %mul3A_285, %add3A_486 : i32
        %get3A_488 = arith.index_cast %add3A_487 : i32 to index
        %get3A_489 = arith.constant 16 : index
        %get3A_490 = tpu.vector_load %arg12[%get3A_488, %get3A_489] {strides = array<i32>} : memref<160x128xf32, #tpu.memory_space<vmem>>, vector<1x16xf32>,
        %get3A_491 = vector.shape_cast %get3A_490 : vector<1x16xf32> to vector<16xf32>
        %add3A_492 = arith.addf %add3A_485, %get3A_491 : vector<16xf32>
        %add3A_493 = arith.constant 10 : i32
        %add3A_494 = arith.addi %mul3A_285, %add3A_493 : i32
        %get3A_495 = arith.index_cast %add3A_494 : i32 to index
        %get3A_496 = arith.constant 16 : index
        %get3A_497 = tpu.vector_load %arg12[%get3A_495, %get3A_496] {strides = array<i32>} : memref<160x128xf32, #tpu.memory_space<vmem>>, vector<1x16xf32>,
        %get3A_498 = vector.shape_cast %get3A_497 : vector<1x16xf32> to vector<16xf32>
        %add3A_499 = arith.addf %add3A_492, %get3A_498 : vector<16xf32>
        %add3A_500 = arith.constant 11 : i32
        %add3A_501 = arith.addi %mul3A_285, %add3A_500 : i32
        %get3A_502 = arith.index_cast %add3A_501 : i32 to index
        %get3A_503 = arith.constant 16 : index
        %get3A_504 = tpu.vector_load %arg12[%get3A_502, %get3A_503] {strides = array<i32>} : memref<160x128xf32, #tpu.memory_space<vmem>>, vector<1x16xf32>,
        %get3A_505 = vector.shape_cast %get3A_504 : vector<1x16xf32> to vector<16xf32>
        %add3A_506 = arith.addf %add3A_499, %get3A_505 : vector<16xf32>
        %add3A_507 = arith.constant 12 : i32
        %add3A_508 = arith.addi %mul3A_285, %add3A_507 : i32
        %get3A_509 = arith.index_cast %add3A_508 : i32 to index
        %get3A_510 = arith.constant 16 : index
        %get3A_511 = tpu.vector_load %arg12[%get3A_509, %get3A_510] {strides = array<i32>} : memref<160x128xf32, #tpu.memory_space<vmem>>, vector<1x16xf32>,
        %get3A_512 = vector.shape_cast %get3A_511 : vector<1x16xf32> to vector<16xf32>
        %add3A_513 = arith.addf %add3A_506, %get3A_512 : vector<16xf32>
        %add3A_514 = arith.constant 13 : i32
        %add3A_515 = arith.addi %mul3A_285, %add3A_514 : i32
        %get3A_516 = arith.index_cast %add3A_515 : i32 to index
        %get3A_517 = arith.constant 16 : index
        %get3A_518 = tpu.vector_load %arg12[%get3A_516, %get3A_517] {strides = array<i32>} : memref<160x128xf32, #tpu.memory_space<vmem>>, vector<1x16xf32>,
        %get3A_519 = vector.shape_cast %get3A_518 : vector<1x16xf32> to vector<16xf32>
        %add3A_520 = arith.addf %add3A_513, %get3A_519 : vector<16xf32>
        %add3A_521 = arith.constant 14 : i32
        %add3A_522 = arith.addi %mul3A_285, %add3A_521 : i32
        %get3A_523 = arith.index_cast %add3A_522 : i32 to index
        %get3A_524 = arith.constant 16 : index
        %get3A_525 = tpu.vector_load %arg12[%get3A_523, %get3A_524] {strides = array<i32>} : memref<160x128xf32, #tpu.memory_space<vmem>>, vector<1x16xf32>,
        %get3A_526 = vector.shape_cast %get3A_525 : vector<1x16xf32> to vector<16xf32>
        %add3A_527 = arith.addf %add3A_520, %get3A_526 : vector<16xf32>
        %add3A_528 = arith.constant 15 : i32
        %add3A_529 = arith.addi %mul3A_285, %add3A_528 : i32
        %get3A_530 = arith.index_cast %add3A_529 : i32 to index
        %get3A_531 = arith.constant 16 : index
        %get3A_532 = tpu.vector_load %arg12[%get3A_530, %get3A_531] {strides = array<i32>} : memref<160x128xf32, #tpu.memory_space<vmem>>, vector<1x16xf32>,
        %get3A_533 = vector.shape_cast %get3A_532 : vector<1x16xf32> to vector<16xf32>
        %add3A_534 = arith.addf %add3A_527, %get3A_533 : vector<16xf32>
        %add3A_535 = arith.constant 16 : i32
        %add3A_536 = arith.addi %mul3A_285, %add3A_535 : i32
        %get3A_537 = arith.index_cast %add3A_536 : i32 to index
        %get3A_538 = arith.constant 16 : index
        %get3A_539 = tpu.vector_load %arg12[%get3A_537, %get3A_538] {strides = array<i32>} : memref<160x128xf32, #tpu.memory_space<vmem>>, vector<1x16xf32>,
        %get3A_540 = vector.shape_cast %get3A_539 : vector<1x16xf32> to vector<16xf32>
        %add3A_541 = arith.addf %add3A_534, %get3A_540 : vector<16xf32>
        %add3A_542 = arith.constant 17 : i32
        %add3A_543 = arith.addi %mul3A_285, %add3A_542 : i32
        %get3A_544 = arith.index_cast %add3A_543 : i32 to index
        %get3A_545 = arith.constant 16 : index
        %get3A_546 = tpu.vector_load %arg12[%get3A_544, %get3A_545] {strides = array<i32>} : memref<160x128xf32, #tpu.memory_space<vmem>>, vector<1x16xf32>,
        %get3A_547 = vector.shape_cast %get3A_546 : vector<1x16xf32> to vector<16xf32>
        %add3A_548 = arith.addf %add3A_541, %get3A_547 : vector<16xf32>
        %add3A_549 = arith.constant 18 : i32
        %add3A_550 = arith.addi %mul3A_285, %add3A_549 : i32
        %get3A_551 = arith.index_cast %add3A_550 : i32 to index
        %get3A_552 = arith.constant 16 : index
        %get3A_553 = tpu.vector_load %arg12[%get3A_551, %get3A_552] {strides = array<i32>} : memref<160x128xf32, #tpu.memory_space<vmem>>, vector<1x16xf32>,
        %get3A_554 = vector.shape_cast %get3A_553 : vector<1x16xf32> to vector<16xf32>
        %add3A_555 = arith.addf %add3A_548, %get3A_554 : vector<16xf32>
        %add3A_556 = arith.constant 19 : i32
        %add3A_557 = arith.addi %mul3A_285, %add3A_556 : i32
        %get3A_558 = arith.index_cast %add3A_557 : i32 to index
        %get3A_559 = arith.constant 16 : index
        %get3A_560 = tpu.vector_load %arg12[%get3A_558, %get3A_559] {strides = array<i32>} : memref<160x128xf32, #tpu.memory_space<vmem>>, vector<1x16xf32>,
        %get3A_561 = vector.shape_cast %get3A_560 : vector<1x16xf32> to vector<16xf32>
        %add3A_562 = arith.addf %add3A_555, %get3A_561 : vector<16xf32>
        %swap3A_563 = arith.index_cast %scan3A_283 : i32 to index
        %swap3A_564 = arith.constant 16 : index
        %swap3A_565 = tpu.vector_load %arg16[%swap3A_563, %swap3A_564] {strides = array<i32>} : memref<8x128xf32, #tpu.memory_space<vmem>>, vector<1x16xf32>,
        %swap3A_566 = vector.shape_cast %swap3A_565 : vector<1x16xf32> to vector<16xf32>
        %swap3A_567 = vector.shape_cast %add3A_562 : vector<16xf32> to vector<1x16xf32>
        tpu.vector_store %arg16[%swap3A_563, %swap3A_564], %swap3A_567 {strides = array<i32>} : memref<8x128xf32, #tpu.memory_space<vmem>>, vector<1x16xf32>,
        %get3A_568 = arith.index_cast %mul3A_285 : i32 to index
        %get3A_569 = arith.constant 32 : index
        %get3A_570 = tpu.vector_load %arg12[%get3A_568, %get3A_569] {strides = array<i32>} : memref<160x128xf32, #tpu.memory_space<vmem>>, vector<1x16xf32>,
        %get3A_571 = vector.shape_cast %get3A_570 : vector<1x16xf32> to vector<16xf32>
        %add3A_572 = arith.constant 1 : i32
        %add3A_573 = arith.addi %mul3A_285, %add3A_572 : i32
        %get3A_574 = arith.index_cast %add3A_573 : i32 to index
        %get3A_575 = arith.constant 32 : index
        %get3A_576 = tpu.vector_load %arg12[%get3A_574, %get3A_575] {strides = array<i32>} : memref<160x128xf32, #tpu.memory_space<vmem>>, vector<1x16xf32>,
        %get3A_577 = vector.shape_cast %get3A_576 : vector<1x16xf32> to vector<16xf32>
        %add3A_578 = arith.addf %get3A_571, %get3A_577 : vector<16xf32>
        %add3A_579 = arith.constant 2 : i32
        %add3A_580 = arith.addi %mul3A_285, %add3A_579 : i32
        %get3A_581 = arith.index_cast %add3A_580 : i32 to index
        %get3A_582 = arith.constant 32 : index
        %get3A_583 = tpu.vector_load %arg12[%get3A_581, %get3A_582] {strides = array<i32>} : memref<160x128xf32, #tpu.memory_space<vmem>>, vector<1x16xf32>,
        %get3A_584 = vector.shape_cast %get3A_583 : vector<1x16xf32> to vector<16xf32>
        %add3A_585 = arith.addf %add3A_578, %get3A_584 : vector<16xf32>
        %add3A_586 = arith.constant 3 : i32
        %add3A_587 = arith.addi %mul3A_285, %add3A_586 : i32
        %get3A_588 = arith.index_cast %add3A_587 : i32 to index
        %get3A_589 = arith.constant 32 : index
        %get3A_590 = tpu.vector_load %arg12[%get3A_588, %get3A_589] {strides = array<i32>} : memref<160x128xf32, #tpu.memory_space<vmem>>, vector<1x16xf32>,
        %get3A_591 = vector.shape_cast %get3A_590 : vector<1x16xf32> to vector<16xf32>
        %add3A_592 = arith.addf %add3A_585, %get3A_591 : vector<16xf32>
        %add3A_593 = arith.constant 4 : i32
        %add3A_594 = arith.addi %mul3A_285, %add3A_593 : i32
        %get3A_595 = arith.index_cast %add3A_594 : i32 to index
        %get3A_596 = arith.constant 32 : index
        %get3A_597 = tpu.vector_load %arg12[%get3A_595, %get3A_596] {strides = array<i32>} : memref<160x128xf32, #tpu.memory_space<vmem>>, vector<1x16xf32>,
        %get3A_598 = vector.shape_cast %get3A_597 : vector<1x16xf32> to vector<16xf32>
        %add3A_599 = arith.addf %add3A_592, %get3A_598 : vector<16xf32>
        %add3A_600 = arith.constant 5 : i32
        %add3A_601 = arith.addi %mul3A_285, %add3A_600 : i32
        %get3A_602 = arith.index_cast %add3A_601 : i32 to index
        %get3A_603 = arith.constant 32 : index
        %get3A_604 = tpu.vector_load %arg12[%get3A_602, %get3A_603] {strides = array<i32>} : memref<160x128xf32, #tpu.memory_space<vmem>>, vector<1x16xf32>,
        %get3A_605 = vector.shape_cast %get3A_604 : vector<1x16xf32> to vector<16xf32>
        %add3A_606 = arith.addf %add3A_599, %get3A_605 : vector<16xf32>
        %add3A_607 = arith.constant 6 : i32
        %add3A_608 = arith.addi %mul3A_285, %add3A_607 : i32
        %get3A_609 = arith.index_cast %add3A_608 : i32 to index
        %get3A_610 = arith.constant 32 : index
        %get3A_611 = tpu.vector_load %arg12[%get3A_609, %get3A_610] {strides = array<i32>} : memref<160x128xf32, #tpu.memory_space<vmem>>, vector<1x16xf32>,
        %get3A_612 = vector.shape_cast %get3A_611 : vector<1x16xf32> to vector<16xf32>
        %add3A_613 = arith.addf %add3A_606, %get3A_612 : vector<16xf32>
        %add3A_614 = arith.constant 7 : i32
        %add3A_615 = arith.addi %mul3A_285, %add3A_614 : i32
        %get3A_616 = arith.index_cast %add3A_615 : i32 to index
        %get3A_617 = arith.constant 32 : index
        %get3A_618 = tpu.vector_load %arg12[%get3A_616, %get3A_617] {strides = array<i32>} : memref<160x128xf32, #tpu.memory_space<vmem>>, vector<1x16xf32>,
        %get3A_619 = vector.shape_cast %get3A_618 : vector<1x16xf32> to vector<16xf32>
        %add3A_620 = arith.addf %add3A_613, %get3A_619 : vector<16xf32>
        %add3A_621 = arith.constant 8 : i32
        %add3A_622 = arith.addi %mul3A_285, %add3A_621 : i32
        %get3A_623 = arith.index_cast %add3A_622 : i32 to index
        %get3A_624 = arith.constant 32 : index
        %get3A_625 = tpu.vector_load %arg12[%get3A_623, %get3A_624] {strides = array<i32>} : memref<160x128xf32, #tpu.memory_space<vmem>>, vector<1x16xf32>,
        %get3A_626 = vector.shape_cast %get3A_625 : vector<1x16xf32> to vector<16xf32>
        %add3A_627 = arith.addf %add3A_620, %get3A_626 : vector<16xf32>
        %add3A_628 = arith.constant 9 : i32
        %add3A_629 = arith.addi %mul3A_285, %add3A_628 : i32
        %get3A_630 = arith.index_cast %add3A_629 : i32 to index
        %get3A_631 = arith.constant 32 : index
        %get3A_632 = tpu.vector_load %arg12[%get3A_630, %get3A_631] {strides = array<i32>} : memref<160x128xf32, #tpu.memory_space<vmem>>, vector<1x16xf32>,
        %get3A_633 = vector.shape_cast %get3A_632 : vector<1x16xf32> to vector<16xf32>
        %add3A_634 = arith.addf %add3A_627, %get3A_633 : vector<16xf32>
        %add3A_635 = arith.constant 10 : i32
        %add3A_636 = arith.addi %mul3A_285, %add3A_635 : i32
        %get3A_637 = arith.index_cast %add3A_636 : i32 to index
        %get3A_638 = arith.constant 32 : index
        %get3A_639 = tpu.vector_load %arg12[%get3A_637, %get3A_638] {strides = array<i32>} : memref<160x128xf32, #tpu.memory_space<vmem>>, vector<1x16xf32>,
        %get3A_640 = vector.shape_cast %get3A_639 : vector<1x16xf32> to vector<16xf32>
        %add3A_641 = arith.addf %add3A_634, %get3A_640 : vector<16xf32>
        %add3A_642 = arith.constant 11 : i32
        %add3A_643 = arith.addi %mul3A_285, %add3A_642 : i32
        %get3A_644 = arith.index_cast %add3A_643 : i32 to index
        %get3A_645 = arith.constant 32 : index
        %get3A_646 = tpu.vector_load %arg12[%get3A_644, %get3A_645] {strides = array<i32>} : memref<160x128xf32, #tpu.memory_space<vmem>>, vector<1x16xf32>,
        %get3A_647 = vector.shape_cast %get3A_646 : vector<1x16xf32> to vector<16xf32>
        %add3A_648 = arith.addf %add3A_641, %get3A_647 : vector<16xf32>
        %add3A_649 = arith.constant 12 : i32
        %add3A_650 = arith.addi %mul3A_285, %add3A_649 : i32
        %get3A_651 = arith.index_cast %add3A_650 : i32 to index
        %get3A_652 = arith.constant 32 : index
        %get3A_653 = tpu.vector_load %arg12[%get3A_651, %get3A_652] {strides = array<i32>} : memref<160x128xf32, #tpu.memory_space<vmem>>, vector<1x16xf32>,
        %get3A_654 = vector.shape_cast %get3A_653 : vector<1x16xf32> to vector<16xf32>
        %add3A_655 = arith.addf %add3A_648, %get3A_654 : vector<16xf32>
        %add3A_656 = arith.constant 13 : i32
        %add3A_657 = arith.addi %mul3A_285, %add3A_656 : i32
        %get3A_658 = arith.index_cast %add3A_657 : i32 to index
        %get3A_659 = arith.constant 32 : index
        %get3A_660 = tpu.vector_load %arg12[%get3A_658, %get3A_659] {strides = array<i32>} : memref<160x128xf32, #tpu.memory_space<vmem>>, vector<1x16xf32>,
        %get3A_661 = vector.shape_cast %get3A_660 : vector<1x16xf32> to vector<16xf32>
        %add3A_662 = arith.addf %add3A_655, %get3A_661 : vector<16xf32>
        %add3A_663 = arith.constant 14 : i32
        %add3A_664 = arith.addi %mul3A_285, %add3A_663 : i32
        %get3A_665 = arith.index_cast %add3A_664 : i32 to index
        %get3A_666 = arith.constant 32 : index
        %get3A_667 = tpu.vector_load %arg12[%get3A_665, %get3A_666] {strides = array<i32>} : memref<160x128xf32, #tpu.memory_space<vmem>>, vector<1x16xf32>,
        %get3A_668 = vector.shape_cast %get3A_667 : vector<1x16xf32> to vector<16xf32>
        %add3A_669 = arith.addf %add3A_662, %get3A_668 : vector<16xf32>
        %add3A_670 = arith.constant 15 : i32
        %add3A_671 = arith.addi %mul3A_285, %add3A_670 : i32
        %get3A_672 = arith.index_cast %add3A_671 : i32 to index
        %get3A_673 = arith.constant 32 : index
        %get3A_674 = tpu.vector_load %arg12[%get3A_672, %get3A_673] {strides = array<i32>} : memref<160x128xf32, #tpu.memory_space<vmem>>, vector<1x16xf32>,
        %get3A_675 = vector.shape_cast %get3A_674 : vector<1x16xf32> to vector<16xf32>
        %add3A_676 = arith.addf %add3A_669, %get3A_675 : vector<16xf32>
        %add3A_677 = arith.constant 16 : i32
        %add3A_678 = arith.addi %mul3A_285, %add3A_677 : i32
        %get3A_679 = arith.index_cast %add3A_678 : i32 to index
        %get3A_680 = arith.constant 32 : index
        %get3A_681 = tpu.vector_load %arg12[%get3A_679, %get3A_680] {strides = array<i32>} : memref<160x128xf32, #tpu.memory_space<vmem>>, vector<1x16xf32>,
        %get3A_682 = vector.shape_cast %get3A_681 : vector<1x16xf32> to vector<16xf32>
        %add3A_683 = arith.addf %add3A_676, %get3A_682 : vector<16xf32>
        %add3A_684 = arith.constant 17 : i32
        %add3A_685 = arith.addi %mul3A_285, %add3A_684 : i32
        %get3A_686 = arith.index_cast %add3A_685 : i32 to index
        %get3A_687 = arith.constant 32 : index
        %get3A_688 = tpu.vector_load %arg12[%get3A_686, %get3A_687] {strides = array<i32>} : memref<160x128xf32, #tpu.memory_space<vmem>>, vector<1x16xf32>,
        %get3A_689 = vector.shape_cast %get3A_688 : vector<1x16xf32> to vector<16xf32>
        %add3A_690 = arith.addf %add3A_683, %get3A_689 : vector<16xf32>
        %add3A_691 = arith.constant 18 : i32
        %add3A_692 = arith.addi %mul3A_285, %add3A_691 : i32
        %get3A_693 = arith.index_cast %add3A_692 : i32 to index
        %get3A_694 = arith.constant 32 : index
        %get3A_695 = tpu.vector_load %arg12[%get3A_693, %get3A_694] {strides = array<i32>} : memref<160x128xf32, #tpu.memory_space<vmem>>, vector<1x16xf32>,
        %get3A_696 = vector.shape_cast %get3A_695 : vector<1x16xf32> to vector<16xf32>
        %add3A_697 = arith.addf %add3A_690, %get3A_696 : vector<16xf32>
        %add3A_698 = arith.constant 19 : i32
        %add3A_699 = arith.addi %mul3A_285, %add3A_698 : i32
        %get3A_700 = arith.index_cast %add3A_699 : i32 to index
        %get3A_701 = arith.constant 32 : index
        %get3A_702 = tpu.vector_load %arg12[%get3A_700, %get3A_701] {strides = array<i32>} : memref<160x128xf32, #tpu.memory_space<vmem>>, vector<1x16xf32>,
        %get3A_703 = vector.shape_cast %get3A_702 : vector<1x16xf32> to vector<16xf32>
        %add3A_704 = arith.addf %add3A_697, %get3A_703 : vector<16xf32>
        %swap3A_705 = arith.index_cast %scan3A_283 : i32 to index
        %swap3A_706 = arith.constant 32 : index
        %swap3A_707 = tpu.vector_load %arg16[%swap3A_705, %swap3A_706] {strides = array<i32>} : memref<8x128xf32, #tpu.memory_space<vmem>>, vector<1x16xf32>,
        %swap3A_708 = vector.shape_cast %swap3A_707 : vector<1x16xf32> to vector<16xf32>
        %swap3A_709 = vector.shape_cast %add3A_704 : vector<16xf32> to vector<1x16xf32>
        tpu.vector_store %arg16[%swap3A_705, %swap3A_706], %swap3A_709 {strides = array<i32>} : memref<8x128xf32, #tpu.memory_space<vmem>>, vector<1x16xf32>,
        %get3A_710 = arith.index_cast %mul3A_285 : i32 to index
        %get3A_711 = arith.constant 48 : index
        %get3A_712 = tpu.vector_load %arg12[%get3A_710, %get3A_711] {strides = array<i32>} : memref<160x128xf32, #tpu.memory_space<vmem>>, vector<1x16xf32>,
        %get3A_713 = vector.shape_cast %get3A_712 : vector<1x16xf32> to vector<16xf32>
        %add3A_714 = arith.constant 1 : i32
        %add3A_715 = arith.addi %mul3A_285, %add3A_714 : i32
        %get3A_716 = arith.index_cast %add3A_715 : i32 to index
        %get3A_717 = arith.constant 48 : index
        %get3A_718 = tpu.vector_load %arg12[%get3A_716, %get3A_717] {strides = array<i32>} : memref<160x128xf32, #tpu.memory_space<vmem>>, vector<1x16xf32>,
        %get3A_719 = vector.shape_cast %get3A_718 : vector<1x16xf32> to vector<16xf32>
        %add3A_720 = arith.addf %get3A_713, %get3A_719 : vector<16xf32>
        %add3A_721 = arith.constant 2 : i32
        %add3A_722 = arith.addi %mul3A_285, %add3A_721 : i32
        %get3A_723 = arith.index_cast %add3A_722 : i32 to index
        %get3A_724 = arith.constant 48 : index
        %get3A_725 = tpu.vector_load %arg12[%get3A_723, %get3A_724] {strides = array<i32>} : memref<160x128xf32, #tpu.memory_space<vmem>>, vector<1x16xf32>,
        %get3A_726 = vector.shape_cast %get3A_725 : vector<1x16xf32> to vector<16xf32>
        %add3A_727 = arith.addf %add3A_720, %get3A_726 : vector<16xf32>
        %add3A_728 = arith.constant 3 : i32
        %add3A_729 = arith.addi %mul3A_285, %add3A_728 : i32
        %get3A_730 = arith.index_cast %add3A_729 : i32 to index
        %get3A_731 = arith.constant 48 : index
        %get3A_732 = tpu.vector_load %arg12[%get3A_730, %get3A_731] {strides = array<i32>} : memref<160x128xf32, #tpu.memory_space<vmem>>, vector<1x16xf32>,
        %get3A_733 = vector.shape_cast %get3A_732 : vector<1x16xf32> to vector<16xf32>
        %add3A_734 = arith.addf %add3A_727, %get3A_733 : vector<16xf32>
        %add3A_735 = arith.constant 4 : i32
        %add3A_736 = arith.addi %mul3A_285, %add3A_735 : i32
        %get3A_737 = arith.index_cast %add3A_736 : i32 to index
        %get3A_738 = arith.constant 48 : index
        %get3A_739 = tpu.vector_load %arg12[%get3A_737, %get3A_738] {strides = array<i32>} : memref<160x128xf32, #tpu.memory_space<vmem>>, vector<1x16xf32>,
        %get3A_740 = vector.shape_cast %get3A_739 : vector<1x16xf32> to vector<16xf32>
        %add3A_741 = arith.addf %add3A_734, %get3A_740 : vector<16xf32>
        %add3A_742 = arith.constant 5 : i32
        %add3A_743 = arith.addi %mul3A_285, %add3A_742 : i32
        %get3A_744 = arith.index_cast %add3A_743 : i32 to index
        %get3A_745 = arith.constant 48 : index
        %get3A_746 = tpu.vector_load %arg12[%get3A_744, %get3A_745] {strides = array<i32>} : memref<160x128xf32, #tpu.memory_space<vmem>>, vector<1x16xf32>,
        %get3A_747 = vector.shape_cast %get3A_746 : vector<1x16xf32> to vector<16xf32>
        %add3A_748 = arith.addf %add3A_741, %get3A_747 : vector<16xf32>
        %add3A_749 = arith.constant 6 : i32
        %add3A_750 = arith.addi %mul3A_285, %add3A_749 : i32
        %get3A_751 = arith.index_cast %add3A_750 : i32 to index
        %get3A_752 = arith.constant 48 : index
        %get3A_753 = tpu.vector_load %arg12[%get3A_751, %get3A_752] {strides = array<i32>} : memref<160x128xf32, #tpu.memory_space<vmem>>, vector<1x16xf32>,
        %get3A_754 = vector.shape_cast %get3A_753 : vector<1x16xf32> to vector<16xf32>
        %add3A_755 = arith.addf %add3A_748, %get3A_754 : vector<16xf32>
        %add3A_756 = arith.constant 7 : i32
        %add3A_757 = arith.addi %mul3A_285, %add3A_756 : i32
        %get3A_758 = arith.index_cast %add3A_757 : i32 to index
        %get3A_759 = arith.constant 48 : index
        %get3A_760 = tpu.vector_load %arg12[%get3A_758, %get3A_759] {strides = array<i32>} : memref<160x128xf32, #tpu.memory_space<vmem>>, vector<1x16xf32>,
        %get3A_761 = vector.shape_cast %get3A_760 : vector<1x16xf32> to vector<16xf32>
        %add3A_762 = arith.addf %add3A_755, %get3A_761 : vector<16xf32>
        %add3A_763 = arith.constant 8 : i32
        %add3A_764 = arith.addi %mul3A_285, %add3A_763 : i32
        %get3A_765 = arith.index_cast %add3A_764 : i32 to index
        %get3A_766 = arith.constant 48 : index
        %get3A_767 = tpu.vector_load %arg12[%get3A_765, %get3A_766] {strides = array<i32>} : memref<160x128xf32, #tpu.memory_space<vmem>>, vector<1x16xf32>,
        %get3A_768 = vector.shape_cast %get3A_767 : vector<1x16xf32> to vector<16xf32>
        %add3A_769 = arith.addf %add3A_762, %get3A_768 : vector<16xf32>
        %add3A_770 = arith.constant 9 : i32
        %add3A_771 = arith.addi %mul3A_285, %add3A_770 : i32
        %get3A_772 = arith.index_cast %add3A_771 : i32 to index
        %get3A_773 = arith.constant 48 : index
        %get3A_774 = tpu.vector_load %arg12[%get3A_772, %get3A_773] {strides = array<i32>} : memref<160x128xf32, #tpu.memory_space<vmem>>, vector<1x16xf32>,
        %get3A_775 = vector.shape_cast %get3A_774 : vector<1x16xf32> to vector<16xf32>
        %add3A_776 = arith.addf %add3A_769, %get3A_775 : vector<16xf32>
        %add3A_777 = arith.constant 10 : i32
        %add3A_778 = arith.addi %mul3A_285, %add3A_777 : i32
        %get3A_779 = arith.index_cast %add3A_778 : i32 to index
        %get3A_780 = arith.constant 48 : index
        %get3A_781 = tpu.vector_load %arg12[%get3A_779, %get3A_780] {strides = array<i32>} : memref<160x128xf32, #tpu.memory_space<vmem>>, vector<1x16xf32>,
        %get3A_782 = vector.shape_cast %get3A_781 : vector<1x16xf32> to vector<16xf32>
        %add3A_783 = arith.addf %add3A_776, %get3A_782 : vector<16xf32>
        %add3A_784 = arith.constant 11 : i32
        %add3A_785 = arith.addi %mul3A_285, %add3A_784 : i32
        %get3A_786 = arith.index_cast %add3A_785 : i32 to index
        %get3A_787 = arith.constant 48 : index
        %get3A_788 = tpu.vector_load %arg12[%get3A_786, %get3A_787] {strides = array<i32>} : memref<160x128xf32, #tpu.memory_space<vmem>>, vector<1x16xf32>,
        %get3A_789 = vector.shape_cast %get3A_788 : vector<1x16xf32> to vector<16xf32>
        %add3A_790 = arith.addf %add3A_783, %get3A_789 : vector<16xf32>
        %add3A_791 = arith.constant 12 : i32
        %add3A_792 = arith.addi %mul3A_285, %add3A_791 : i32
        %get3A_793 = arith.index_cast %add3A_792 : i32 to index
        %get3A_794 = arith.constant 48 : index
        %get3A_795 = tpu.vector_load %arg12[%get3A_793, %get3A_794] {strides = array<i32>} : memref<160x128xf32, #tpu.memory_space<vmem>>, vector<1x16xf32>,
        %get3A_796 = vector.shape_cast %get3A_795 : vector<1x16xf32> to vector<16xf32>
        %add3A_797 = arith.addf %add3A_790, %get3A_796 : vector<16xf32>
        %add3A_798 = arith.constant 13 : i32
        %add3A_799 = arith.addi %mul3A_285, %add3A_798 : i32
        %get3A_800 = arith.index_cast %add3A_799 : i32 to index
        %get3A_801 = arith.constant 48 : index
        %get3A_802 = tpu.vector_load %arg12[%get3A_800, %get3A_801] {strides = array<i32>} : memref<160x128xf32, #tpu.memory_space<vmem>>, vector<1x16xf32>,
        %get3A_803 = vector.shape_cast %get3A_802 : vector<1x16xf32> to vector<16xf32>
        %add3A_804 = arith.addf %add3A_797, %get3A_803 : vector<16xf32>
        %add3A_805 = arith.constant 14 : i32
        %add3A_806 = arith.addi %mul3A_285, %add3A_805 : i32
        %get3A_807 = arith.index_cast %add3A_806 : i32 to index
        %get3A_808 = arith.constant 48 : index
        %get3A_809 = tpu.vector_load %arg12[%get3A_807, %get3A_808] {strides = array<i32>} : memref<160x128xf32, #tpu.memory_space<vmem>>, vector<1x16xf32>,
        %get3A_810 = vector.shape_cast %get3A_809 : vector<1x16xf32> to vector<16xf32>
        %add3A_811 = arith.addf %add3A_804, %get3A_810 : vector<16xf32>
        %add3A_812 = arith.constant 15 : i32
        %add3A_813 = arith.addi %mul3A_285, %add3A_812 : i32
        %get3A_814 = arith.index_cast %add3A_813 : i32 to index
        %get3A_815 = arith.constant 48 : index
        %get3A_816 = tpu.vector_load %arg12[%get3A_814, %get3A_815] {strides = array<i32>} : memref<160x128xf32, #tpu.memory_space<vmem>>, vector<1x16xf32>,
        %get3A_817 = vector.shape_cast %get3A_816 : vector<1x16xf32> to vector<16xf32>
        %add3A_818 = arith.addf %add3A_811, %get3A_817 : vector<16xf32>
        %add3A_819 = arith.constant 16 : i32
        %add3A_820 = arith.addi %mul3A_285, %add3A_819 : i32
        %get3A_821 = arith.index_cast %add3A_820 : i32 to index
        %get3A_822 = arith.constant 48 : index
        %get3A_823 = tpu.vector_load %arg12[%get3A_821, %get3A_822] {strides = array<i32>} : memref<160x128xf32, #tpu.memory_space<vmem>>, vector<1x16xf32>,
        %get3A_824 = vector.shape_cast %get3A_823 : vector<1x16xf32> to vector<16xf32>
        %add3A_825 = arith.addf %add3A_818, %get3A_824 : vector<16xf32>
        %add3A_826 = arith.constant 17 : i32
        %add3A_827 = arith.addi %mul3A_285, %add3A_826 : i32
        %get3A_828 = arith.index_cast %add3A_827 : i32 to index
        %get3A_829 = arith.constant 48 : index
        %get3A_830 = tpu.vector_load %arg12[%get3A_828, %get3A_829] {strides = array<i32>} : memref<160x128xf32, #tpu.memory_space<vmem>>, vector<1x16xf32>,
        %get3A_831 = vector.shape_cast %get3A_830 : vector<1x16xf32> to vector<16xf32>
        %add3A_832 = arith.addf %add3A_825, %get3A_831 : vector<16xf32>
        %add3A_833 = arith.constant 18 : i32
        %add3A_834 = arith.addi %mul3A_285, %add3A_833 : i32
        %get3A_835 = arith.index_cast %add3A_834 : i32 to index
        %get3A_836 = arith.constant 48 : index
        %get3A_837 = tpu.vector_load %arg12[%get3A_835, %get3A_836] {strides = array<i32>} : memref<160x128xf32, #tpu.memory_space<vmem>>, vector<1x16xf32>,
        %get3A_838 = vector.shape_cast %get3A_837 : vector<1x16xf32> to vector<16xf32>
        %add3A_839 = arith.addf %add3A_832, %get3A_838 : vector<16xf32>
        %add3A_840 = arith.constant 19 : i32
        %add3A_841 = arith.addi %mul3A_285, %add3A_840 : i32
        %get3A_842 = arith.index_cast %add3A_841 : i32 to index
        %get3A_843 = arith.constant 48 : index
        %get3A_844 = tpu.vector_load %arg12[%get3A_842, %get3A_843] {strides = array<i32>} : memref<160x128xf32, #tpu.memory_space<vmem>>, vector<1x16xf32>,
        %get3A_845 = vector.shape_cast %get3A_844 : vector<1x16xf32> to vector<16xf32>
        %add3A_846 = arith.addf %add3A_839, %get3A_845 : vector<16xf32>
        %swap3A_847 = arith.index_cast %scan3A_283 : i32 to index
        %swap3A_848 = arith.constant 48 : index
        %swap3A_849 = tpu.vector_load %arg16[%swap3A_847, %swap3A_848] {strides = array<i32>} : memref<8x128xf32, #tpu.memory_space<vmem>>, vector<1x16xf32>,
        %swap3A_850 = vector.shape_cast %swap3A_849 : vector<1x16xf32> to vector<16xf32>
        %swap3A_851 = vector.shape_cast %add3A_846 : vector<16xf32> to vector<1x16xf32>
        tpu.vector_store %arg16[%swap3A_847, %swap3A_848], %swap3A_851 {strides = array<i32>} : memref<8x128xf32, #tpu.memory_space<vmem>>, vector<1x16xf32>,
        %get3A_852 = arith.index_cast %mul3A_285 : i32 to index
        %get3A_853 = arith.constant 64 : index
        %get3A_854 = tpu.vector_load %arg12[%get3A_852, %get3A_853] {strides = array<i32>} : memref<160x128xf32, #tpu.memory_space<vmem>>, vector<1x16xf32>,
        %get3A_855 = vector.shape_cast %get3A_854 : vector<1x16xf32> to vector<16xf32>
        %add3A_856 = arith.constant 1 : i32
        %add3A_857 = arith.addi %mul3A_285, %add3A_856 : i32
        %get3A_858 = arith.index_cast %add3A_857 : i32 to index
        %get3A_859 = arith.constant 64 : index
        %get3A_860 = tpu.vector_load %arg12[%get3A_858, %get3A_859] {strides = array<i32>} : memref<160x128xf32, #tpu.memory_space<vmem>>, vector<1x16xf32>,
        %get3A_861 = vector.shape_cast %get3A_860 : vector<1x16xf32> to vector<16xf32>
        %add3A_862 = arith.addf %get3A_855, %get3A_861 : vector<16xf32>
        %add3A_863 = arith.constant 2 : i32
        %add3A_864 = arith.addi %mul3A_285, %add3A_863 : i32
        %get3A_865 = arith.index_cast %add3A_864 : i32 to index
        %get3A_866 = arith.constant 64 : index
        %get3A_867 = tpu.vector_load %arg12[%get3A_865, %get3A_866] {strides = array<i32>} : memref<160x128xf32, #tpu.memory_space<vmem>>, vector<1x16xf32>,
        %get3A_868 = vector.shape_cast %get3A_867 : vector<1x16xf32> to vector<16xf32>
        %add3A_869 = arith.addf %add3A_862, %get3A_868 : vector<16xf32>
        %add3A_870 = arith.constant 3 : i32
        %add3A_871 = arith.addi %mul3A_285, %add3A_870 : i32
        %get3A_872 = arith.index_cast %add3A_871 : i32 to index
        %get3A_873 = arith.constant 64 : index
        %get3A_874 = tpu.vector_load %arg12[%get3A_872, %get3A_873] {strides = array<i32>} : memref<160x128xf32, #tpu.memory_space<vmem>>, vector<1x16xf32>,
        %get3A_875 = vector.shape_cast %get3A_874 : vector<1x16xf32> to vector<16xf32>
        %add3A_876 = arith.addf %add3A_869, %get3A_875 : vector<16xf32>
        %add3A_877 = arith.constant 4 : i32
        %add3A_878 = arith.addi %mul3A_285, %add3A_877 : i32
        %get3A_879 = arith.index_cast %add3A_878 : i32 to index
        %get3A_880 = arith.constant 64 : index
        %get3A_881 = tpu.vector_load %arg12[%get3A_879, %get3A_880] {strides = array<i32>} : memref<160x128xf32, #tpu.memory_space<vmem>>, vector<1x16xf32>,
        %get3A_882 = vector.shape_cast %get3A_881 : vector<1x16xf32> to vector<16xf32>
        %add3A_883 = arith.addf %add3A_876, %get3A_882 : vector<16xf32>
        %add3A_884 = arith.constant 5 : i32
        %add3A_885 = arith.addi %mul3A_285, %add3A_884 : i32
        %get3A_886 = arith.index_cast %add3A_885 : i32 to index
        %get3A_887 = arith.constant 64 : index
        %get3A_888 = tpu.vector_load %arg12[%get3A_886, %get3A_887] {strides = array<i32>} : memref<160x128xf32, #tpu.memory_space<vmem>>, vector<1x16xf32>,
        %get3A_889 = vector.shape_cast %get3A_888 : vector<1x16xf32> to vector<16xf32>
        %add3A_890 = arith.addf %add3A_883, %get3A_889 : vector<16xf32>
        %add3A_891 = arith.constant 6 : i32
        %add3A_892 = arith.addi %mul3A_285, %add3A_891 : i32
        %get3A_893 = arith.index_cast %add3A_892 : i32 to index
        %get3A_894 = arith.constant 64 : index
        %get3A_895 = tpu.vector_load %arg12[%get3A_893, %get3A_894] {strides = array<i32>} : memref<160x128xf32, #tpu.memory_space<vmem>>, vector<1x16xf32>,
        %get3A_896 = vector.shape_cast %get3A_895 : vector<1x16xf32> to vector<16xf32>
        %add3A_897 = arith.addf %add3A_890, %get3A_896 : vector<16xf32>
        %add3A_898 = arith.constant 7 : i32
        %add3A_899 = arith.addi %mul3A_285, %add3A_898 : i32
        %get3A_900 = arith.index_cast %add3A_899 : i32 to index
        %get3A_901 = arith.constant 64 : index
        %get3A_902 = tpu.vector_load %arg12[%get3A_900, %get3A_901] {strides = array<i32>} : memref<160x128xf32, #tpu.memory_space<vmem>>, vector<1x16xf32>,
        %get3A_903 = vector.shape_cast %get3A_902 : vector<1x16xf32> to vector<16xf32>
        %add3A_904 = arith.addf %add3A_897, %get3A_903 : vector<16xf32>
        %add3A_905 = arith.constant 8 : i32
        %add3A_906 = arith.addi %mul3A_285, %add3A_905 : i32
        %get3A_907 = arith.index_cast %add3A_906 : i32 to index
        %get3A_908 = arith.constant 64 : index
        %get3A_909 = tpu.vector_load %arg12[%get3A_907, %get3A_908] {strides = array<i32>} : memref<160x128xf32, #tpu.memory_space<vmem>>, vector<1x16xf32>,
        %get3A_910 = vector.shape_cast %get3A_909 : vector<1x16xf32> to vector<16xf32>
        %add3A_911 = arith.addf %add3A_904, %get3A_910 : vector<16xf32>
        %add3A_912 = arith.constant 9 : i32
        %add3A_913 = arith.addi %mul3A_285, %add3A_912 : i32
        %get3A_914 = arith.index_cast %add3A_913 : i32 to index
        %get3A_915 = arith.constant 64 : index
        %get3A_916 = tpu.vector_load %arg12[%get3A_914, %get3A_915] {strides = array<i32>} : memref<160x128xf32, #tpu.memory_space<vmem>>, vector<1x16xf32>,
        %get3A_917 = vector.shape_cast %get3A_916 : vector<1x16xf32> to vector<16xf32>
        %add3A_918 = arith.addf %add3A_911, %get3A_917 : vector<16xf32>
        %add3A_919 = arith.constant 10 : i32
        %add3A_920 = arith.addi %mul3A_285, %add3A_919 : i32
        %get3A_921 = arith.index_cast %add3A_920 : i32 to index
        %get3A_922 = arith.constant 64 : index
        %get3A_923 = tpu.vector_load %arg12[%get3A_921, %get3A_922] {strides = array<i32>} : memref<160x128xf32, #tpu.memory_space<vmem>>, vector<1x16xf32>,
        %get3A_924 = vector.shape_cast %get3A_923 : vector<1x16xf32> to vector<16xf32>
        %add3A_925 = arith.addf %add3A_918, %get3A_924 : vector<16xf32>
        %add3A_926 = arith.constant 11 : i32
        %add3A_927 = arith.addi %mul3A_285, %add3A_926 : i32
        %get3A_928 = arith.index_cast %add3A_927 : i32 to index
        %get3A_929 = arith.constant 64 : index
        %get3A_930 = tpu.vector_load %arg12[%get3A_928, %get3A_929] {strides = array<i32>} : memref<160x128xf32, #tpu.memory_space<vmem>>, vector<1x16xf32>,
        %get3A_931 = vector.shape_cast %get3A_930 : vector<1x16xf32> to vector<16xf32>
        %add3A_932 = arith.addf %add3A_925, %get3A_931 : vector<16xf32>
        %add3A_933 = arith.constant 12 : i32
        %add3A_934 = arith.addi %mul3A_285, %add3A_933 : i32
        %get3A_935 = arith.index_cast %add3A_934 : i32 to index
        %get3A_936 = arith.constant 64 : index
        %get3A_937 = tpu.vector_load %arg12[%get3A_935, %get3A_936] {strides = array<i32>} : memref<160x128xf32, #tpu.memory_space<vmem>>, vector<1x16xf32>,
        %get3A_938 = vector.shape_cast %get3A_937 : vector<1x16xf32> to vector<16xf32>
        %add3A_939 = arith.addf %add3A_932, %get3A_938 : vector<16xf32>
        %add3A_940 = arith.constant 13 : i32
        %add3A_941 = arith.addi %mul3A_285, %add3A_940 : i32
        %get3A_942 = arith.index_cast %add3A_941 : i32 to index
        %get3A_943 = arith.constant 64 : index
        %get3A_944 = tpu.vector_load %arg12[%get3A_942, %get3A_943] {strides = array<i32>} : memref<160x128xf32, #tpu.memory_space<vmem>>, vector<1x16xf32>,
        %get3A_945 = vector.shape_cast %get3A_944 : vector<1x16xf32> to vector<16xf32>
        %add3A_946 = arith.addf %add3A_939, %get3A_945 : vector<16xf32>
        %add3A_947 = arith.constant 14 : i32
        %add3A_948 = arith.addi %mul3A_285, %add3A_947 : i32
        %get3A_949 = arith.index_cast %add3A_948 : i32 to index
        %get3A_950 = arith.constant 64 : index
        %get3A_951 = tpu.vector_load %arg12[%get3A_949, %get3A_950] {strides = array<i32>} : memref<160x128xf32, #tpu.memory_space<vmem>>, vector<1x16xf32>,
        %get3A_952 = vector.shape_cast %get3A_951 : vector<1x16xf32> to vector<16xf32>
        %add3A_953 = arith.addf %add3A_946, %get3A_952 : vector<16xf32>
        %add3A_954 = arith.constant 15 : i32
        %add3A_955 = arith.addi %mul3A_285, %add3A_954 : i32
        %get3A_956 = arith.index_cast %add3A_955 : i32 to index
        %get3A_957 = arith.constant 64 : index
        %get3A_958 = tpu.vector_load %arg12[%get3A_956, %get3A_957] {strides = array<i32>} : memref<160x128xf32, #tpu.memory_space<vmem>>, vector<1x16xf32>,
        %get3A_959 = vector.shape_cast %get3A_958 : vector<1x16xf32> to vector<16xf32>
        %add3A_960 = arith.addf %add3A_953, %get3A_959 : vector<16xf32>
        %add3A_961 = arith.constant 16 : i32
        %add3A_962 = arith.addi %mul3A_285, %add3A_961 : i32
        %get3A_963 = arith.index_cast %add3A_962 : i32 to index
        %get3A_964 = arith.constant 64 : index
        %get3A_965 = tpu.vector_load %arg12[%get3A_963, %get3A_964] {strides = array<i32>} : memref<160x128xf32, #tpu.memory_space<vmem>>, vector<1x16xf32>,
        %get3A_966 = vector.shape_cast %get3A_965 : vector<1x16xf32> to vector<16xf32>
        %add3A_967 = arith.addf %add3A_960, %get3A_966 : vector<16xf32>
        %add3A_968 = arith.constant 17 : i32
        %add3A_969 = arith.addi %mul3A_285, %add3A_968 : i32
        %get3A_970 = arith.index_cast %add3A_969 : i32 to index
        %get3A_971 = arith.constant 64 : index
        %get3A_972 = tpu.vector_load %arg12[%get3A_970, %get3A_971] {strides = array<i32>} : memref<160x128xf32, #tpu.memory_space<vmem>>, vector<1x16xf32>,
        %get3A_973 = vector.shape_cast %get3A_972 : vector<1x16xf32> to vector<16xf32>
        %add3A_974 = arith.addf %add3A_967, %get3A_973 : vector<16xf32>
        %add3A_975 = arith.constant 18 : i32
        %add3A_976 = arith.addi %mul3A_285, %add3A_975 : i32
        %get3A_977 = arith.index_cast %add3A_976 : i32 to index
        %get3A_978 = arith.constant 64 : index
        %get3A_979 = tpu.vector_load %arg12[%get3A_977, %get3A_978] {strides = array<i32>} : memref<160x128xf32, #tpu.memory_space<vmem>>, vector<1x16xf32>,
        %get3A_980 = vector.shape_cast %get3A_979 : vector<1x16xf32> to vector<16xf32>
        %add3A_981 = arith.addf %add3A_974, %get3A_980 : vector<16xf32>
        %add3A_982 = arith.constant 19 : i32
        %add3A_983 = arith.addi %mul3A_285, %add3A_982 : i32
        %get3A_984 = arith.index_cast %add3A_983 : i32 to index
        %get3A_985 = arith.constant 64 : index
        %get3A_986 = tpu.vector_load %arg12[%get3A_984, %get3A_985] {strides = array<i32>} : memref<160x128xf32, #tpu.memory_space<vmem>>, vector<1x16xf32>,
        %get3A_987 = vector.shape_cast %get3A_986 : vector<1x16xf32> to vector<16xf32>
        %add3A_988 = arith.addf %add3A_981, %get3A_987 : vector<16xf32>
        %swap3A_989 = arith.index_cast %scan3A_283 : i32 to index
        %swap3A_990 = arith.constant 64 : index
        %swap3A_991 = tpu.vector_load %arg16[%swap3A_989, %swap3A_990] {strides = array<i32>} : memref<8x128xf32, #tpu.memory_space<vmem>>, vector<1x16xf32>,
        %swap3A_992 = vector.shape_cast %swap3A_991 : vector<1x16xf32> to vector<16xf32>
        %swap3A_993 = vector.shape_cast %add3A_988 : vector<16xf32> to vector<1x16xf32>
        tpu.vector_store %arg16[%swap3A_989, %swap3A_990], %swap3A_993 {strides = array<i32>} : memref<8x128xf32, #tpu.memory_space<vmem>>, vector<1x16xf32>,
        %get3A_994 = arith.index_cast %mul3A_285 : i32 to index
        %get3A_995 = arith.constant 80 : index
        %get3A_996 = tpu.vector_load %arg12[%get3A_994, %get3A_995] {strides = array<i32>} : memref<160x128xf32, #tpu.memory_space<vmem>>, vector<1x16xf32>,
        %get3A_997 = vector.shape_cast %get3A_996 : vector<1x16xf32> to vector<16xf32>
        %add3A_998 = arith.constant 1 : i32
        %add3A_999 = arith.addi %mul3A_285, %add3A_998 : i32
        %get3A_1000 = arith.index_cast %add3A_999 : i32 to index
        %get3A_1001 = arith.constant 80 : index
        %get3A_1002 = tpu.vector_load %arg12[%get3A_1000, %get3A_1001] {strides = array<i32>} : memref<160x128xf32, #tpu.memory_space<vmem>>, vector<1x16xf32>,
        %get3A_1003 = vector.shape_cast %get3A_1002 : vector<1x16xf32> to vector<16xf32>
        %add3A_1004 = arith.addf %get3A_997, %get3A_1003 : vector<16xf32>
        %add3A_1005 = arith.constant 2 : i32
        %add3A_1006 = arith.addi %mul3A_285, %add3A_1005 : i32
        %get3A_1007 = arith.index_cast %add3A_1006 : i32 to index
        %get3A_1008 = arith.constant 80 : index
        %get3A_1009 = tpu.vector_load %arg12[%get3A_1007, %get3A_1008] {strides = array<i32>} : memref<160x128xf32, #tpu.memory_space<vmem>>, vector<1x16xf32>,
        %get3A_1010 = vector.shape_cast %get3A_1009 : vector<1x16xf32> to vector<16xf32>
        %add3A_1011 = arith.addf %add3A_1004, %get3A_1010 : vector<16xf32>
        %add3A_1012 = arith.constant 3 : i32
        %add3A_1013 = arith.addi %mul3A_285, %add3A_1012 : i32
        %get3A_1014 = arith.index_cast %add3A_1013 : i32 to index
        %get3A_1015 = arith.constant 80 : index
        %get3A_1016 = tpu.vector_load %arg12[%get3A_1014, %get3A_1015] {strides = array<i32>} : memref<160x128xf32, #tpu.memory_space<vmem>>, vector<1x16xf32>,
        %get3A_1017 = vector.shape_cast %get3A_1016 : vector<1x16xf32> to vector<16xf32>
        %add3A_1018 = arith.addf %add3A_1011, %get3A_1017 : vector<16xf32>
        %add3A_1019 = arith.constant 4 : i32
        %add3A_1020 = arith.addi %mul3A_285, %add3A_1019 : i32
        %get3A_1021 = arith.index_cast %add3A_1020 : i32 to index
        %get3A_1022 = arith.constant 80 : index
        %get3A_1023 = tpu.vector_load %arg12[%get3A_1021, %get3A_1022] {strides = array<i32>} : memref<160x128xf32, #tpu.memory_space<vmem>>, vector<1x16xf32>,
        %get3A_1024 = vector.shape_cast %get3A_1023 : vector<1x16xf32> to vector<16xf32>
        %add3A_1025 = arith.addf %add3A_1018, %get3A_1024 : vector<16xf32>
        %add3A_1026 = arith.constant 5 : i32
        %add3A_1027 = arith.addi %mul3A_285, %add3A_1026 : i32
        %get3A_1028 = arith.index_cast %add3A_1027 : i32 to index
        %get3A_1029 = arith.constant 80 : index
        %get3A_1030 = tpu.vector_load %arg12[%get3A_1028, %get3A_1029] {strides = array<i32>} : memref<160x128xf32, #tpu.memory_space<vmem>>, vector<1x16xf32>,
        %get3A_1031 = vector.shape_cast %get3A_1030 : vector<1x16xf32> to vector<16xf32>
        %add3A_1032 = arith.addf %add3A_1025, %get3A_1031 : vector<16xf32>
        %add3A_1033 = arith.constant 6 : i32
        %add3A_1034 = arith.addi %mul3A_285, %add3A_1033 : i32
        %get3A_1035 = arith.index_cast %add3A_1034 : i32 to index
        %get3A_1036 = arith.constant 80 : index
        %get3A_1037 = tpu.vector_load %arg12[%get3A_1035, %get3A_1036] {strides = array<i32>} : memref<160x128xf32, #tpu.memory_space<vmem>>, vector<1x16xf32>,
        %get3A_1038 = vector.shape_cast %get3A_1037 : vector<1x16xf32> to vector<16xf32>
        %add3A_1039 = arith.addf %add3A_1032, %get3A_1038 : vector<16xf32>
        %add3A_1040 = arith.constant 7 : i32
        %add3A_1041 = arith.addi %mul3A_285, %add3A_1040 : i32
        %get3A_1042 = arith.index_cast %add3A_1041 : i32 to index
        %get3A_1043 = arith.constant 80 : index
        %get3A_1044 = tpu.vector_load %arg12[%get3A_1042, %get3A_1043] {strides = array<i32>} : memref<160x128xf32, #tpu.memory_space<vmem>>, vector<1x16xf32>,
        %get3A_1045 = vector.shape_cast %get3A_1044 : vector<1x16xf32> to vector<16xf32>
        %add3A_1046 = arith.addf %add3A_1039, %get3A_1045 : vector<16xf32>
        %add3A_1047 = arith.constant 8 : i32
        %add3A_1048 = arith.addi %mul3A_285, %add3A_1047 : i32
        %get3A_1049 = arith.index_cast %add3A_1048 : i32 to index
        %get3A_1050 = arith.constant 80 : index
        %get3A_1051 = tpu.vector_load %arg12[%get3A_1049, %get3A_1050] {strides = array<i32>} : memref<160x128xf32, #tpu.memory_space<vmem>>, vector<1x16xf32>,
        %get3A_1052 = vector.shape_cast %get3A_1051 : vector<1x16xf32> to vector<16xf32>
        %add3A_1053 = arith.addf %add3A_1046, %get3A_1052 : vector<16xf32>
        %add3A_1054 = arith.constant 9 : i32
        %add3A_1055 = arith.addi %mul3A_285, %add3A_1054 : i32
        %get3A_1056 = arith.index_cast %add3A_1055 : i32 to index
        %get3A_1057 = arith.constant 80 : index
        %get3A_1058 = tpu.vector_load %arg12[%get3A_1056, %get3A_1057] {strides = array<i32>} : memref<160x128xf32, #tpu.memory_space<vmem>>, vector<1x16xf32>,
        %get3A_1059 = vector.shape_cast %get3A_1058 : vector<1x16xf32> to vector<16xf32>
        %add3A_1060 = arith.addf %add3A_1053, %get3A_1059 : vector<16xf32>
        %add3A_1061 = arith.constant 10 : i32
        %add3A_1062 = arith.addi %mul3A_285, %add3A_1061 : i32
        %get3A_1063 = arith.index_cast %add3A_1062 : i32 to index
        %get3A_1064 = arith.constant 80 : index
        %get3A_1065 = tpu.vector_load %arg12[%get3A_1063, %get3A_1064] {strides = array<i32>} : memref<160x128xf32, #tpu.memory_space<vmem>>, vector<1x16xf32>,
        %get3A_1066 = vector.shape_cast %get3A_1065 : vector<1x16xf32> to vector<16xf32>
        %add3A_1067 = arith.addf %add3A_1060, %get3A_1066 : vector<16xf32>
        %add3A_1068 = arith.constant 11 : i32
        %add3A_1069 = arith.addi %mul3A_285, %add3A_1068 : i32
        %get3A_1070 = arith.index_cast %add3A_1069 : i32 to index
        %get3A_1071 = arith.constant 80 : index
        %get3A_1072 = tpu.vector_load %arg12[%get3A_1070, %get3A_1071] {strides = array<i32>} : memref<160x128xf32, #tpu.memory_space<vmem>>, vector<1x16xf32>,
        %get3A_1073 = vector.shape_cast %get3A_1072 : vector<1x16xf32> to vector<16xf32>
        %add3A_1074 = arith.addf %add3A_1067, %get3A_1073 : vector<16xf32>
        %add3A_1075 = arith.constant 12 : i32
        %add3A_1076 = arith.addi %mul3A_285, %add3A_1075 : i32
        %get3A_1077 = arith.index_cast %add3A_1076 : i32 to index
        %get3A_1078 = arith.constant 80 : index
        %get3A_1079 = tpu.vector_load %arg12[%get3A_1077, %get3A_1078] {strides = array<i32>} : memref<160x128xf32, #tpu.memory_space<vmem>>, vector<1x16xf32>,
        %get3A_1080 = vector.shape_cast %get3A_1079 : vector<1x16xf32> to vector<16xf32>
        %add3A_1081 = arith.addf %add3A_1074, %get3A_1080 : vector<16xf32>
        %add3A_1082 = arith.constant 13 : i32
        %add3A_1083 = arith.addi %mul3A_285, %add3A_1082 : i32
        %get3A_1084 = arith.index_cast %add3A_1083 : i32 to index
        %get3A_1085 = arith.constant 80 : index
        %get3A_1086 = tpu.vector_load %arg12[%get3A_1084, %get3A_1085] {strides = array<i32>} : memref<160x128xf32, #tpu.memory_space<vmem>>, vector<1x16xf32>,
        %get3A_1087 = vector.shape_cast %get3A_1086 : vector<1x16xf32> to vector<16xf32>
        %add3A_1088 = arith.addf %add3A_1081, %get3A_1087 : vector<16xf32>
        %add3A_1089 = arith.constant 14 : i32
        %add3A_1090 = arith.addi %mul3A_285, %add3A_1089 : i32
        %get3A_1091 = arith.index_cast %add3A_1090 : i32 to index
        %get3A_1092 = arith.constant 80 : index
        %get3A_1093 = tpu.vector_load %arg12[%get3A_1091, %get3A_1092] {strides = array<i32>} : memref<160x128xf32, #tpu.memory_space<vmem>>, vector<1x16xf32>,
        %get3A_1094 = vector.shape_cast %get3A_1093 : vector<1x16xf32> to vector<16xf32>
        %add3A_1095 = arith.addf %add3A_1088, %get3A_1094 : vector<16xf32>
        %add3A_1096 = arith.constant 15 : i32
        %add3A_1097 = arith.addi %mul3A_285, %add3A_1096 : i32
        %get3A_1098 = arith.index_cast %add3A_1097 : i32 to index
        %get3A_1099 = arith.constant 80 : index
        %get3A_1100 = tpu.vector_load %arg12[%get3A_1098, %get3A_1099] {strides = array<i32>} : memref<160x128xf32, #tpu.memory_space<vmem>>, vector<1x16xf32>,
        %get3A_1101 = vector.shape_cast %get3A_1100 : vector<1x16xf32> to vector<16xf32>
        %add3A_1102 = arith.addf %add3A_1095, %get3A_1101 : vector<16xf32>
        %add3A_1103 = arith.constant 16 : i32
        %add3A_1104 = arith.addi %mul3A_285, %add3A_1103 : i32
        %get3A_1105 = arith.index_cast %add3A_1104 : i32 to index
        %get3A_1106 = arith.constant 80 : index
        %get3A_1107 = tpu.vector_load %arg12[%get3A_1105, %get3A_1106] {strides = array<i32>} : memref<160x128xf32, #tpu.memory_space<vmem>>, vector<1x16xf32>,
        %get3A_1108 = vector.shape_cast %get3A_1107 : vector<1x16xf32> to vector<16xf32>
        %add3A_1109 = arith.addf %add3A_1102, %get3A_1108 : vector<16xf32>
        %add3A_1110 = arith.constant 17 : i32
        %add3A_1111 = arith.addi %mul3A_285, %add3A_1110 : i32
        %get3A_1112 = arith.index_cast %add3A_1111 : i32 to index
        %get3A_1113 = arith.constant 80 : index
        %get3A_1114 = tpu.vector_load %arg12[%get3A_1112, %get3A_1113] {strides = array<i32>} : memref<160x128xf32, #tpu.memory_space<vmem>>, vector<1x16xf32>,
        %get3A_1115 = vector.shape_cast %get3A_1114 : vector<1x16xf32> to vector<16xf32>
        %add3A_1116 = arith.addf %add3A_1109, %get3A_1115 : vector<16xf32>
        %add3A_1117 = arith.constant 18 : i32
        %add3A_1118 = arith.addi %mul3A_285, %add3A_1117 : i32
        %get3A_1119 = arith.index_cast %add3A_1118 : i32 to index
        %get3A_1120 = arith.constant 80 : index
        %get3A_1121 = tpu.vector_load %arg12[%get3A_1119, %get3A_1120] {strides = array<i32>} : memref<160x128xf32, #tpu.memory_space<vmem>>, vector<1x16xf32>,
        %get3A_1122 = vector.shape_cast %get3A_1121 : vector<1x16xf32> to vector<16xf32>
        %add3A_1123 = arith.addf %add3A_1116, %get3A_1122 : vector<16xf32>
        %add3A_1124 = arith.constant 19 : i32
        %add3A_1125 = arith.addi %mul3A_285, %add3A_1124 : i32
        %get3A_1126 = arith.index_cast %add3A_1125 : i32 to index
        %get3A_1127 = arith.constant 80 : index
        %get3A_1128 = tpu.vector_load %arg12[%get3A_1126, %get3A_1127] {strides = array<i32>} : memref<160x128xf32, #tpu.memory_space<vmem>>, vector<1x16xf32>,
        %get3A_1129 = vector.shape_cast %get3A_1128 : vector<1x16xf32> to vector<16xf32>
        %add3A_1130 = arith.addf %add3A_1123, %get3A_1129 : vector<16xf32>
        %swap3A_1131 = arith.index_cast %scan3A_283 : i32 to index
        %swap3A_1132 = arith.constant 80 : index
        %swap3A_1133 = tpu.vector_load %arg16[%swap3A_1131, %swap3A_1132] {strides = array<i32>} : memref<8x128xf32, #tpu.memory_space<vmem>>, vector<1x16xf32>,
        %swap3A_1134 = vector.shape_cast %swap3A_1133 : vector<1x16xf32> to vector<16xf32>
        %swap3A_1135 = vector.shape_cast %add3A_1130 : vector<16xf32> to vector<1x16xf32>
        tpu.vector_store %arg16[%swap3A_1131, %swap3A_1132], %swap3A_1135 {strides = array<i32>} : memref<8x128xf32, #tpu.memory_space<vmem>>, vector<1x16xf32>,
        %get3A_1136 = arith.index_cast %mul3A_285 : i32 to index
        %get3A_1137 = arith.constant 96 : index
        %get3A_1138 = tpu.vector_load %arg12[%get3A_1136, %get3A_1137] {strides = array<i32>} : memref<160x128xf32, #tpu.memory_space<vmem>>, vector<1x16xf32>,
        %get3A_1139 = vector.shape_cast %get3A_1138 : vector<1x16xf32> to vector<16xf32>
        %add3A_1140 = arith.constant 1 : i32
        %add3A_1141 = arith.addi %mul3A_285, %add3A_1140 : i32
        %get3A_1142 = arith.index_cast %add3A_1141 : i32 to index
        %get3A_1143 = arith.constant 96 : index
        %get3A_1144 = tpu.vector_load %arg12[%get3A_1142, %get3A_1143] {strides = array<i32>} : memref<160x128xf32, #tpu.memory_space<vmem>>, vector<1x16xf32>,
        %get3A_1145 = vector.shape_cast %get3A_1144 : vector<1x16xf32> to vector<16xf32>
        %add3A_1146 = arith.addf %get3A_1139, %get3A_1145 : vector<16xf32>
        %add3A_1147 = arith.constant 2 : i32
        %add3A_1148 = arith.addi %mul3A_285, %add3A_1147 : i32
        %get3A_1149 = arith.index_cast %add3A_1148 : i32 to index
        %get3A_1150 = arith.constant 96 : index
        %get3A_1151 = tpu.vector_load %arg12[%get3A_1149, %get3A_1150] {strides = array<i32>} : memref<160x128xf32, #tpu.memory_space<vmem>>, vector<1x16xf32>,
        %get3A_1152 = vector.shape_cast %get3A_1151 : vector<1x16xf32> to vector<16xf32>
        %add3A_1153 = arith.addf %add3A_1146, %get3A_1152 : vector<16xf32>
        %add3A_1154 = arith.constant 3 : i32
        %add3A_1155 = arith.addi %mul3A_285, %add3A_1154 : i32
        %get3A_1156 = arith.index_cast %add3A_1155 : i32 to index
        %get3A_1157 = arith.constant 96 : index
        %get3A_1158 = tpu.vector_load %arg12[%get3A_1156, %get3A_1157] {strides = array<i32>} : memref<160x128xf32, #tpu.memory_space<vmem>>, vector<1x16xf32>,
        %get3A_1159 = vector.shape_cast %get3A_1158 : vector<1x16xf32> to vector<16xf32>
        %add3A_1160 = arith.addf %add3A_1153, %get3A_1159 : vector<16xf32>
        %add3A_1161 = arith.constant 4 : i32
        %add3A_1162 = arith.addi %mul3A_285, %add3A_1161 : i32
        %get3A_1163 = arith.index_cast %add3A_1162 : i32 to index
        %get3A_1164 = arith.constant 96 : index
        %get3A_1165 = tpu.vector_load %arg12[%get3A_1163, %get3A_1164] {strides = array<i32>} : memref<160x128xf32, #tpu.memory_space<vmem>>, vector<1x16xf32>,
        %get3A_1166 = vector.shape_cast %get3A_1165 : vector<1x16xf32> to vector<16xf32>
        %add3A_1167 = arith.addf %add3A_1160, %get3A_1166 : vector<16xf32>
        %add3A_1168 = arith.constant 5 : i32
        %add3A_1169 = arith.addi %mul3A_285, %add3A_1168 : i32
        %get3A_1170 = arith.index_cast %add3A_1169 : i32 to index
        %get3A_1171 = arith.constant 96 : index
        %get3A_1172 = tpu.vector_load %arg12[%get3A_1170, %get3A_1171] {strides = array<i32>} : memref<160x128xf32, #tpu.memory_space<vmem>>, vector<1x16xf32>,
        %get3A_1173 = vector.shape_cast %get3A_1172 : vector<1x16xf32> to vector<16xf32>
        %add3A_1174 = arith.addf %add3A_1167, %get3A_1173 : vector<16xf32>
        %add3A_1175 = arith.constant 6 : i32
        %add3A_1176 = arith.addi %mul3A_285, %add3A_1175 : i32
        %get3A_1177 = arith.index_cast %add3A_1176 : i32 to index
        %get3A_1178 = arith.constant 96 : index
        %get3A_1179 = tpu.vector_load %arg12[%get3A_1177, %get3A_1178] {strides = array<i32>} : memref<160x128xf32, #tpu.memory_space<vmem>>, vector<1x16xf32>,
        %get3A_1180 = vector.shape_cast %get3A_1179 : vector<1x16xf32> to vector<16xf32>
        %add3A_1181 = arith.addf %add3A_1174, %get3A_1180 : vector<16xf32>
        %add3A_1182 = arith.constant 7 : i32
        %add3A_1183 = arith.addi %mul3A_285, %add3A_1182 : i32
        %get3A_1184 = arith.index_cast %add3A_1183 : i32 to index
        %get3A_1185 = arith.constant 96 : index
        %get3A_1186 = tpu.vector_load %arg12[%get3A_1184, %get3A_1185] {strides = array<i32>} : memref<160x128xf32, #tpu.memory_space<vmem>>, vector<1x16xf32>,
        %get3A_1187 = vector.shape_cast %get3A_1186 : vector<1x16xf32> to vector<16xf32>
        %add3A_1188 = arith.addf %add3A_1181, %get3A_1187 : vector<16xf32>
        %add3A_1189 = arith.constant 8 : i32
        %add3A_1190 = arith.addi %mul3A_285, %add3A_1189 : i32
        %get3A_1191 = arith.index_cast %add3A_1190 : i32 to index
        %get3A_1192 = arith.constant 96 : index
        %get3A_1193 = tpu.vector_load %arg12[%get3A_1191, %get3A_1192] {strides = array<i32>} : memref<160x128xf32, #tpu.memory_space<vmem>>, vector<1x16xf32>,
        %get3A_1194 = vector.shape_cast %get3A_1193 : vector<1x16xf32> to vector<16xf32>
        %add3A_1195 = arith.addf %add3A_1188, %get3A_1194 : vector<16xf32>
        %add3A_1196 = arith.constant 9 : i32
        %add3A_1197 = arith.addi %mul3A_285, %add3A_1196 : i32
        %get3A_1198 = arith.index_cast %add3A_1197 : i32 to index
        %get3A_1199 = arith.constant 96 : index
        %get3A_1200 = tpu.vector_load %arg12[%get3A_1198, %get3A_1199] {strides = array<i32>} : memref<160x128xf32, #tpu.memory_space<vmem>>, vector<1x16xf32>,
        %get3A_1201 = vector.shape_cast %get3A_1200 : vector<1x16xf32> to vector<16xf32>
        %add3A_1202 = arith.addf %add3A_1195, %get3A_1201 : vector<16xf32>
        %add3A_1203 = arith.constant 10 : i32
        %add3A_1204 = arith.addi %mul3A_285, %add3A_1203 : i32
        %get3A_1205 = arith.index_cast %add3A_1204 : i32 to index
        %get3A_1206 = arith.constant 96 : index
        %get3A_1207 = tpu.vector_load %arg12[%get3A_1205, %get3A_1206] {strides = array<i32>} : memref<160x128xf32, #tpu.memory_space<vmem>>, vector<1x16xf32>,
        %get3A_1208 = vector.shape_cast %get3A_1207 : vector<1x16xf32> to vector<16xf32>
        %add3A_1209 = arith.addf %add3A_1202, %get3A_1208 : vector<16xf32>
        %add3A_1210 = arith.constant 11 : i32
        %add3A_1211 = arith.addi %mul3A_285, %add3A_1210 : i32
        %get3A_1212 = arith.index_cast %add3A_1211 : i32 to index
        %get3A_1213 = arith.constant 96 : index
        %get3A_1214 = tpu.vector_load %arg12[%get3A_1212, %get3A_1213] {strides = array<i32>} : memref<160x128xf32, #tpu.memory_space<vmem>>, vector<1x16xf32>,
        %get3A_1215 = vector.shape_cast %get3A_1214 : vector<1x16xf32> to vector<16xf32>
        %add3A_1216 = arith.addf %add3A_1209, %get3A_1215 : vector<16xf32>
        %add3A_1217 = arith.constant 12 : i32
        %add3A_1218 = arith.addi %mul3A_285, %add3A_1217 : i32
        %get3A_1219 = arith.index_cast %add3A_1218 : i32 to index
        %get3A_1220 = arith.constant 96 : index
        %get3A_1221 = tpu.vector_load %arg12[%get3A_1219, %get3A_1220] {strides = array<i32>} : memref<160x128xf32, #tpu.memory_space<vmem>>, vector<1x16xf32>,
        %get3A_1222 = vector.shape_cast %get3A_1221 : vector<1x16xf32> to vector<16xf32>
        %add3A_1223 = arith.addf %add3A_1216, %get3A_1222 : vector<16xf32>
        %add3A_1224 = arith.constant 13 : i32
        %add3A_1225 = arith.addi %mul3A_285, %add3A_1224 : i32
        %get3A_1226 = arith.index_cast %add3A_1225 : i32 to index
        %get3A_1227 = arith.constant 96 : index
        %get3A_1228 = tpu.vector_load %arg12[%get3A_1226, %get3A_1227] {strides = array<i32>} : memref<160x128xf32, #tpu.memory_space<vmem>>, vector<1x16xf32>,
        %get3A_1229 = vector.shape_cast %get3A_1228 : vector<1x16xf32> to vector<16xf32>
        %add3A_1230 = arith.addf %add3A_1223, %get3A_1229 : vector<16xf32>
        %add3A_1231 = arith.constant 14 : i32
        %add3A_1232 = arith.addi %mul3A_285, %add3A_1231 : i32
        %get3A_1233 = arith.index_cast %add3A_1232 : i32 to index
        %get3A_1234 = arith.constant 96 : index
        %get3A_1235 = tpu.vector_load %arg12[%get3A_1233, %get3A_1234] {strides = array<i32>} : memref<160x128xf32, #tpu.memory_space<vmem>>, vector<1x16xf32>,
        %get3A_1236 = vector.shape_cast %get3A_1235 : vector<1x16xf32> to vector<16xf32>
        %add3A_1237 = arith.addf %add3A_1230, %get3A_1236 : vector<16xf32>
        %add3A_1238 = arith.constant 15 : i32
        %add3A_1239 = arith.addi %mul3A_285, %add3A_1238 : i32
        %get3A_1240 = arith.index_cast %add3A_1239 : i32 to index
        %get3A_1241 = arith.constant 96 : index
        %get3A_1242 = tpu.vector_load %arg12[%get3A_1240, %get3A_1241] {strides = array<i32>} : memref<160x128xf32, #tpu.memory_space<vmem>>, vector<1x16xf32>,
        %get3A_1243 = vector.shape_cast %get3A_1242 : vector<1x16xf32> to vector<16xf32>
        %add3A_1244 = arith.addf %add3A_1237, %get3A_1243 : vector<16xf32>
        %add3A_1245 = arith.constant 16 : i32
        %add3A_1246 = arith.addi %mul3A_285, %add3A_1245 : i32
        %get3A_1247 = arith.index_cast %add3A_1246 : i32 to index
        %get3A_1248 = arith.constant 96 : index
        %get3A_1249 = tpu.vector_load %arg12[%get3A_1247, %get3A_1248] {strides = array<i32>} : memref<160x128xf32, #tpu.memory_space<vmem>>, vector<1x16xf32>,
        %get3A_1250 = vector.shape_cast %get3A_1249 : vector<1x16xf32> to vector<16xf32>
        %add3A_1251 = arith.addf %add3A_1244, %get3A_1250 : vector<16xf32>
        %add3A_1252 = arith.constant 17 : i32
        %add3A_1253 = arith.addi %mul3A_285, %add3A_1252 : i32
        %get3A_1254 = arith.index_cast %add3A_1253 : i32 to index
        %get3A_1255 = arith.constant 96 : index
        %get3A_1256 = tpu.vector_load %arg12[%get3A_1254, %get3A_1255] {strides = array<i32>} : memref<160x128xf32, #tpu.memory_space<vmem>>, vector<1x16xf32>,
        %get3A_1257 = vector.shape_cast %get3A_1256 : vector<1x16xf32> to vector<16xf32>
        %add3A_1258 = arith.addf %add3A_1251, %get3A_1257 : vector<16xf32>
        %add3A_1259 = arith.constant 18 : i32
        %add3A_1260 = arith.addi %mul3A_285, %add3A_1259 : i32
        %get3A_1261 = arith.index_cast %add3A_1260 : i32 to index
        %get3A_1262 = arith.constant 96 : index
        %get3A_1263 = tpu.vector_load %arg12[%get3A_1261, %get3A_1262] {strides = array<i32>} : memref<160x128xf32, #tpu.memory_space<vmem>>, vector<1x16xf32>,
        %get3A_1264 = vector.shape_cast %get3A_1263 : vector<1x16xf32> to vector<16xf32>
        %add3A_1265 = arith.addf %add3A_1258, %get3A_1264 : vector<16xf32>
        %add3A_1266 = arith.constant 19 : i32
        %add3A_1267 = arith.addi %mul3A_285, %add3A_1266 : i32
        %get3A_1268 = arith.index_cast %add3A_1267 : i32 to index
        %get3A_1269 = arith.constant 96 : index
        %get3A_1270 = tpu.vector_load %arg12[%get3A_1268, %get3A_1269] {strides = array<i32>} : memref<160x128xf32, #tpu.memory_space<vmem>>, vector<1x16xf32>,
        %get3A_1271 = vector.shape_cast %get3A_1270 : vector<1x16xf32> to vector<16xf32>
        %add3A_1272 = arith.addf %add3A_1265, %get3A_1271 : vector<16xf32>
        %swap3A_1273 = arith.index_cast %scan3A_283 : i32 to index
        %swap3A_1274 = arith.constant 96 : index
        %swap3A_1275 = tpu.vector_load %arg16[%swap3A_1273, %swap3A_1274] {strides = array<i32>} : memref<8x128xf32, #tpu.memory_space<vmem>>, vector<1x16xf32>,
        %swap3A_1276 = vector.shape_cast %swap3A_1275 : vector<1x16xf32> to vector<16xf32>
        %swap3A_1277 = vector.shape_cast %add3A_1272 : vector<16xf32> to vector<1x16xf32>
        tpu.vector_store %arg16[%swap3A_1273, %swap3A_1274], %swap3A_1277 {strides = array<i32>} : memref<8x128xf32, #tpu.memory_space<vmem>>, vector<1x16xf32>,
        %get3A_1278 = arith.index_cast %mul3A_285 : i32 to index
        %get3A_1279 = arith.constant 112 : index
        %get3A_1280 = tpu.vector_load %arg12[%get3A_1278, %get3A_1279] {strides = array<i32>} : memref<160x128xf32, #tpu.memory_space<vmem>>, vector<1x16xf32>,
        %get3A_1281 = vector.shape_cast %get3A_1280 : vector<1x16xf32> to vector<16xf32>
        %add3A_1282 = arith.constant 1 : i32
        %add3A_1283 = arith.addi %mul3A_285, %add3A_1282 : i32
        %get3A_1284 = arith.index_cast %add3A_1283 : i32 to index
        %get3A_1285 = arith.constant 112 : index
        %get3A_1286 = tpu.vector_load %arg12[%get3A_1284, %get3A_1285] {strides = array<i32>} : memref<160x128xf32, #tpu.memory_space<vmem>>, vector<1x16xf32>,
        %get3A_1287 = vector.shape_cast %get3A_1286 : vector<1x16xf32> to vector<16xf32>
        %add3A_1288 = arith.addf %get3A_1281, %get3A_1287 : vector<16xf32>
        %add3A_1289 = arith.constant 2 : i32
        %add3A_1290 = arith.addi %mul3A_285, %add3A_1289 : i32
        %get3A_1291 = arith.index_cast %add3A_1290 : i32 to index
        %get3A_1292 = arith.constant 112 : index
        %get3A_1293 = tpu.vector_load %arg12[%get3A_1291, %get3A_1292] {strides = array<i32>} : memref<160x128xf32, #tpu.memory_space<vmem>>, vector<1x16xf32>,
        %get3A_1294 = vector.shape_cast %get3A_1293 : vector<1x16xf32> to vector<16xf32>
        %add3A_1295 = arith.addf %add3A_1288, %get3A_1294 : vector<16xf32>
        %add3A_1296 = arith.constant 3 : i32
        %add3A_1297 = arith.addi %mul3A_285, %add3A_1296 : i32
        %get3A_1298 = arith.index_cast %add3A_1297 : i32 to index
        %get3A_1299 = arith.constant 112 : index
        %get3A_1300 = tpu.vector_load %arg12[%get3A_1298, %get3A_1299] {strides = array<i32>} : memref<160x128xf32, #tpu.memory_space<vmem>>, vector<1x16xf32>,
        %get3A_1301 = vector.shape_cast %get3A_1300 : vector<1x16xf32> to vector<16xf32>
        %add3A_1302 = arith.addf %add3A_1295, %get3A_1301 : vector<16xf32>
        %add3A_1303 = arith.constant 4 : i32
        %add3A_1304 = arith.addi %mul3A_285, %add3A_1303 : i32
        %get3A_1305 = arith.index_cast %add3A_1304 : i32 to index
        %get3A_1306 = arith.constant 112 : index
        %get3A_1307 = tpu.vector_load %arg12[%get3A_1305, %get3A_1306] {strides = array<i32>} : memref<160x128xf32, #tpu.memory_space<vmem>>, vector<1x16xf32>,
        %get3A_1308 = vector.shape_cast %get3A_1307 : vector<1x16xf32> to vector<16xf32>
        %add3A_1309 = arith.addf %add3A_1302, %get3A_1308 : vector<16xf32>
        %add3A_1310 = arith.constant 5 : i32
        %add3A_1311 = arith.addi %mul3A_285, %add3A_1310 : i32
        %get3A_1312 = arith.index_cast %add3A_1311 : i32 to index
        %get3A_1313 = arith.constant 112 : index
        %get3A_1314 = tpu.vector_load %arg12[%get3A_1312, %get3A_1313] {strides = array<i32>} : memref<160x128xf32, #tpu.memory_space<vmem>>, vector<1x16xf32>,
        %get3A_1315 = vector.shape_cast %get3A_1314 : vector<1x16xf32> to vector<16xf32>
        %add3A_1316 = arith.addf %add3A_1309, %get3A_1315 : vector<16xf32>
        %add3A_1317 = arith.constant 6 : i32
        %add3A_1318 = arith.addi %mul3A_285, %add3A_1317 : i32
        %get3A_1319 = arith.index_cast %add3A_1318 : i32 to index
        %get3A_1320 = arith.constant 112 : index
        %get3A_1321 = tpu.vector_load %arg12[%get3A_1319, %get3A_1320] {strides = array<i32>} : memref<160x128xf32, #tpu.memory_space<vmem>>, vector<1x16xf32>,
        %get3A_1322 = vector.shape_cast %get3A_1321 : vector<1x16xf32> to vector<16xf32>
        %add3A_1323 = arith.addf %add3A_1316, %get3A_1322 : vector<16xf32>
        %add3A_1324 = arith.constant 7 : i32
        %add3A_1325 = arith.addi %mul3A_285, %add3A_1324 : i32
        %get3A_1326 = arith.index_cast %add3A_1325 : i32 to index
        %get3A_1327 = arith.constant 112 : index
        %get3A_1328 = tpu.vector_load %arg12[%get3A_1326, %get3A_1327] {strides = array<i32>} : memref<160x128xf32, #tpu.memory_space<vmem>>, vector<1x16xf32>,
        %get3A_1329 = vector.shape_cast %get3A_1328 : vector<1x16xf32> to vector<16xf32>
        %add3A_1330 = arith.addf %add3A_1323, %get3A_1329 : vector<16xf32>
        %add3A_1331 = arith.constant 8 : i32
        %add3A_1332 = arith.addi %mul3A_285, %add3A_1331 : i32
        %get3A_1333 = arith.index_cast %add3A_1332 : i32 to index
        %get3A_1334 = arith.constant 112 : index
        %get3A_1335 = tpu.vector_load %arg12[%get3A_1333, %get3A_1334] {strides = array<i32>} : memref<160x128xf32, #tpu.memory_space<vmem>>, vector<1x16xf32>,
        %get3A_1336 = vector.shape_cast %get3A_1335 : vector<1x16xf32> to vector<16xf32>
        %add3A_1337 = arith.addf %add3A_1330, %get3A_1336 : vector<16xf32>
        %add3A_1338 = arith.constant 9 : i32
        %add3A_1339 = arith.addi %mul3A_285, %add3A_1338 : i32
        %get3A_1340 = arith.index_cast %add3A_1339 : i32 to index
        %get3A_1341 = arith.constant 112 : index
        %get3A_1342 = tpu.vector_load %arg12[%get3A_1340, %get3A_1341] {strides = array<i32>} : memref<160x128xf32, #tpu.memory_space<vmem>>, vector<1x16xf32>,
        %get3A_1343 = vector.shape_cast %get3A_1342 : vector<1x16xf32> to vector<16xf32>
        %add3A_1344 = arith.addf %add3A_1337, %get3A_1343 : vector<16xf32>
        %add3A_1345 = arith.constant 10 : i32
        %add3A_1346 = arith.addi %mul3A_285, %add3A_1345 : i32
        %get3A_1347 = arith.index_cast %add3A_1346 : i32 to index
        %get3A_1348 = arith.constant 112 : index
        %get3A_1349 = tpu.vector_load %arg12[%get3A_1347, %get3A_1348] {strides = array<i32>} : memref<160x128xf32, #tpu.memory_space<vmem>>, vector<1x16xf32>,
        %get3A_1350 = vector.shape_cast %get3A_1349 : vector<1x16xf32> to vector<16xf32>
        %add3A_1351 = arith.addf %add3A_1344, %get3A_1350 : vector<16xf32>
        %add3A_1352 = arith.constant 11 : i32
        %add3A_1353 = arith.addi %mul3A_285, %add3A_1352 : i32
        %get3A_1354 = arith.index_cast %add3A_1353 : i32 to index
        %get3A_1355 = arith.constant 112 : index
        %get3A_1356 = tpu.vector_load %arg12[%get3A_1354, %get3A_1355] {strides = array<i32>} : memref<160x128xf32, #tpu.memory_space<vmem>>, vector<1x16xf32>,
        %get3A_1357 = vector.shape_cast %get3A_1356 : vector<1x16xf32> to vector<16xf32>
        %add3A_1358 = arith.addf %add3A_1351, %get3A_1357 : vector<16xf32>
        %add3A_1359 = arith.constant 12 : i32
        %add3A_1360 = arith.addi %mul3A_285, %add3A_1359 : i32
        %get3A_1361 = arith.index_cast %add3A_1360 : i32 to index
        %get3A_1362 = arith.constant 112 : index
        %get3A_1363 = tpu.vector_load %arg12[%get3A_1361, %get3A_1362] {strides = array<i32>} : memref<160x128xf32, #tpu.memory_space<vmem>>, vector<1x16xf32>,
        %get3A_1364 = vector.shape_cast %get3A_1363 : vector<1x16xf32> to vector<16xf32>
        %add3A_1365 = arith.addf %add3A_1358, %get3A_1364 : vector<16xf32>
        %add3A_1366 = arith.constant 13 : i32
        %add3A_1367 = arith.addi %mul3A_285, %add3A_1366 : i32
        %get3A_1368 = arith.index_cast %add3A_1367 : i32 to index
        %get3A_1369 = arith.constant 112 : index
        %get3A_1370 = tpu.vector_load %arg12[%get3A_1368, %get3A_1369] {strides = array<i32>} : memref<160x128xf32, #tpu.memory_space<vmem>>, vector<1x16xf32>,
        %get3A_1371 = vector.shape_cast %get3A_1370 : vector<1x16xf32> to vector<16xf32>
        %add3A_1372 = arith.addf %add3A_1365, %get3A_1371 : vector<16xf32>
        %add3A_1373 = arith.constant 14 : i32
        %add3A_1374 = arith.addi %mul3A_285, %add3A_1373 : i32
        %get3A_1375 = arith.index_cast %add3A_1374 : i32 to index
        %get3A_1376 = arith.constant 112 : index
        %get3A_1377 = tpu.vector_load %arg12[%get3A_1375, %get3A_1376] {strides = array<i32>} : memref<160x128xf32, #tpu.memory_space<vmem>>, vector<1x16xf32>,
        %get3A_1378 = vector.shape_cast %get3A_1377 : vector<1x16xf32> to vector<16xf32>
        %add3A_1379 = arith.addf %add3A_1372, %get3A_1378 : vector<16xf32>
        %add3A_1380 = arith.constant 15 : i32
        %add3A_1381 = arith.addi %mul3A_285, %add3A_1380 : i32
        %get3A_1382 = arith.index_cast %add3A_1381 : i32 to index
        %get3A_1383 = arith.constant 112 : index
        %get3A_1384 = tpu.vector_load %arg12[%get3A_1382, %get3A_1383] {strides = array<i32>} : memref<160x128xf32, #tpu.memory_space<vmem>>, vector<1x16xf32>,
        %get3A_1385 = vector.shape_cast %get3A_1384 : vector<1x16xf32> to vector<16xf32>
        %add3A_1386 = arith.addf %add3A_1379, %get3A_1385 : vector<16xf32>
        %add3A_1387 = arith.constant 16 : i32
        %add3A_1388 = arith.addi %mul3A_285, %add3A_1387 : i32
        %get3A_1389 = arith.index_cast %add3A_1388 : i32 to index
        %get3A_1390 = arith.constant 112 : index
        %get3A_1391 = tpu.vector_load %arg12[%get3A_1389, %get3A_1390] {strides = array<i32>} : memref<160x128xf32, #tpu.memory_space<vmem>>, vector<1x16xf32>,
        %get3A_1392 = vector.shape_cast %get3A_1391 : vector<1x16xf32> to vector<16xf32>
        %add3A_1393 = arith.addf %add3A_1386, %get3A_1392 : vector<16xf32>
        %add3A_1394 = arith.constant 17 : i32
        %add3A_1395 = arith.addi %mul3A_285, %add3A_1394 : i32
        %get3A_1396 = arith.index_cast %add3A_1395 : i32 to index
        %get3A_1397 = arith.constant 112 : index
        %get3A_1398 = tpu.vector_load %arg12[%get3A_1396, %get3A_1397] {strides = array<i32>} : memref<160x128xf32, #tpu.memory_space<vmem>>, vector<1x16xf32>,
        %get3A_1399 = vector.shape_cast %get3A_1398 : vector<1x16xf32> to vector<16xf32>
        %add3A_1400 = arith.addf %add3A_1393, %get3A_1399 : vector<16xf32>
        %add3A_1401 = arith.constant 18 : i32
        %add3A_1402 = arith.addi %mul3A_285, %add3A_1401 : i32
        %get3A_1403 = arith.index_cast %add3A_1402 : i32 to index
        %get3A_1404 = arith.constant 112 : index
        %get3A_1405 = tpu.vector_load %arg12[%get3A_1403, %get3A_1404] {strides = array<i32>} : memref<160x128xf32, #tpu.memory_space<vmem>>, vector<1x16xf32>,
        %get3A_1406 = vector.shape_cast %get3A_1405 : vector<1x16xf32> to vector<16xf32>
        %add3A_1407 = arith.addf %add3A_1400, %get3A_1406 : vector<16xf32>
        %add3A_1408 = arith.constant 19 : i32
        %add3A_1409 = arith.addi %mul3A_285, %add3A_1408 : i32
        %get3A_1410 = arith.index_cast %add3A_1409 : i32 to index
        %get3A_1411 = arith.constant 112 : index
        %get3A_1412 = tpu.vector_load %arg12[%get3A_1410, %get3A_1411] {strides = array<i32>} : memref<160x128xf32, #tpu.memory_space<vmem>>, vector<1x16xf32>,
        %get3A_1413 = vector.shape_cast %get3A_1412 : vector<1x16xf32> to vector<16xf32>
        %add3A_1414 = arith.addf %add3A_1407, %get3A_1413 : vector<16xf32>
        %swap3A_1415 = arith.index_cast %scan3A_283 : i32 to index
        %swap3A_1416 = arith.constant 112 : index
        %swap3A_1417 = tpu.vector_load %arg16[%swap3A_1415, %swap3A_1416] {strides = array<i32>} : memref<8x128xf32, #tpu.memory_space<vmem>>, vector<1x16xf32>,
        %swap3A_1418 = vector.shape_cast %swap3A_1417 : vector<1x16xf32> to vector<16xf32>
        %swap3A_1419 = vector.shape_cast %add3A_1414 : vector<16xf32> to vector<1x16xf32>
        tpu.vector_store %arg16[%swap3A_1415, %swap3A_1416], %swap3A_1419 {strides = array<i32>} : memref<8x128xf32, #tpu.memory_space<vmem>>, vector<1x16xf32>,
      }
      %scan3A_136 = arith.constant 8 : i32
      %mul3A_137 = arith.constant 104 : i32
      %mul3A_138 = arith.muli %add3A, %mul3A_137 : i32
      %add3A_139 = arith.addi %mul3A_138, %scan3A_53 : i32
      %jit3A = arith.constant 128 : i32
      %div3A = arith.divsi %add3A_139, %jit3A : i32
      %sign3A = arith.constant 0 : i32
      %sign3A_140 = arith.cmpi sgt, %add3A_139, %sign3A : i32
      %sign3A_141 = arith.extui %sign3A_140 : i1 to i32
      %sign3A_142 = arith.constant 0 : i32
      %sign3A_143 = arith.cmpi slt, %add3A_139, %sign3A_142 : i32
      %sign3A_144 = arith.extui %sign3A_143 : i1 to i32
      %sign3A_145 = arith.subi %sign3A_141, %sign3A_144 : i32
      %sign3A_146 = arith.constant 0 : i32
      %sign3A_147 = arith.cmpi sgt, %jit3A, %sign3A_146 : i32
      %sign3A_148 = arith.extui %sign3A_147 : i1 to i32
      %sign3A_149 = arith.constant 0 : i32
      %sign3A_150 = arith.cmpi slt, %jit3A, %sign3A_149 : i32
      %sign3A_151 = arith.extui %sign3A_150 : i1 to i32
      %sign3A_152 = arith.subi %sign3A_148, %sign3A_151 : i32
      %ne3A = arith.cmpi ne, %sign3A_145, %sign3A_152 : i32
      %rem3A = arith.remsi %add3A_139, %jit3A : i32
      %ne3A_153 = arith.constant 0 : i32
      %ne3A_154 = arith.cmpi ne, %rem3A, %ne3A_153 : i32
      %and3A = arith.andi %ne3A, %ne3A_154 : i1
      %sub3A = arith.constant 1 : i32
      %sub3A_155 = arith.subi %div3A, %sub3A : i32
      %select_n3A = arith.select %and3A, %sub3A_155, %div3A : i32
      %jit3A_156 = arith.constant 128 : i32
      %eq3A = arith.constant 0 : i32
      %eq3A_157 = arith.cmpi eq, %jit3A_156, %eq3A : i32
      %jit3A_158 = arith.constant 1 : i32
      %select_n3A_159 = arith.select %eq3A_157, %jit3A_158, %jit3A_156 : i32
      %rem3A_160 = arith.remsi %add3A_139, %select_n3A_159 : i32
      %ne3A_161 = arith.constant 0 : i32
      %ne3A_162 = arith.cmpi ne, %rem3A_160, %ne3A_161 : i32
      %lt3A = arith.constant 0 : i32
      %lt3A_163 = arith.cmpi slt, %rem3A_160, %lt3A : i32
      %lt3A_164 = arith.constant 0 : i32
      %lt3A_165 = arith.cmpi slt, %select_n3A_159, %lt3A_164 : i32
      %ne3A_166 = arith.xori %lt3A_163, %lt3A_165 : i1
      %and3A_167 = arith.andi %ne3A_166, %ne3A_162 : i1
      %add3A_168 = arith.addi %rem3A_160, %select_n3A_159 : i32
      %select_n3A_169 = arith.select %and3A_167, %add3A_168, %rem3A_160 : i32
      %mul3A_170 = arith.constant 8 : i32
      %mul3A_171 = arith.muli %select_n3A_169, %mul3A_170 : i32
      %multiple_of3A_172 = tpu.assume_multiple %mul3A_171, 8 : i32
      %mul3A_173 = arith.constant 128 : i32
      %mul3A_174 = arith.muli %select_n3A, %mul3A_173 : i32
      %multiple_of3A_175 = tpu.assume_multiple %mul3A_174, 128 : i32
      %dma_start3A_176 = tpu.memref_slice %arg7[%multiple_of3A_172, %multiple_of3A_175] : memref<1024x3328xf32, #tpu.memory_space<hbm>> -> memref<8x128xf32, #tpu.memory_space<hbm>>
      %dma_start3A_177 = tpu.memref_slice %arg7[%multiple_of3A_172, %multiple_of3A_175] : memref<1024x3328xf32, #tpu.memory_space<hbm>> -> memref<8x128xf32, #tpu.memory_space<hbm>>
      tpu.enqueue_dma source(%arg16 : memref<8x128xf32, #tpu.memory_space<vmem>>) target(%dma_start3A_177 : memref<8x128xf32, #tpu.memory_space<hbm>>) target_semaphore(%arg23 : memref<!tpu.dma_semaphore, #tpu.memory_space<semaphore_mem>>)
      %add3A_178 = arith.constant 1 : i32
      %add3A_179 = arith.addi %scan3A_53, %add3A_178 : i32
      %dma_wait3A_180 = arith.constant 0 : i32
      %dma_wait3A_181 = arith.constant 0 : i32
      %dma_wait3A_182 = tpu.memref_slice %arg8[%dma_wait3A_180, %dma_wait3A_181] : memref<532480x128xf32, #tpu.memory_space<hbm>> -> memref<160x128xf32, #tpu.memory_space<hbm>>
      %dma_wait3A_183 = arith.constant 0 : i32
      %dma_wait3A_184 = arith.constant 0 : i32
      %dma_wait3A_185 = tpu.memref_slice %arg8[%dma_wait3A_183, %dma_wait3A_184] : memref<532480x128xf32, #tpu.memory_space<hbm>> -> memref<160x128xf32, #tpu.memory_space<hbm>>
      tpu.wait_dma2 semaphore(%arg22 : memref<!tpu.dma_semaphore, #tpu.memory_space<semaphore_mem>>) src(%arg11 : memref<160x128xf32, #tpu.memory_space<vmem>>) dst(%dma_wait3A_185 : memref<160x128xf32, #tpu.memory_space<hbm>>)
      %lt3A_186 = arith.constant 104 : i32
      %lt3A_187 = arith.cmpi slt, %add3A_179, %lt3A_186 : i32
      %convert_element_type3A_188 = arith.extui %lt3A_187 : i1 to i32
      %cond3A_189 = arith.constant 0 : i32
      %cond3A_190 = arith.cmpi ne, %convert_element_type3A_188, %cond3A_189 : i32
      scf.if %cond3A_190 {
        %mul3A_283 = arith.constant 160 : i32
        %mul3A_284 = arith.muli %add3A_179, %mul3A_283 : i32
        %add3A_285 = arith.constant 0 : i32
        %add3A_286 = arith.addi %mul3A_284, %add3A_285 : i32
        %multiple_of3A_287 = tpu.assume_multiple %add3A_286, 8 : i32
        %dma_start3A_288 = arith.constant 0 : i32
        %dma_start3A_289 = arith.constant 0 : i32
        %dma_start3A_290 = tpu.memref_slice %arg11[%dma_start3A_288, %dma_start3A_289] : memref<160x128xf32, #tpu.memory_space<vmem>> -> memref<80x128xf32, #tpu.memory_space<vmem>>
        %dma_start3A_291 = tpu.memref_slice %arg15[%multiple_of3A_287] : memref<16640xi32, #tpu.memory_space<vmem>> -> memref<80xi32, #tpu.memory_space<vmem>>
        %dma_start3A_292 = arith.constant 0 : i32
        %dma_start3A_293 = arith.constant 0 : i32
        %dma_start3A_294 = tpu.memref_slice %arg4[%dma_start3A_292, %dma_start3A_293] : memref<100000x128xf32, #tpu.memory_space<hbm>> -> memref<100000x128xf32, #tpu.memory_space<hbm>>
        tpu.enqueue_indirect_dma source(%dma_start3A_294 : memref<100000x128xf32, #tpu.memory_space<hbm>>) target(%dma_start3A_290 : memref<80x128xf32, #tpu.memory_space<vmem>>) offsets(%dma_start3A_291 : memref<80xi32, #tpu.memory_space<vmem>>) semaphore(%arg18 : memref<!tpu.dma_semaphore, #tpu.memory_space<semaphore_mem>>)
        %mul3A_295 = arith.constant 160 : i32
        %mul3A_296 = arith.muli %add3A_179, %mul3A_295 : i32
        %add3A_297 = arith.constant 80 : i32
        %add3A_298 = arith.addi %mul3A_296, %add3A_297 : i32
        %multiple_of3A_299 = tpu.assume_multiple %add3A_298, 8 : i32
        %dma_start3A_300 = arith.constant 80 : i32
        %dma_start3A_301 = arith.constant 0 : i32
        %dma_start3A_302 = tpu.memref_slice %arg11[%dma_start3A_300, %dma_start3A_301] : memref<160x128xf32, #tpu.memory_space<vmem>> -> memref<80x128xf32, #tpu.memory_space<vmem>>
        %dma_start3A_303 = tpu.memref_slice %arg15[%multiple_of3A_299] : memref<16640xi32, #tpu.memory_space<vmem>> -> memref<80xi32, #tpu.memory_space<vmem>>
        %dma_start3A_304 = arith.constant 0 : i32
        %dma_start3A_305 = arith.constant 0 : i32
        %dma_start3A_306 = tpu.memref_slice %arg4[%dma_start3A_304, %dma_start3A_305] : memref<100000x128xf32, #tpu.memory_space<hbm>> -> memref<100000x128xf32, #tpu.memory_space<hbm>>
        tpu.enqueue_indirect_dma source(%dma_start3A_306 : memref<100000x128xf32, #tpu.memory_space<hbm>>) target(%dma_start3A_302 : memref<80x128xf32, #tpu.memory_space<vmem>>) offsets(%dma_start3A_303 : memref<80xi32, #tpu.memory_space<vmem>>) semaphore(%arg18 : memref<!tpu.dma_semaphore, #tpu.memory_space<semaphore_mem>>)
      } else {
      }
      %dma_wait3A_191 = arith.constant 0 : i32
      %dma_wait3A_192 = arith.constant 0 : i32
      %dma_wait3A_193 = tpu.memref_slice %arg6[%dma_wait3A_191, %dma_wait3A_192] : memref<100000x128xf32, #tpu.memory_space<hbm>> -> memref<160x128xf32, #tpu.memory_space<hbm>>
      %dma_wait3A_194 = arith.constant 0 : i32
      %dma_wait3A_195 = arith.constant 0 : i32
      %dma_wait3A_196 = tpu.memref_slice %arg6[%dma_wait3A_194, %dma_wait3A_195] : memref<100000x128xf32, #tpu.memory_space<hbm>> -> memref<160x128xf32, #tpu.memory_space<hbm>>
      tpu.wait_dma2 semaphore(%arg20 : memref<!tpu.dma_semaphore, #tpu.memory_space<semaphore_mem>>) src(%dma_wait3A_196 : memref<160x128xf32, #tpu.memory_space<hbm>>) dst(%arg13 : memref<160x128xf32, #tpu.memory_space<vmem>>)
      %mul3A_197 = arith.constant 16640 : i32
      %mul3A_198 = arith.muli %add3A, %mul3A_197 : i32
      %mul3A_199 = arith.constant 160 : i32
      %mul3A_200 = arith.muli %scan3A_53, %mul3A_199 : i32
      %add3A_201 = arith.addi %mul3A_198, %mul3A_200 : i32
      %multiple_of3A_202 = tpu.assume_multiple %add3A_201, 160 : i32
      %dma_start3A_203 = arith.constant 0 : i32
      %dma_start3A_204 = tpu.memref_slice %arg10[%multiple_of3A_202, %dma_start3A_203] : memref<532480x128xf32, #tpu.memory_space<hbm>> -> memref<160x128xf32, #tpu.memory_space<hbm>>
      %dma_start3A_205 = arith.constant 0 : i32
      %dma_start3A_206 = tpu.memref_slice %arg10[%multiple_of3A_202, %dma_start3A_205] : memref<532480x128xf32, #tpu.memory_space<hbm>> -> memref<160x128xf32, #tpu.memory_space<hbm>>
      tpu.enqueue_dma source(%arg13 : memref<160x128xf32, #tpu.memory_space<vmem>>) target(%dma_start3A_206 : memref<160x128xf32, #tpu.memory_space<hbm>>) target_semaphore(%arg24 : memref<!tpu.dma_semaphore, #tpu.memory_space<semaphore_mem>>)
      %add3A_207 = arith.constant 1 : i32
      %add3A_208 = arith.addi %scan3A_53, %add3A_207 : i32
      %dma_wait3A_209 = arith.constant 0 : i32
      %dma_wait3A_210 = arith.constant 0 : i32
      %dma_wait3A_211 = tpu.memref_slice %arg7[%dma_wait3A_209, %dma_wait3A_210] : memref<1024x3328xf32, #tpu.memory_space<hbm>> -> memref<8x128xf32, #tpu.memory_space<hbm>>
      %dma_wait3A_212 = arith.constant 0 : i32
      %dma_wait3A_213 = arith.constant 0 : i32
      %dma_wait3A_214 = tpu.memref_slice %arg7[%dma_wait3A_212, %dma_wait3A_213] : memref<1024x3328xf32, #tpu.memory_space<hbm>> -> memref<8x128xf32, #tpu.memory_space<hbm>>
      tpu.wait_dma2 semaphore(%arg23 : memref<!tpu.dma_semaphore, #tpu.memory_space<semaphore_mem>>) src(%arg16 : memref<8x128xf32, #tpu.memory_space<vmem>>) dst(%dma_wait3A_214 : memref<8x128xf32, #tpu.memory_space<hbm>>)
      %lt3A_215 = arith.constant 104 : i32
      %lt3A_216 = arith.cmpi slt, %add3A_208, %lt3A_215 : i32
      %convert_element_type3A_217 = arith.extui %lt3A_216 : i1 to i32
      %cond3A_218 = arith.constant 0 : i32
      %cond3A_219 = arith.cmpi ne, %convert_element_type3A_217, %cond3A_218 : i32
      scf.if %cond3A_219 {
        %mul3A_283 = arith.constant 160 : i32
        %mul3A_284 = arith.muli %add3A_208, %mul3A_283 : i32
        %add3A_285 = arith.constant 0 : i32
        %add3A_286 = arith.addi %mul3A_284, %add3A_285 : i32
        %multiple_of3A_287 = tpu.assume_multiple %add3A_286, 8 : i32
        %dma_start3A_288 = arith.constant 0 : i32
        %dma_start3A_289 = arith.constant 0 : i32
        %dma_start3A_290 = tpu.memref_slice %arg12[%dma_start3A_288, %dma_start3A_289] : memref<160x128xf32, #tpu.memory_space<vmem>> -> memref<80x128xf32, #tpu.memory_space<vmem>>
        %dma_start3A_291 = tpu.memref_slice %arg15[%multiple_of3A_287] : memref<16640xi32, #tpu.memory_space<vmem>> -> memref<80xi32, #tpu.memory_space<vmem>>
        %dma_start3A_292 = arith.constant 0 : i32
        %dma_start3A_293 = arith.constant 0 : i32
        %dma_start3A_294 = tpu.memref_slice %arg3[%dma_start3A_292, %dma_start3A_293] : memref<100000x128xf32, #tpu.memory_space<hbm>> -> memref<100000x128xf32, #tpu.memory_space<hbm>>
        tpu.enqueue_indirect_dma source(%dma_start3A_294 : memref<100000x128xf32, #tpu.memory_space<hbm>>) target(%dma_start3A_290 : memref<80x128xf32, #tpu.memory_space<vmem>>) offsets(%dma_start3A_291 : memref<80xi32, #tpu.memory_space<vmem>>) semaphore(%arg19 : memref<!tpu.dma_semaphore, #tpu.memory_space<semaphore_mem>>)
        %mul3A_295 = arith.constant 160 : i32
        %mul3A_296 = arith.muli %add3A_208, %mul3A_295 : i32
        %add3A_297 = arith.constant 80 : i32
        %add3A_298 = arith.addi %mul3A_296, %add3A_297 : i32
        %multiple_of3A_299 = tpu.assume_multiple %add3A_298, 8 : i32
        %dma_start3A_300 = arith.constant 80 : i32
        %dma_start3A_301 = arith.constant 0 : i32
        %dma_start3A_302 = tpu.memref_slice %arg12[%dma_start3A_300, %dma_start3A_301] : memref<160x128xf32, #tpu.memory_space<vmem>> -> memref<80x128xf32, #tpu.memory_space<vmem>>
        %dma_start3A_303 = tpu.memref_slice %arg15[%multiple_of3A_299] : memref<16640xi32, #tpu.memory_space<vmem>> -> memref<80xi32, #tpu.memory_space<vmem>>
        %dma_start3A_304 = arith.constant 0 : i32
        %dma_start3A_305 = arith.constant 0 : i32
        %dma_start3A_306 = tpu.memref_slice %arg3[%dma_start3A_304, %dma_start3A_305] : memref<100000x128xf32, #tpu.memory_space<hbm>> -> memref<100000x128xf32, #tpu.memory_space<hbm>>
        tpu.enqueue_indirect_dma source(%dma_start3A_306 : memref<100000x128xf32, #tpu.memory_space<hbm>>) target(%dma_start3A_302 : memref<80x128xf32, #tpu.memory_space<vmem>>) offsets(%dma_start3A_303 : memref<80xi32, #tpu.memory_space<vmem>>) semaphore(%arg19 : memref<!tpu.dma_semaphore, #tpu.memory_space<semaphore_mem>>)
      } else {
      }
      %dma_wait3A_220 = arith.constant 0 : i32
      %dma_wait3A_221 = arith.constant 0 : i32
      %dma_wait3A_222 = tpu.memref_slice %arg5[%dma_wait3A_220, %dma_wait3A_221] : memref<100000x128xf32, #tpu.memory_space<hbm>> -> memref<160x128xf32, #tpu.memory_space<hbm>>
      %dma_wait3A_223 = arith.constant 0 : i32
      %dma_wait3A_224 = arith.constant 0 : i32
      %dma_wait3A_225 = tpu.memref_slice %arg5[%dma_wait3A_223, %dma_wait3A_224] : memref<100000x128xf32, #tpu.memory_space<hbm>> -> memref<160x128xf32, #tpu.memory_space<hbm>>
      tpu.wait_dma2 semaphore(%arg21 : memref<!tpu.dma_semaphore, #tpu.memory_space<semaphore_mem>>) src(%dma_wait3A_225 : memref<160x128xf32, #tpu.memory_space<hbm>>) dst(%arg14 : memref<160x128xf32, #tpu.memory_space<vmem>>)
      %scan3A_226 = arith.constant 0 : i32
      %scan3A_227 = arith.constant 0 : i32
      %scan3A_228 = arith.constant 8 : i32
      %scan3A_229 = arith.addi %scan3A_227, %scan3A_228 : i32
      %scan3A_230 = arith.constant 1 : i32
      scf.for %scan3A_283 = %scan3A_227 to %scan3A_229 step %scan3A_230  : i32 {
        %mul3A_284 = arith.constant 20 : i32
        %mul3A_285 = arith.muli %scan3A_283, %mul3A_284 : i32
        %get3A = arith.index_cast %mul3A_285 : i32 to index
        %get3A_286 = arith.constant 0 : index
        %get3A_287 = tpu.vector_load %arg14[%get3A, %get3A_286] {strides = array<i32>} : memref<160x128xf32, #tpu.memory_space<vmem>>, vector<1x16xf32>,
        %get3A_288 = vector.shape_cast %get3A_287 : vector<1x16xf32> to vector<16xf32>
        %add3A_289 = arith.constant 1 : i32
        %add3A_290 = arith.addi %mul3A_285, %add3A_289 : i32
        %get3A_291 = arith.index_cast %add3A_290 : i32 to index
        %get3A_292 = arith.constant 0 : index
        %get3A_293 = tpu.vector_load %arg14[%get3A_291, %get3A_292] {strides = array<i32>} : memref<160x128xf32, #tpu.memory_space<vmem>>, vector<1x16xf32>,
        %get3A_294 = vector.shape_cast %get3A_293 : vector<1x16xf32> to vector<16xf32>
        %add3A_295 = arith.addf %get3A_288, %get3A_294 : vector<16xf32>
        %add3A_296 = arith.constant 2 : i32
        %add3A_297 = arith.addi %mul3A_285, %add3A_296 : i32
        %get3A_298 = arith.index_cast %add3A_297 : i32 to index
        %get3A_299 = arith.constant 0 : index
        %get3A_300 = tpu.vector_load %arg14[%get3A_298, %get3A_299] {strides = array<i32>} : memref<160x128xf32, #tpu.memory_space<vmem>>, vector<1x16xf32>,
        %get3A_301 = vector.shape_cast %get3A_300 : vector<1x16xf32> to vector<16xf32>
        %add3A_302 = arith.addf %add3A_295, %get3A_301 : vector<16xf32>
        %add3A_303 = arith.constant 3 : i32
        %add3A_304 = arith.addi %mul3A_285, %add3A_303 : i32
        %get3A_305 = arith.index_cast %add3A_304 : i32 to index
        %get3A_306 = arith.constant 0 : index
        %get3A_307 = tpu.vector_load %arg14[%get3A_305, %get3A_306] {strides = array<i32>} : memref<160x128xf32, #tpu.memory_space<vmem>>, vector<1x16xf32>,
        %get3A_308 = vector.shape_cast %get3A_307 : vector<1x16xf32> to vector<16xf32>
        %add3A_309 = arith.addf %add3A_302, %get3A_308 : vector<16xf32>
        %add3A_310 = arith.constant 4 : i32
        %add3A_311 = arith.addi %mul3A_285, %add3A_310 : i32
        %get3A_312 = arith.index_cast %add3A_311 : i32 to index
        %get3A_313 = arith.constant 0 : index
        %get3A_314 = tpu.vector_load %arg14[%get3A_312, %get3A_313] {strides = array<i32>} : memref<160x128xf32, #tpu.memory_space<vmem>>, vector<1x16xf32>,
        %get3A_315 = vector.shape_cast %get3A_314 : vector<1x16xf32> to vector<16xf32>
        %add3A_316 = arith.addf %add3A_309, %get3A_315 : vector<16xf32>
        %add3A_317 = arith.constant 5 : i32
        %add3A_318 = arith.addi %mul3A_285, %add3A_317 : i32
        %get3A_319 = arith.index_cast %add3A_318 : i32 to index
        %get3A_320 = arith.constant 0 : index
        %get3A_321 = tpu.vector_load %arg14[%get3A_319, %get3A_320] {strides = array<i32>} : memref<160x128xf32, #tpu.memory_space<vmem>>, vector<1x16xf32>,
        %get3A_322 = vector.shape_cast %get3A_321 : vector<1x16xf32> to vector<16xf32>
        %add3A_323 = arith.addf %add3A_316, %get3A_322 : vector<16xf32>
        %add3A_324 = arith.constant 6 : i32
        %add3A_325 = arith.addi %mul3A_285, %add3A_324 : i32
        %get3A_326 = arith.index_cast %add3A_325 : i32 to index
        %get3A_327 = arith.constant 0 : index
        %get3A_328 = tpu.vector_load %arg14[%get3A_326, %get3A_327] {strides = array<i32>} : memref<160x128xf32, #tpu.memory_space<vmem>>, vector<1x16xf32>,
        %get3A_329 = vector.shape_cast %get3A_328 : vector<1x16xf32> to vector<16xf32>
        %add3A_330 = arith.addf %add3A_323, %get3A_329 : vector<16xf32>
        %add3A_331 = arith.constant 7 : i32
        %add3A_332 = arith.addi %mul3A_285, %add3A_331 : i32
        %get3A_333 = arith.index_cast %add3A_332 : i32 to index
        %get3A_334 = arith.constant 0 : index
        %get3A_335 = tpu.vector_load %arg14[%get3A_333, %get3A_334] {strides = array<i32>} : memref<160x128xf32, #tpu.memory_space<vmem>>, vector<1x16xf32>,
        %get3A_336 = vector.shape_cast %get3A_335 : vector<1x16xf32> to vector<16xf32>
        %add3A_337 = arith.addf %add3A_330, %get3A_336 : vector<16xf32>
        %add3A_338 = arith.constant 8 : i32
        %add3A_339 = arith.addi %mul3A_285, %add3A_338 : i32
        %get3A_340 = arith.index_cast %add3A_339 : i32 to index
        %get3A_341 = arith.constant 0 : index
        %get3A_342 = tpu.vector_load %arg14[%get3A_340, %get3A_341] {strides = array<i32>} : memref<160x128xf32, #tpu.memory_space<vmem>>, vector<1x16xf32>,
        %get3A_343 = vector.shape_cast %get3A_342 : vector<1x16xf32> to vector<16xf32>
        %add3A_344 = arith.addf %add3A_337, %get3A_343 : vector<16xf32>
        %add3A_345 = arith.constant 9 : i32
        %add3A_346 = arith.addi %mul3A_285, %add3A_345 : i32
        %get3A_347 = arith.index_cast %add3A_346 : i32 to index
        %get3A_348 = arith.constant 0 : index
        %get3A_349 = tpu.vector_load %arg14[%get3A_347, %get3A_348] {strides = array<i32>} : memref<160x128xf32, #tpu.memory_space<vmem>>, vector<1x16xf32>,
        %get3A_350 = vector.shape_cast %get3A_349 : vector<1x16xf32> to vector<16xf32>
        %add3A_351 = arith.addf %add3A_344, %get3A_350 : vector<16xf32>
        %add3A_352 = arith.constant 10 : i32
        %add3A_353 = arith.addi %mul3A_285, %add3A_352 : i32
        %get3A_354 = arith.index_cast %add3A_353 : i32 to index
        %get3A_355 = arith.constant 0 : index
        %get3A_356 = tpu.vector_load %arg14[%get3A_354, %get3A_355] {strides = array<i32>} : memref<160x128xf32, #tpu.memory_space<vmem>>, vector<1x16xf32>,
        %get3A_357 = vector.shape_cast %get3A_356 : vector<1x16xf32> to vector<16xf32>
        %add3A_358 = arith.addf %add3A_351, %get3A_357 : vector<16xf32>
        %add3A_359 = arith.constant 11 : i32
        %add3A_360 = arith.addi %mul3A_285, %add3A_359 : i32
        %get3A_361 = arith.index_cast %add3A_360 : i32 to index
        %get3A_362 = arith.constant 0 : index
        %get3A_363 = tpu.vector_load %arg14[%get3A_361, %get3A_362] {strides = array<i32>} : memref<160x128xf32, #tpu.memory_space<vmem>>, vector<1x16xf32>,
        %get3A_364 = vector.shape_cast %get3A_363 : vector<1x16xf32> to vector<16xf32>
        %add3A_365 = arith.addf %add3A_358, %get3A_364 : vector<16xf32>
        %add3A_366 = arith.constant 12 : i32
        %add3A_367 = arith.addi %mul3A_285, %add3A_366 : i32
        %get3A_368 = arith.index_cast %add3A_367 : i32 to index
        %get3A_369 = arith.constant 0 : index
        %get3A_370 = tpu.vector_load %arg14[%get3A_368, %get3A_369] {strides = array<i32>} : memref<160x128xf32, #tpu.memory_space<vmem>>, vector<1x16xf32>,
        %get3A_371 = vector.shape_cast %get3A_370 : vector<1x16xf32> to vector<16xf32>
        %add3A_372 = arith.addf %add3A_365, %get3A_371 : vector<16xf32>
        %add3A_373 = arith.constant 13 : i32
        %add3A_374 = arith.addi %mul3A_285, %add3A_373 : i32
        %get3A_375 = arith.index_cast %add3A_374 : i32 to index
        %get3A_376 = arith.constant 0 : index
        %get3A_377 = tpu.vector_load %arg14[%get3A_375, %get3A_376] {strides = array<i32>} : memref<160x128xf32, #tpu.memory_space<vmem>>, vector<1x16xf32>,
        %get3A_378 = vector.shape_cast %get3A_377 : vector<1x16xf32> to vector<16xf32>
        %add3A_379 = arith.addf %add3A_372, %get3A_378 : vector<16xf32>
        %add3A_380 = arith.constant 14 : i32
        %add3A_381 = arith.addi %mul3A_285, %add3A_380 : i32
        %get3A_382 = arith.index_cast %add3A_381 : i32 to index
        %get3A_383 = arith.constant 0 : index
        %get3A_384 = tpu.vector_load %arg14[%get3A_382, %get3A_383] {strides = array<i32>} : memref<160x128xf32, #tpu.memory_space<vmem>>, vector<1x16xf32>,
        %get3A_385 = vector.shape_cast %get3A_384 : vector<1x16xf32> to vector<16xf32>
        %add3A_386 = arith.addf %add3A_379, %get3A_385 : vector<16xf32>
        %add3A_387 = arith.constant 15 : i32
        %add3A_388 = arith.addi %mul3A_285, %add3A_387 : i32
        %get3A_389 = arith.index_cast %add3A_388 : i32 to index
        %get3A_390 = arith.constant 0 : index
        %get3A_391 = tpu.vector_load %arg14[%get3A_389, %get3A_390] {strides = array<i32>} : memref<160x128xf32, #tpu.memory_space<vmem>>, vector<1x16xf32>,
        %get3A_392 = vector.shape_cast %get3A_391 : vector<1x16xf32> to vector<16xf32>
        %add3A_393 = arith.addf %add3A_386, %get3A_392 : vector<16xf32>
        %add3A_394 = arith.constant 16 : i32
        %add3A_395 = arith.addi %mul3A_285, %add3A_394 : i32
        %get3A_396 = arith.index_cast %add3A_395 : i32 to index
        %get3A_397 = arith.constant 0 : index
        %get3A_398 = tpu.vector_load %arg14[%get3A_396, %get3A_397] {strides = array<i32>} : memref<160x128xf32, #tpu.memory_space<vmem>>, vector<1x16xf32>,
        %get3A_399 = vector.shape_cast %get3A_398 : vector<1x16xf32> to vector<16xf32>
        %add3A_400 = arith.addf %add3A_393, %get3A_399 : vector<16xf32>
        %add3A_401 = arith.constant 17 : i32
        %add3A_402 = arith.addi %mul3A_285, %add3A_401 : i32
        %get3A_403 = arith.index_cast %add3A_402 : i32 to index
        %get3A_404 = arith.constant 0 : index
        %get3A_405 = tpu.vector_load %arg14[%get3A_403, %get3A_404] {strides = array<i32>} : memref<160x128xf32, #tpu.memory_space<vmem>>, vector<1x16xf32>,
        %get3A_406 = vector.shape_cast %get3A_405 : vector<1x16xf32> to vector<16xf32>
        %add3A_407 = arith.addf %add3A_400, %get3A_406 : vector<16xf32>
        %add3A_408 = arith.constant 18 : i32
        %add3A_409 = arith.addi %mul3A_285, %add3A_408 : i32
        %get3A_410 = arith.index_cast %add3A_409 : i32 to index
        %get3A_411 = arith.constant 0 : index
        %get3A_412 = tpu.vector_load %arg14[%get3A_410, %get3A_411] {strides = array<i32>} : memref<160x128xf32, #tpu.memory_space<vmem>>, vector<1x16xf32>,
        %get3A_413 = vector.shape_cast %get3A_412 : vector<1x16xf32> to vector<16xf32>
        %add3A_414 = arith.addf %add3A_407, %get3A_413 : vector<16xf32>
        %add3A_415 = arith.constant 19 : i32
        %add3A_416 = arith.addi %mul3A_285, %add3A_415 : i32
        %get3A_417 = arith.index_cast %add3A_416 : i32 to index
        %get3A_418 = arith.constant 0 : index
        %get3A_419 = tpu.vector_load %arg14[%get3A_417, %get3A_418] {strides = array<i32>} : memref<160x128xf32, #tpu.memory_space<vmem>>, vector<1x16xf32>,
        %get3A_420 = vector.shape_cast %get3A_419 : vector<1x16xf32> to vector<16xf32>
        %add3A_421 = arith.addf %add3A_414, %get3A_420 : vector<16xf32>
        %swap3A = arith.index_cast %scan3A_283 : i32 to index
        %swap3A_422 = arith.constant 0 : index
        %swap3A_423 = tpu.vector_load %arg17[%swap3A, %swap3A_422] {strides = array<i32>} : memref<8x128xf32, #tpu.memory_space<vmem>>, vector<1x16xf32>,
        %swap3A_424 = vector.shape_cast %swap3A_423 : vector<1x16xf32> to vector<16xf32>
        %swap3A_425 = vector.shape_cast %add3A_421 : vector<16xf32> to vector<1x16xf32>
        tpu.vector_store %arg17[%swap3A, %swap3A_422], %swap3A_425 {strides = array<i32>} : memref<8x128xf32, #tpu.memory_space<vmem>>, vector<1x16xf32>,
        %get3A_426 = arith.index_cast %mul3A_285 : i32 to index
        %get3A_427 = arith.constant 16 : index
        %get3A_428 = tpu.vector_load %arg14[%get3A_426, %get3A_427] {strides = array<i32>} : memref<160x128xf32, #tpu.memory_space<vmem>>, vector<1x16xf32>,
        %get3A_429 = vector.shape_cast %get3A_428 : vector<1x16xf32> to vector<16xf32>
        %add3A_430 = arith.constant 1 : i32
        %add3A_431 = arith.addi %mul3A_285, %add3A_430 : i32
        %get3A_432 = arith.index_cast %add3A_431 : i32 to index
        %get3A_433 = arith.constant 16 : index
        %get3A_434 = tpu.vector_load %arg14[%get3A_432, %get3A_433] {strides = array<i32>} : memref<160x128xf32, #tpu.memory_space<vmem>>, vector<1x16xf32>,
        %get3A_435 = vector.shape_cast %get3A_434 : vector<1x16xf32> to vector<16xf32>
        %add3A_436 = arith.addf %get3A_429, %get3A_435 : vector<16xf32>
        %add3A_437 = arith.constant 2 : i32
        %add3A_438 = arith.addi %mul3A_285, %add3A_437 : i32
        %get3A_439 = arith.index_cast %add3A_438 : i32 to index
        %get3A_440 = arith.constant 16 : index
        %get3A_441 = tpu.vector_load %arg14[%get3A_439, %get3A_440] {strides = array<i32>} : memref<160x128xf32, #tpu.memory_space<vmem>>, vector<1x16xf32>,
        %get3A_442 = vector.shape_cast %get3A_441 : vector<1x16xf32> to vector<16xf32>
        %add3A_443 = arith.addf %add3A_436, %get3A_442 : vector<16xf32>
        %add3A_444 = arith.constant 3 : i32
        %add3A_445 = arith.addi %mul3A_285, %add3A_444 : i32
        %get3A_446 = arith.index_cast %add3A_445 : i32 to index
        %get3A_447 = arith.constant 16 : index
        %get3A_448 = tpu.vector_load %arg14[%get3A_446, %get3A_447] {strides = array<i32>} : memref<160x128xf32, #tpu.memory_space<vmem>>, vector<1x16xf32>,
        %get3A_449 = vector.shape_cast %get3A_448 : vector<1x16xf32> to vector<16xf32>
        %add3A_450 = arith.addf %add3A_443, %get3A_449 : vector<16xf32>
        %add3A_451 = arith.constant 4 : i32
        %add3A_452 = arith.addi %mul3A_285, %add3A_451 : i32
        %get3A_453 = arith.index_cast %add3A_452 : i32 to index
        %get3A_454 = arith.constant 16 : index
        %get3A_455 = tpu.vector_load %arg14[%get3A_453, %get3A_454] {strides = array<i32>} : memref<160x128xf32, #tpu.memory_space<vmem>>, vector<1x16xf32>,
        %get3A_456 = vector.shape_cast %get3A_455 : vector<1x16xf32> to vector<16xf32>
        %add3A_457 = arith.addf %add3A_450, %get3A_456 : vector<16xf32>
        %add3A_458 = arith.constant 5 : i32
        %add3A_459 = arith.addi %mul3A_285, %add3A_458 : i32
        %get3A_460 = arith.index_cast %add3A_459 : i32 to index
        %get3A_461 = arith.constant 16 : index
        %get3A_462 = tpu.vector_load %arg14[%get3A_460, %get3A_461] {strides = array<i32>} : memref<160x128xf32, #tpu.memory_space<vmem>>, vector<1x16xf32>,
        %get3A_463 = vector.shape_cast %get3A_462 : vector<1x16xf32> to vector<16xf32>
        %add3A_464 = arith.addf %add3A_457, %get3A_463 : vector<16xf32>
        %add3A_465 = arith.constant 6 : i32
        %add3A_466 = arith.addi %mul3A_285, %add3A_465 : i32
        %get3A_467 = arith.index_cast %add3A_466 : i32 to index
        %get3A_468 = arith.constant 16 : index
        %get3A_469 = tpu.vector_load %arg14[%get3A_467, %get3A_468] {strides = array<i32>} : memref<160x128xf32, #tpu.memory_space<vmem>>, vector<1x16xf32>,
        %get3A_470 = vector.shape_cast %get3A_469 : vector<1x16xf32> to vector<16xf32>
        %add3A_471 = arith.addf %add3A_464, %get3A_470 : vector<16xf32>
        %add3A_472 = arith.constant 7 : i32
        %add3A_473 = arith.addi %mul3A_285, %add3A_472 : i32
        %get3A_474 = arith.index_cast %add3A_473 : i32 to index
        %get3A_475 = arith.constant 16 : index
        %get3A_476 = tpu.vector_load %arg14[%get3A_474, %get3A_475] {strides = array<i32>} : memref<160x128xf32, #tpu.memory_space<vmem>>, vector<1x16xf32>,
        %get3A_477 = vector.shape_cast %get3A_476 : vector<1x16xf32> to vector<16xf32>
        %add3A_478 = arith.addf %add3A_471, %get3A_477 : vector<16xf32>
        %add3A_479 = arith.constant 8 : i32
        %add3A_480 = arith.addi %mul3A_285, %add3A_479 : i32
        %get3A_481 = arith.index_cast %add3A_480 : i32 to index
        %get3A_482 = arith.constant 16 : index
        %get3A_483 = tpu.vector_load %arg14[%get3A_481, %get3A_482] {strides = array<i32>} : memref<160x128xf32, #tpu.memory_space<vmem>>, vector<1x16xf32>,
        %get3A_484 = vector.shape_cast %get3A_483 : vector<1x16xf32> to vector<16xf32>
        %add3A_485 = arith.addf %add3A_478, %get3A_484 : vector<16xf32>
        %add3A_486 = arith.constant 9 : i32
        %add3A_487 = arith.addi %mul3A_285, %add3A_486 : i32
        %get3A_488 = arith.index_cast %add3A_487 : i32 to index
        %get3A_489 = arith.constant 16 : index
        %get3A_490 = tpu.vector_load %arg14[%get3A_488, %get3A_489] {strides = array<i32>} : memref<160x128xf32, #tpu.memory_space<vmem>>, vector<1x16xf32>,
        %get3A_491 = vector.shape_cast %get3A_490 : vector<1x16xf32> to vector<16xf32>
        %add3A_492 = arith.addf %add3A_485, %get3A_491 : vector<16xf32>
        %add3A_493 = arith.constant 10 : i32
        %add3A_494 = arith.addi %mul3A_285, %add3A_493 : i32
        %get3A_495 = arith.index_cast %add3A_494 : i32 to index
        %get3A_496 = arith.constant 16 : index
        %get3A_497 = tpu.vector_load %arg14[%get3A_495, %get3A_496] {strides = array<i32>} : memref<160x128xf32, #tpu.memory_space<vmem>>, vector<1x16xf32>,
        %get3A_498 = vector.shape_cast %get3A_497 : vector<1x16xf32> to vector<16xf32>
        %add3A_499 = arith.addf %add3A_492, %get3A_498 : vector<16xf32>
        %add3A_500 = arith.constant 11 : i32
        %add3A_501 = arith.addi %mul3A_285, %add3A_500 : i32
        %get3A_502 = arith.index_cast %add3A_501 : i32 to index
        %get3A_503 = arith.constant 16 : index
        %get3A_504 = tpu.vector_load %arg14[%get3A_502, %get3A_503] {strides = array<i32>} : memref<160x128xf32, #tpu.memory_space<vmem>>, vector<1x16xf32>,
        %get3A_505 = vector.shape_cast %get3A_504 : vector<1x16xf32> to vector<16xf32>
        %add3A_506 = arith.addf %add3A_499, %get3A_505 : vector<16xf32>
        %add3A_507 = arith.constant 12 : i32
        %add3A_508 = arith.addi %mul3A_285, %add3A_507 : i32
        %get3A_509 = arith.index_cast %add3A_508 : i32 to index
        %get3A_510 = arith.constant 16 : index
        %get3A_511 = tpu.vector_load %arg14[%get3A_509, %get3A_510] {strides = array<i32>} : memref<160x128xf32, #tpu.memory_space<vmem>>, vector<1x16xf32>,
        %get3A_512 = vector.shape_cast %get3A_511 : vector<1x16xf32> to vector<16xf32>
        %add3A_513 = arith.addf %add3A_506, %get3A_512 : vector<16xf32>
        %add3A_514 = arith.constant 13 : i32
        %add3A_515 = arith.addi %mul3A_285, %add3A_514 : i32
        %get3A_516 = arith.index_cast %add3A_515 : i32 to index
        %get3A_517 = arith.constant 16 : index
        %get3A_518 = tpu.vector_load %arg14[%get3A_516, %get3A_517] {strides = array<i32>} : memref<160x128xf32, #tpu.memory_space<vmem>>, vector<1x16xf32>,
        %get3A_519 = vector.shape_cast %get3A_518 : vector<1x16xf32> to vector<16xf32>
        %add3A_520 = arith.addf %add3A_513, %get3A_519 : vector<16xf32>
        %add3A_521 = arith.constant 14 : i32
        %add3A_522 = arith.addi %mul3A_285, %add3A_521 : i32
        %get3A_523 = arith.index_cast %add3A_522 : i32 to index
        %get3A_524 = arith.constant 16 : index
        %get3A_525 = tpu.vector_load %arg14[%get3A_523, %get3A_524] {strides = array<i32>} : memref<160x128xf32, #tpu.memory_space<vmem>>, vector<1x16xf32>,
        %get3A_526 = vector.shape_cast %get3A_525 : vector<1x16xf32> to vector<16xf32>
        %add3A_527 = arith.addf %add3A_520, %get3A_526 : vector<16xf32>
        %add3A_528 = arith.constant 15 : i32
        %add3A_529 = arith.addi %mul3A_285, %add3A_528 : i32
        %get3A_530 = arith.index_cast %add3A_529 : i32 to index
        %get3A_531 = arith.constant 16 : index
        %get3A_532 = tpu.vector_load %arg14[%get3A_530, %get3A_531] {strides = array<i32>} : memref<160x128xf32, #tpu.memory_space<vmem>>, vector<1x16xf32>,
        %get3A_533 = vector.shape_cast %get3A_532 : vector<1x16xf32> to vector<16xf32>
        %add3A_534 = arith.addf %add3A_527, %get3A_533 : vector<16xf32>
        %add3A_535 = arith.constant 16 : i32
        %add3A_536 = arith.addi %mul3A_285, %add3A_535 : i32
        %get3A_537 = arith.index_cast %add3A_536 : i32 to index
        %get3A_538 = arith.constant 16 : index
        %get3A_539 = tpu.vector_load %arg14[%get3A_537, %get3A_538] {strides = array<i32>} : memref<160x128xf32, #tpu.memory_space<vmem>>, vector<1x16xf32>,
        %get3A_540 = vector.shape_cast %get3A_539 : vector<1x16xf32> to vector<16xf32>
        %add3A_541 = arith.addf %add3A_534, %get3A_540 : vector<16xf32>
        %add3A_542 = arith.constant 17 : i32
        %add3A_543 = arith.addi %mul3A_285, %add3A_542 : i32
        %get3A_544 = arith.index_cast %add3A_543 : i32 to index
        %get3A_545 = arith.constant 16 : index
        %get3A_546 = tpu.vector_load %arg14[%get3A_544, %get3A_545] {strides = array<i32>} : memref<160x128xf32, #tpu.memory_space<vmem>>, vector<1x16xf32>,
        %get3A_547 = vector.shape_cast %get3A_546 : vector<1x16xf32> to vector<16xf32>
        %add3A_548 = arith.addf %add3A_541, %get3A_547 : vector<16xf32>
        %add3A_549 = arith.constant 18 : i32
        %add3A_550 = arith.addi %mul3A_285, %add3A_549 : i32
        %get3A_551 = arith.index_cast %add3A_550 : i32 to index
        %get3A_552 = arith.constant 16 : index
        %get3A_553 = tpu.vector_load %arg14[%get3A_551, %get3A_552] {strides = array<i32>} : memref<160x128xf32, #tpu.memory_space<vmem>>, vector<1x16xf32>,
        %get3A_554 = vector.shape_cast %get3A_553 : vector<1x16xf32> to vector<16xf32>
        %add3A_555 = arith.addf %add3A_548, %get3A_554 : vector<16xf32>
        %add3A_556 = arith.constant 19 : i32
        %add3A_557 = arith.addi %mul3A_285, %add3A_556 : i32
        %get3A_558 = arith.index_cast %add3A_557 : i32 to index
        %get3A_559 = arith.constant 16 : index
        %get3A_560 = tpu.vector_load %arg14[%get3A_558, %get3A_559] {strides = array<i32>} : memref<160x128xf32, #tpu.memory_space<vmem>>, vector<1x16xf32>,
        %get3A_561 = vector.shape_cast %get3A_560 : vector<1x16xf32> to vector<16xf32>
        %add3A_562 = arith.addf %add3A_555, %get3A_561 : vector<16xf32>
        %swap3A_563 = arith.index_cast %scan3A_283 : i32 to index
        %swap3A_564 = arith.constant 16 : index
        %swap3A_565 = tpu.vector_load %arg17[%swap3A_563, %swap3A_564] {strides = array<i32>} : memref<8x128xf32, #tpu.memory_space<vmem>>, vector<1x16xf32>,
        %swap3A_566 = vector.shape_cast %swap3A_565 : vector<1x16xf32> to vector<16xf32>
        %swap3A_567 = vector.shape_cast %add3A_562 : vector<16xf32> to vector<1x16xf32>
        tpu.vector_store %arg17[%swap3A_563, %swap3A_564], %swap3A_567 {strides = array<i32>} : memref<8x128xf32, #tpu.memory_space<vmem>>, vector<1x16xf32>,
        %get3A_568 = arith.index_cast %mul3A_285 : i32 to index
        %get3A_569 = arith.constant 32 : index
        %get3A_570 = tpu.vector_load %arg14[%get3A_568, %get3A_569] {strides = array<i32>} : memref<160x128xf32, #tpu.memory_space<vmem>>, vector<1x16xf32>,
        %get3A_571 = vector.shape_cast %get3A_570 : vector<1x16xf32> to vector<16xf32>
        %add3A_572 = arith.constant 1 : i32
        %add3A_573 = arith.addi %mul3A_285, %add3A_572 : i32
        %get3A_574 = arith.index_cast %add3A_573 : i32 to index
        %get3A_575 = arith.constant 32 : index
        %get3A_576 = tpu.vector_load %arg14[%get3A_574, %get3A_575] {strides = array<i32>} : memref<160x128xf32, #tpu.memory_space<vmem>>, vector<1x16xf32>,
        %get3A_577 = vector.shape_cast %get3A_576 : vector<1x16xf32> to vector<16xf32>
        %add3A_578 = arith.addf %get3A_571, %get3A_577 : vector<16xf32>
        %add3A_579 = arith.constant 2 : i32
        %add3A_580 = arith.addi %mul3A_285, %add3A_579 : i32
        %get3A_581 = arith.index_cast %add3A_580 : i32 to index
        %get3A_582 = arith.constant 32 : index
        %get3A_583 = tpu.vector_load %arg14[%get3A_581, %get3A_582] {strides = array<i32>} : memref<160x128xf32, #tpu.memory_space<vmem>>, vector<1x16xf32>,
        %get3A_584 = vector.shape_cast %get3A_583 : vector<1x16xf32> to vector<16xf32>
        %add3A_585 = arith.addf %add3A_578, %get3A_584 : vector<16xf32>
        %add3A_586 = arith.constant 3 : i32
        %add3A_587 = arith.addi %mul3A_285, %add3A_586 : i32
        %get3A_588 = arith.index_cast %add3A_587 : i32 to index
        %get3A_589 = arith.constant 32 : index
        %get3A_590 = tpu.vector_load %arg14[%get3A_588, %get3A_589] {strides = array<i32>} : memref<160x128xf32, #tpu.memory_space<vmem>>, vector<1x16xf32>,
        %get3A_591 = vector.shape_cast %get3A_590 : vector<1x16xf32> to vector<16xf32>
        %add3A_592 = arith.addf %add3A_585, %get3A_591 : vector<16xf32>
        %add3A_593 = arith.constant 4 : i32
        %add3A_594 = arith.addi %mul3A_285, %add3A_593 : i32
        %get3A_595 = arith.index_cast %add3A_594 : i32 to index
        %get3A_596 = arith.constant 32 : index
        %get3A_597 = tpu.vector_load %arg14[%get3A_595, %get3A_596] {strides = array<i32>} : memref<160x128xf32, #tpu.memory_space<vmem>>, vector<1x16xf32>,
        %get3A_598 = vector.shape_cast %get3A_597 : vector<1x16xf32> to vector<16xf32>
        %add3A_599 = arith.addf %add3A_592, %get3A_598 : vector<16xf32>
        %add3A_600 = arith.constant 5 : i32
        %add3A_601 = arith.addi %mul3A_285, %add3A_600 : i32
        %get3A_602 = arith.index_cast %add3A_601 : i32 to index
        %get3A_603 = arith.constant 32 : index
        %get3A_604 = tpu.vector_load %arg14[%get3A_602, %get3A_603] {strides = array<i32>} : memref<160x128xf32, #tpu.memory_space<vmem>>, vector<1x16xf32>,
        %get3A_605 = vector.shape_cast %get3A_604 : vector<1x16xf32> to vector<16xf32>
        %add3A_606 = arith.addf %add3A_599, %get3A_605 : vector<16xf32>
        %add3A_607 = arith.constant 6 : i32
        %add3A_608 = arith.addi %mul3A_285, %add3A_607 : i32
        %get3A_609 = arith.index_cast %add3A_608 : i32 to index
        %get3A_610 = arith.constant 32 : index
        %get3A_611 = tpu.vector_load %arg14[%get3A_609, %get3A_610] {strides = array<i32>} : memref<160x128xf32, #tpu.memory_space<vmem>>, vector<1x16xf32>,
        %get3A_612 = vector.shape_cast %get3A_611 : vector<1x16xf32> to vector<16xf32>
        %add3A_613 = arith.addf %add3A_606, %get3A_612 : vector<16xf32>
        %add3A_614 = arith.constant 7 : i32
        %add3A_615 = arith.addi %mul3A_285, %add3A_614 : i32
        %get3A_616 = arith.index_cast %add3A_615 : i32 to index
        %get3A_617 = arith.constant 32 : index
        %get3A_618 = tpu.vector_load %arg14[%get3A_616, %get3A_617] {strides = array<i32>} : memref<160x128xf32, #tpu.memory_space<vmem>>, vector<1x16xf32>,
        %get3A_619 = vector.shape_cast %get3A_618 : vector<1x16xf32> to vector<16xf32>
        %add3A_620 = arith.addf %add3A_613, %get3A_619 : vector<16xf32>
        %add3A_621 = arith.constant 8 : i32
        %add3A_622 = arith.addi %mul3A_285, %add3A_621 : i32
        %get3A_623 = arith.index_cast %add3A_622 : i32 to index
        %get3A_624 = arith.constant 32 : index
        %get3A_625 = tpu.vector_load %arg14[%get3A_623, %get3A_624] {strides = array<i32>} : memref<160x128xf32, #tpu.memory_space<vmem>>, vector<1x16xf32>,
        %get3A_626 = vector.shape_cast %get3A_625 : vector<1x16xf32> to vector<16xf32>
        %add3A_627 = arith.addf %add3A_620, %get3A_626 : vector<16xf32>
        %add3A_628 = arith.constant 9 : i32
        %add3A_629 = arith.addi %mul3A_285, %add3A_628 : i32
        %get3A_630 = arith.index_cast %add3A_629 : i32 to index
        %get3A_631 = arith.constant 32 : index
        %get3A_632 = tpu.vector_load %arg14[%get3A_630, %get3A_631] {strides = array<i32>} : memref<160x128xf32, #tpu.memory_space<vmem>>, vector<1x16xf32>,
        %get3A_633 = vector.shape_cast %get3A_632 : vector<1x16xf32> to vector<16xf32>
        %add3A_634 = arith.addf %add3A_627, %get3A_633 : vector<16xf32>
        %add3A_635 = arith.constant 10 : i32
        %add3A_636 = arith.addi %mul3A_285, %add3A_635 : i32
        %get3A_637 = arith.index_cast %add3A_636 : i32 to index
        %get3A_638 = arith.constant 32 : index
        %get3A_639 = tpu.vector_load %arg14[%get3A_637, %get3A_638] {strides = array<i32>} : memref<160x128xf32, #tpu.memory_space<vmem>>, vector<1x16xf32>,
        %get3A_640 = vector.shape_cast %get3A_639 : vector<1x16xf32> to vector<16xf32>
        %add3A_641 = arith.addf %add3A_634, %get3A_640 : vector<16xf32>
        %add3A_642 = arith.constant 11 : i32
        %add3A_643 = arith.addi %mul3A_285, %add3A_642 : i32
        %get3A_644 = arith.index_cast %add3A_643 : i32 to index
        %get3A_645 = arith.constant 32 : index
        %get3A_646 = tpu.vector_load %arg14[%get3A_644, %get3A_645] {strides = array<i32>} : memref<160x128xf32, #tpu.memory_space<vmem>>, vector<1x16xf32>,
        %get3A_647 = vector.shape_cast %get3A_646 : vector<1x16xf32> to vector<16xf32>
        %add3A_648 = arith.addf %add3A_641, %get3A_647 : vector<16xf32>
        %add3A_649 = arith.constant 12 : i32
        %add3A_650 = arith.addi %mul3A_285, %add3A_649 : i32
        %get3A_651 = arith.index_cast %add3A_650 : i32 to index
        %get3A_652 = arith.constant 32 : index
        %get3A_653 = tpu.vector_load %arg14[%get3A_651, %get3A_652] {strides = array<i32>} : memref<160x128xf32, #tpu.memory_space<vmem>>, vector<1x16xf32>,
        %get3A_654 = vector.shape_cast %get3A_653 : vector<1x16xf32> to vector<16xf32>
        %add3A_655 = arith.addf %add3A_648, %get3A_654 : vector<16xf32>
        %add3A_656 = arith.constant 13 : i32
        %add3A_657 = arith.addi %mul3A_285, %add3A_656 : i32
        %get3A_658 = arith.index_cast %add3A_657 : i32 to index
        %get3A_659 = arith.constant 32 : index
        %get3A_660 = tpu.vector_load %arg14[%get3A_658, %get3A_659] {strides = array<i32>} : memref<160x128xf32, #tpu.memory_space<vmem>>, vector<1x16xf32>,
        %get3A_661 = vector.shape_cast %get3A_660 : vector<1x16xf32> to vector<16xf32>
        %add3A_662 = arith.addf %add3A_655, %get3A_661 : vector<16xf32>
        %add3A_663 = arith.constant 14 : i32
        %add3A_664 = arith.addi %mul3A_285, %add3A_663 : i32
        %get3A_665 = arith.index_cast %add3A_664 : i32 to index
        %get3A_666 = arith.constant 32 : index
        %get3A_667 = tpu.vector_load %arg14[%get3A_665, %get3A_666] {strides = array<i32>} : memref<160x128xf32, #tpu.memory_space<vmem>>, vector<1x16xf32>,
        %get3A_668 = vector.shape_cast %get3A_667 : vector<1x16xf32> to vector<16xf32>
        %add3A_669 = arith.addf %add3A_662, %get3A_668 : vector<16xf32>
        %add3A_670 = arith.constant 15 : i32
        %add3A_671 = arith.addi %mul3A_285, %add3A_670 : i32
        %get3A_672 = arith.index_cast %add3A_671 : i32 to index
        %get3A_673 = arith.constant 32 : index
        %get3A_674 = tpu.vector_load %arg14[%get3A_672, %get3A_673] {strides = array<i32>} : memref<160x128xf32, #tpu.memory_space<vmem>>, vector<1x16xf32>,
        %get3A_675 = vector.shape_cast %get3A_674 : vector<1x16xf32> to vector<16xf32>
        %add3A_676 = arith.addf %add3A_669, %get3A_675 : vector<16xf32>
        %add3A_677 = arith.constant 16 : i32
        %add3A_678 = arith.addi %mul3A_285, %add3A_677 : i32
        %get3A_679 = arith.index_cast %add3A_678 : i32 to index
        %get3A_680 = arith.constant 32 : index
        %get3A_681 = tpu.vector_load %arg14[%get3A_679, %get3A_680] {strides = array<i32>} : memref<160x128xf32, #tpu.memory_space<vmem>>, vector<1x16xf32>,
        %get3A_682 = vector.shape_cast %get3A_681 : vector<1x16xf32> to vector<16xf32>
        %add3A_683 = arith.addf %add3A_676, %get3A_682 : vector<16xf32>
        %add3A_684 = arith.constant 17 : i32
        %add3A_685 = arith.addi %mul3A_285, %add3A_684 : i32
        %get3A_686 = arith.index_cast %add3A_685 : i32 to index
        %get3A_687 = arith.constant 32 : index
        %get3A_688 = tpu.vector_load %arg14[%get3A_686, %get3A_687] {strides = array<i32>} : memref<160x128xf32, #tpu.memory_space<vmem>>, vector<1x16xf32>,
        %get3A_689 = vector.shape_cast %get3A_688 : vector<1x16xf32> to vector<16xf32>
        %add3A_690 = arith.addf %add3A_683, %get3A_689 : vector<16xf32>
        %add3A_691 = arith.constant 18 : i32
        %add3A_692 = arith.addi %mul3A_285, %add3A_691 : i32
        %get3A_693 = arith.index_cast %add3A_692 : i32 to index
        %get3A_694 = arith.constant 32 : index
        %get3A_695 = tpu.vector_load %arg14[%get3A_693, %get3A_694] {strides = array<i32>} : memref<160x128xf32, #tpu.memory_space<vmem>>, vector<1x16xf32>,
        %get3A_696 = vector.shape_cast %get3A_695 : vector<1x16xf32> to vector<16xf32>
        %add3A_697 = arith.addf %add3A_690, %get3A_696 : vector<16xf32>
        %add3A_698 = arith.constant 19 : i32
        %add3A_699 = arith.addi %mul3A_285, %add3A_698 : i32
        %get3A_700 = arith.index_cast %add3A_699 : i32 to index
        %get3A_701 = arith.constant 32 : index
        %get3A_702 = tpu.vector_load %arg14[%get3A_700, %get3A_701] {strides = array<i32>} : memref<160x128xf32, #tpu.memory_space<vmem>>, vector<1x16xf32>,
        %get3A_703 = vector.shape_cast %get3A_702 : vector<1x16xf32> to vector<16xf32>
        %add3A_704 = arith.addf %add3A_697, %get3A_703 : vector<16xf32>
        %swap3A_705 = arith.index_cast %scan3A_283 : i32 to index
        %swap3A_706 = arith.constant 32 : index
        %swap3A_707 = tpu.vector_load %arg17[%swap3A_705, %swap3A_706] {strides = array<i32>} : memref<8x128xf32, #tpu.memory_space<vmem>>, vector<1x16xf32>,
        %swap3A_708 = vector.shape_cast %swap3A_707 : vector<1x16xf32> to vector<16xf32>
        %swap3A_709 = vector.shape_cast %add3A_704 : vector<16xf32> to vector<1x16xf32>
        tpu.vector_store %arg17[%swap3A_705, %swap3A_706], %swap3A_709 {strides = array<i32>} : memref<8x128xf32, #tpu.memory_space<vmem>>, vector<1x16xf32>,
        %get3A_710 = arith.index_cast %mul3A_285 : i32 to index
        %get3A_711 = arith.constant 48 : index
        %get3A_712 = tpu.vector_load %arg14[%get3A_710, %get3A_711] {strides = array<i32>} : memref<160x128xf32, #tpu.memory_space<vmem>>, vector<1x16xf32>,
        %get3A_713 = vector.shape_cast %get3A_712 : vector<1x16xf32> to vector<16xf32>
        %add3A_714 = arith.constant 1 : i32
        %add3A_715 = arith.addi %mul3A_285, %add3A_714 : i32
        %get3A_716 = arith.index_cast %add3A_715 : i32 to index
        %get3A_717 = arith.constant 48 : index
        %get3A_718 = tpu.vector_load %arg14[%get3A_716, %get3A_717] {strides = array<i32>} : memref<160x128xf32, #tpu.memory_space<vmem>>, vector<1x16xf32>,
        %get3A_719 = vector.shape_cast %get3A_718 : vector<1x16xf32> to vector<16xf32>
        %add3A_720 = arith.addf %get3A_713, %get3A_719 : vector<16xf32>
        %add3A_721 = arith.constant 2 : i32
        %add3A_722 = arith.addi %mul3A_285, %add3A_721 : i32
        %get3A_723 = arith.index_cast %add3A_722 : i32 to index
        %get3A_724 = arith.constant 48 : index
        %get3A_725 = tpu.vector_load %arg14[%get3A_723, %get3A_724] {strides = array<i32>} : memref<160x128xf32, #tpu.memory_space<vmem>>, vector<1x16xf32>,
        %get3A_726 = vector.shape_cast %get3A_725 : vector<1x16xf32> to vector<16xf32>
        %add3A_727 = arith.addf %add3A_720, %get3A_726 : vector<16xf32>
        %add3A_728 = arith.constant 3 : i32
        %add3A_729 = arith.addi %mul3A_285, %add3A_728 : i32
        %get3A_730 = arith.index_cast %add3A_729 : i32 to index
        %get3A_731 = arith.constant 48 : index
        %get3A_732 = tpu.vector_load %arg14[%get3A_730, %get3A_731] {strides = array<i32>} : memref<160x128xf32, #tpu.memory_space<vmem>>, vector<1x16xf32>,
        %get3A_733 = vector.shape_cast %get3A_732 : vector<1x16xf32> to vector<16xf32>
        %add3A_734 = arith.addf %add3A_727, %get3A_733 : vector<16xf32>
        %add3A_735 = arith.constant 4 : i32
        %add3A_736 = arith.addi %mul3A_285, %add3A_735 : i32
        %get3A_737 = arith.index_cast %add3A_736 : i32 to index
        %get3A_738 = arith.constant 48 : index
        %get3A_739 = tpu.vector_load %arg14[%get3A_737, %get3A_738] {strides = array<i32>} : memref<160x128xf32, #tpu.memory_space<vmem>>, vector<1x16xf32>,
        %get3A_740 = vector.shape_cast %get3A_739 : vector<1x16xf32> to vector<16xf32>
        %add3A_741 = arith.addf %add3A_734, %get3A_740 : vector<16xf32>
        %add3A_742 = arith.constant 5 : i32
        %add3A_743 = arith.addi %mul3A_285, %add3A_742 : i32
        %get3A_744 = arith.index_cast %add3A_743 : i32 to index
        %get3A_745 = arith.constant 48 : index
        %get3A_746 = tpu.vector_load %arg14[%get3A_744, %get3A_745] {strides = array<i32>} : memref<160x128xf32, #tpu.memory_space<vmem>>, vector<1x16xf32>,
        %get3A_747 = vector.shape_cast %get3A_746 : vector<1x16xf32> to vector<16xf32>
        %add3A_748 = arith.addf %add3A_741, %get3A_747 : vector<16xf32>
        %add3A_749 = arith.constant 6 : i32
        %add3A_750 = arith.addi %mul3A_285, %add3A_749 : i32
        %get3A_751 = arith.index_cast %add3A_750 : i32 to index
        %get3A_752 = arith.constant 48 : index
        %get3A_753 = tpu.vector_load %arg14[%get3A_751, %get3A_752] {strides = array<i32>} : memref<160x128xf32, #tpu.memory_space<vmem>>, vector<1x16xf32>,
        %get3A_754 = vector.shape_cast %get3A_753 : vector<1x16xf32> to vector<16xf32>
        %add3A_755 = arith.addf %add3A_748, %get3A_754 : vector<16xf32>
        %add3A_756 = arith.constant 7 : i32
        %add3A_757 = arith.addi %mul3A_285, %add3A_756 : i32
        %get3A_758 = arith.index_cast %add3A_757 : i32 to index
        %get3A_759 = arith.constant 48 : index
        %get3A_760 = tpu.vector_load %arg14[%get3A_758, %get3A_759] {strides = array<i32>} : memref<160x128xf32, #tpu.memory_space<vmem>>, vector<1x16xf32>,
        %get3A_761 = vector.shape_cast %get3A_760 : vector<1x16xf32> to vector<16xf32>
        %add3A_762 = arith.addf %add3A_755, %get3A_761 : vector<16xf32>
        %add3A_763 = arith.constant 8 : i32
        %add3A_764 = arith.addi %mul3A_285, %add3A_763 : i32
        %get3A_765 = arith.index_cast %add3A_764 : i32 to index
        %get3A_766 = arith.constant 48 : index
        %get3A_767 = tpu.vector_load %arg14[%get3A_765, %get3A_766] {strides = array<i32>} : memref<160x128xf32, #tpu.memory_space<vmem>>, vector<1x16xf32>,
        %get3A_768 = vector.shape_cast %get3A_767 : vector<1x16xf32> to vector<16xf32>
        %add3A_769 = arith.addf %add3A_762, %get3A_768 : vector<16xf32>
        %add3A_770 = arith.constant 9 : i32
        %add3A_771 = arith.addi %mul3A_285, %add3A_770 : i32
        %get3A_772 = arith.index_cast %add3A_771 : i32 to index
        %get3A_773 = arith.constant 48 : index
        %get3A_774 = tpu.vector_load %arg14[%get3A_772, %get3A_773] {strides = array<i32>} : memref<160x128xf32, #tpu.memory_space<vmem>>, vector<1x16xf32>,
        %get3A_775 = vector.shape_cast %get3A_774 : vector<1x16xf32> to vector<16xf32>
        %add3A_776 = arith.addf %add3A_769, %get3A_775 : vector<16xf32>
        %add3A_777 = arith.constant 10 : i32
        %add3A_778 = arith.addi %mul3A_285, %add3A_777 : i32
        %get3A_779 = arith.index_cast %add3A_778 : i32 to index
        %get3A_780 = arith.constant 48 : index
        %get3A_781 = tpu.vector_load %arg14[%get3A_779, %get3A_780] {strides = array<i32>} : memref<160x128xf32, #tpu.memory_space<vmem>>, vector<1x16xf32>,
        %get3A_782 = vector.shape_cast %get3A_781 : vector<1x16xf32> to vector<16xf32>
        %add3A_783 = arith.addf %add3A_776, %get3A_782 : vector<16xf32>
        %add3A_784 = arith.constant 11 : i32
        %add3A_785 = arith.addi %mul3A_285, %add3A_784 : i32
        %get3A_786 = arith.index_cast %add3A_785 : i32 to index
        %get3A_787 = arith.constant 48 : index
        %get3A_788 = tpu.vector_load %arg14[%get3A_786, %get3A_787] {strides = array<i32>} : memref<160x128xf32, #tpu.memory_space<vmem>>, vector<1x16xf32>,
        %get3A_789 = vector.shape_cast %get3A_788 : vector<1x16xf32> to vector<16xf32>
        %add3A_790 = arith.addf %add3A_783, %get3A_789 : vector<16xf32>
        %add3A_791 = arith.constant 12 : i32
        %add3A_792 = arith.addi %mul3A_285, %add3A_791 : i32
        %get3A_793 = arith.index_cast %add3A_792 : i32 to index
        %get3A_794 = arith.constant 48 : index
        %get3A_795 = tpu.vector_load %arg14[%get3A_793, %get3A_794] {strides = array<i32>} : memref<160x128xf32, #tpu.memory_space<vmem>>, vector<1x16xf32>,
        %get3A_796 = vector.shape_cast %get3A_795 : vector<1x16xf32> to vector<16xf32>
        %add3A_797 = arith.addf %add3A_790, %get3A_796 : vector<16xf32>
        %add3A_798 = arith.constant 13 : i32
        %add3A_799 = arith.addi %mul3A_285, %add3A_798 : i32
        %get3A_800 = arith.index_cast %add3A_799 : i32 to index
        %get3A_801 = arith.constant 48 : index
        %get3A_802 = tpu.vector_load %arg14[%get3A_800, %get3A_801] {strides = array<i32>} : memref<160x128xf32, #tpu.memory_space<vmem>>, vector<1x16xf32>,
        %get3A_803 = vector.shape_cast %get3A_802 : vector<1x16xf32> to vector<16xf32>
        %add3A_804 = arith.addf %add3A_797, %get3A_803 : vector<16xf32>
        %add3A_805 = arith.constant 14 : i32
        %add3A_806 = arith.addi %mul3A_285, %add3A_805 : i32
        %get3A_807 = arith.index_cast %add3A_806 : i32 to index
        %get3A_808 = arith.constant 48 : index
        %get3A_809 = tpu.vector_load %arg14[%get3A_807, %get3A_808] {strides = array<i32>} : memref<160x128xf32, #tpu.memory_space<vmem>>, vector<1x16xf32>,
        %get3A_810 = vector.shape_cast %get3A_809 : vector<1x16xf32> to vector<16xf32>
        %add3A_811 = arith.addf %add3A_804, %get3A_810 : vector<16xf32>
        %add3A_812 = arith.constant 15 : i32
        %add3A_813 = arith.addi %mul3A_285, %add3A_812 : i32
        %get3A_814 = arith.index_cast %add3A_813 : i32 to index
        %get3A_815 = arith.constant 48 : index
        %get3A_816 = tpu.vector_load %arg14[%get3A_814, %get3A_815] {strides = array<i32>} : memref<160x128xf32, #tpu.memory_space<vmem>>, vector<1x16xf32>,
        %get3A_817 = vector.shape_cast %get3A_816 : vector<1x16xf32> to vector<16xf32>
        %add3A_818 = arith.addf %add3A_811, %get3A_817 : vector<16xf32>
        %add3A_819 = arith.constant 16 : i32
        %add3A_820 = arith.addi %mul3A_285, %add3A_819 : i32
        %get3A_821 = arith.index_cast %add3A_820 : i32 to index
        %get3A_822 = arith.constant 48 : index
        %get3A_823 = tpu.vector_load %arg14[%get3A_821, %get3A_822] {strides = array<i32>} : memref<160x128xf32, #tpu.memory_space<vmem>>, vector<1x16xf32>,
        %get3A_824 = vector.shape_cast %get3A_823 : vector<1x16xf32> to vector<16xf32>
        %add3A_825 = arith.addf %add3A_818, %get3A_824 : vector<16xf32>
        %add3A_826 = arith.constant 17 : i32
        %add3A_827 = arith.addi %mul3A_285, %add3A_826 : i32
        %get3A_828 = arith.index_cast %add3A_827 : i32 to index
        %get3A_829 = arith.constant 48 : index
        %get3A_830 = tpu.vector_load %arg14[%get3A_828, %get3A_829] {strides = array<i32>} : memref<160x128xf32, #tpu.memory_space<vmem>>, vector<1x16xf32>,
        %get3A_831 = vector.shape_cast %get3A_830 : vector<1x16xf32> to vector<16xf32>
        %add3A_832 = arith.addf %add3A_825, %get3A_831 : vector<16xf32>
        %add3A_833 = arith.constant 18 : i32
        %add3A_834 = arith.addi %mul3A_285, %add3A_833 : i32
        %get3A_835 = arith.index_cast %add3A_834 : i32 to index
        %get3A_836 = arith.constant 48 : index
        %get3A_837 = tpu.vector_load %arg14[%get3A_835, %get3A_836] {strides = array<i32>} : memref<160x128xf32, #tpu.memory_space<vmem>>, vector<1x16xf32>,
        %get3A_838 = vector.shape_cast %get3A_837 : vector<1x16xf32> to vector<16xf32>
        %add3A_839 = arith.addf %add3A_832, %get3A_838 : vector<16xf32>
        %add3A_840 = arith.constant 19 : i32
        %add3A_841 = arith.addi %mul3A_285, %add3A_840 : i32
        %get3A_842 = arith.index_cast %add3A_841 : i32 to index
        %get3A_843 = arith.constant 48 : index
        %get3A_844 = tpu.vector_load %arg14[%get3A_842, %get3A_843] {strides = array<i32>} : memref<160x128xf32, #tpu.memory_space<vmem>>, vector<1x16xf32>,
        %get3A_845 = vector.shape_cast %get3A_844 : vector<1x16xf32> to vector<16xf32>
        %add3A_846 = arith.addf %add3A_839, %get3A_845 : vector<16xf32>
        %swap3A_847 = arith.index_cast %scan3A_283 : i32 to index
        %swap3A_848 = arith.constant 48 : index
        %swap3A_849 = tpu.vector_load %arg17[%swap3A_847, %swap3A_848] {strides = array<i32>} : memref<8x128xf32, #tpu.memory_space<vmem>>, vector<1x16xf32>,
        %swap3A_850 = vector.shape_cast %swap3A_849 : vector<1x16xf32> to vector<16xf32>
        %swap3A_851 = vector.shape_cast %add3A_846 : vector<16xf32> to vector<1x16xf32>
        tpu.vector_store %arg17[%swap3A_847, %swap3A_848], %swap3A_851 {strides = array<i32>} : memref<8x128xf32, #tpu.memory_space<vmem>>, vector<1x16xf32>,
        %get3A_852 = arith.index_cast %mul3A_285 : i32 to index
        %get3A_853 = arith.constant 64 : index
        %get3A_854 = tpu.vector_load %arg14[%get3A_852, %get3A_853] {strides = array<i32>} : memref<160x128xf32, #tpu.memory_space<vmem>>, vector<1x16xf32>,
        %get3A_855 = vector.shape_cast %get3A_854 : vector<1x16xf32> to vector<16xf32>
        %add3A_856 = arith.constant 1 : i32
        %add3A_857 = arith.addi %mul3A_285, %add3A_856 : i32
        %get3A_858 = arith.index_cast %add3A_857 : i32 to index
        %get3A_859 = arith.constant 64 : index
        %get3A_860 = tpu.vector_load %arg14[%get3A_858, %get3A_859] {strides = array<i32>} : memref<160x128xf32, #tpu.memory_space<vmem>>, vector<1x16xf32>,
        %get3A_861 = vector.shape_cast %get3A_860 : vector<1x16xf32> to vector<16xf32>
        %add3A_862 = arith.addf %get3A_855, %get3A_861 : vector<16xf32>
        %add3A_863 = arith.constant 2 : i32
        %add3A_864 = arith.addi %mul3A_285, %add3A_863 : i32
        %get3A_865 = arith.index_cast %add3A_864 : i32 to index
        %get3A_866 = arith.constant 64 : index
        %get3A_867 = tpu.vector_load %arg14[%get3A_865, %get3A_866] {strides = array<i32>} : memref<160x128xf32, #tpu.memory_space<vmem>>, vector<1x16xf32>,
        %get3A_868 = vector.shape_cast %get3A_867 : vector<1x16xf32> to vector<16xf32>
        %add3A_869 = arith.addf %add3A_862, %get3A_868 : vector<16xf32>
        %add3A_870 = arith.constant 3 : i32
        %add3A_871 = arith.addi %mul3A_285, %add3A_870 : i32
        %get3A_872 = arith.index_cast %add3A_871 : i32 to index
        %get3A_873 = arith.constant 64 : index
        %get3A_874 = tpu.vector_load %arg14[%get3A_872, %get3A_873] {strides = array<i32>} : memref<160x128xf32, #tpu.memory_space<vmem>>, vector<1x16xf32>,
        %get3A_875 = vector.shape_cast %get3A_874 : vector<1x16xf32> to vector<16xf32>
        %add3A_876 = arith.addf %add3A_869, %get3A_875 : vector<16xf32>
        %add3A_877 = arith.constant 4 : i32
        %add3A_878 = arith.addi %mul3A_285, %add3A_877 : i32
        %get3A_879 = arith.index_cast %add3A_878 : i32 to index
        %get3A_880 = arith.constant 64 : index
        %get3A_881 = tpu.vector_load %arg14[%get3A_879, %get3A_880] {strides = array<i32>} : memref<160x128xf32, #tpu.memory_space<vmem>>, vector<1x16xf32>,
        %get3A_882 = vector.shape_cast %get3A_881 : vector<1x16xf32> to vector<16xf32>
        %add3A_883 = arith.addf %add3A_876, %get3A_882 : vector<16xf32>
        %add3A_884 = arith.constant 5 : i32
        %add3A_885 = arith.addi %mul3A_285, %add3A_884 : i32
        %get3A_886 = arith.index_cast %add3A_885 : i32 to index
        %get3A_887 = arith.constant 64 : index
        %get3A_888 = tpu.vector_load %arg14[%get3A_886, %get3A_887] {strides = array<i32>} : memref<160x128xf32, #tpu.memory_space<vmem>>, vector<1x16xf32>,
        %get3A_889 = vector.shape_cast %get3A_888 : vector<1x16xf32> to vector<16xf32>
        %add3A_890 = arith.addf %add3A_883, %get3A_889 : vector<16xf32>
        %add3A_891 = arith.constant 6 : i32
        %add3A_892 = arith.addi %mul3A_285, %add3A_891 : i32
        %get3A_893 = arith.index_cast %add3A_892 : i32 to index
        %get3A_894 = arith.constant 64 : index
        %get3A_895 = tpu.vector_load %arg14[%get3A_893, %get3A_894] {strides = array<i32>} : memref<160x128xf32, #tpu.memory_space<vmem>>, vector<1x16xf32>,
        %get3A_896 = vector.shape_cast %get3A_895 : vector<1x16xf32> to vector<16xf32>
        %add3A_897 = arith.addf %add3A_890, %get3A_896 : vector<16xf32>
        %add3A_898 = arith.constant 7 : i32
        %add3A_899 = arith.addi %mul3A_285, %add3A_898 : i32
        %get3A_900 = arith.index_cast %add3A_899 : i32 to index
        %get3A_901 = arith.constant 64 : index
        %get3A_902 = tpu.vector_load %arg14[%get3A_900, %get3A_901] {strides = array<i32>} : memref<160x128xf32, #tpu.memory_space<vmem>>, vector<1x16xf32>,
        %get3A_903 = vector.shape_cast %get3A_902 : vector<1x16xf32> to vector<16xf32>
        %add3A_904 = arith.addf %add3A_897, %get3A_903 : vector<16xf32>
        %add3A_905 = arith.constant 8 : i32
        %add3A_906 = arith.addi %mul3A_285, %add3A_905 : i32
        %get3A_907 = arith.index_cast %add3A_906 : i32 to index
        %get3A_908 = arith.constant 64 : index
        %get3A_909 = tpu.vector_load %arg14[%get3A_907, %get3A_908] {strides = array<i32>} : memref<160x128xf32, #tpu.memory_space<vmem>>, vector<1x16xf32>,
        %get3A_910 = vector.shape_cast %get3A_909 : vector<1x16xf32> to vector<16xf32>
        %add3A_911 = arith.addf %add3A_904, %get3A_910 : vector<16xf32>
        %add3A_912 = arith.constant 9 : i32
        %add3A_913 = arith.addi %mul3A_285, %add3A_912 : i32
        %get3A_914 = arith.index_cast %add3A_913 : i32 to index
        %get3A_915 = arith.constant 64 : index
        %get3A_916 = tpu.vector_load %arg14[%get3A_914, %get3A_915] {strides = array<i32>} : memref<160x128xf32, #tpu.memory_space<vmem>>, vector<1x16xf32>,
        %get3A_917 = vector.shape_cast %get3A_916 : vector<1x16xf32> to vector<16xf32>
        %add3A_918 = arith.addf %add3A_911, %get3A_917 : vector<16xf32>
        %add3A_919 = arith.constant 10 : i32
        %add3A_920 = arith.addi %mul3A_285, %add3A_919 : i32
        %get3A_921 = arith.index_cast %add3A_920 : i32 to index
        %get3A_922 = arith.constant 64 : index
        %get3A_923 = tpu.vector_load %arg14[%get3A_921, %get3A_922] {strides = array<i32>} : memref<160x128xf32, #tpu.memory_space<vmem>>, vector<1x16xf32>,
        %get3A_924 = vector.shape_cast %get3A_923 : vector<1x16xf32> to vector<16xf32>
        %add3A_925 = arith.addf %add3A_918, %get3A_924 : vector<16xf32>
        %add3A_926 = arith.constant 11 : i32
        %add3A_927 = arith.addi %mul3A_285, %add3A_926 : i32
        %get3A_928 = arith.index_cast %add3A_927 : i32 to index
        %get3A_929 = arith.constant 64 : index
        %get3A_930 = tpu.vector_load %arg14[%get3A_928, %get3A_929] {strides = array<i32>} : memref<160x128xf32, #tpu.memory_space<vmem>>, vector<1x16xf32>,
        %get3A_931 = vector.shape_cast %get3A_930 : vector<1x16xf32> to vector<16xf32>
        %add3A_932 = arith.addf %add3A_925, %get3A_931 : vector<16xf32>
        %add3A_933 = arith.constant 12 : i32
        %add3A_934 = arith.addi %mul3A_285, %add3A_933 : i32
        %get3A_935 = arith.index_cast %add3A_934 : i32 to index
        %get3A_936 = arith.constant 64 : index
        %get3A_937 = tpu.vector_load %arg14[%get3A_935, %get3A_936] {strides = array<i32>} : memref<160x128xf32, #tpu.memory_space<vmem>>, vector<1x16xf32>,
        %get3A_938 = vector.shape_cast %get3A_937 : vector<1x16xf32> to vector<16xf32>
        %add3A_939 = arith.addf %add3A_932, %get3A_938 : vector<16xf32>
        %add3A_940 = arith.constant 13 : i32
        %add3A_941 = arith.addi %mul3A_285, %add3A_940 : i32
        %get3A_942 = arith.index_cast %add3A_941 : i32 to index
        %get3A_943 = arith.constant 64 : index
        %get3A_944 = tpu.vector_load %arg14[%get3A_942, %get3A_943] {strides = array<i32>} : memref<160x128xf32, #tpu.memory_space<vmem>>, vector<1x16xf32>,
        %get3A_945 = vector.shape_cast %get3A_944 : vector<1x16xf32> to vector<16xf32>
        %add3A_946 = arith.addf %add3A_939, %get3A_945 : vector<16xf32>
        %add3A_947 = arith.constant 14 : i32
        %add3A_948 = arith.addi %mul3A_285, %add3A_947 : i32
        %get3A_949 = arith.index_cast %add3A_948 : i32 to index
        %get3A_950 = arith.constant 64 : index
        %get3A_951 = tpu.vector_load %arg14[%get3A_949, %get3A_950] {strides = array<i32>} : memref<160x128xf32, #tpu.memory_space<vmem>>, vector<1x16xf32>,
        %get3A_952 = vector.shape_cast %get3A_951 : vector<1x16xf32> to vector<16xf32>
        %add3A_953 = arith.addf %add3A_946, %get3A_952 : vector<16xf32>
        %add3A_954 = arith.constant 15 : i32
        %add3A_955 = arith.addi %mul3A_285, %add3A_954 : i32
        %get3A_956 = arith.index_cast %add3A_955 : i32 to index
        %get3A_957 = arith.constant 64 : index
        %get3A_958 = tpu.vector_load %arg14[%get3A_956, %get3A_957] {strides = array<i32>} : memref<160x128xf32, #tpu.memory_space<vmem>>, vector<1x16xf32>,
        %get3A_959 = vector.shape_cast %get3A_958 : vector<1x16xf32> to vector<16xf32>
        %add3A_960 = arith.addf %add3A_953, %get3A_959 : vector<16xf32>
        %add3A_961 = arith.constant 16 : i32
        %add3A_962 = arith.addi %mul3A_285, %add3A_961 : i32
        %get3A_963 = arith.index_cast %add3A_962 : i32 to index
        %get3A_964 = arith.constant 64 : index
        %get3A_965 = tpu.vector_load %arg14[%get3A_963, %get3A_964] {strides = array<i32>} : memref<160x128xf32, #tpu.memory_space<vmem>>, vector<1x16xf32>,
        %get3A_966 = vector.shape_cast %get3A_965 : vector<1x16xf32> to vector<16xf32>
        %add3A_967 = arith.addf %add3A_960, %get3A_966 : vector<16xf32>
        %add3A_968 = arith.constant 17 : i32
        %add3A_969 = arith.addi %mul3A_285, %add3A_968 : i32
        %get3A_970 = arith.index_cast %add3A_969 : i32 to index
        %get3A_971 = arith.constant 64 : index
        %get3A_972 = tpu.vector_load %arg14[%get3A_970, %get3A_971] {strides = array<i32>} : memref<160x128xf32, #tpu.memory_space<vmem>>, vector<1x16xf32>,
        %get3A_973 = vector.shape_cast %get3A_972 : vector<1x16xf32> to vector<16xf32>
        %add3A_974 = arith.addf %add3A_967, %get3A_973 : vector<16xf32>
        %add3A_975 = arith.constant 18 : i32
        %add3A_976 = arith.addi %mul3A_285, %add3A_975 : i32
        %get3A_977 = arith.index_cast %add3A_976 : i32 to index
        %get3A_978 = arith.constant 64 : index
        %get3A_979 = tpu.vector_load %arg14[%get3A_977, %get3A_978] {strides = array<i32>} : memref<160x128xf32, #tpu.memory_space<vmem>>, vector<1x16xf32>,
        %get3A_980 = vector.shape_cast %get3A_979 : vector<1x16xf32> to vector<16xf32>
        %add3A_981 = arith.addf %add3A_974, %get3A_980 : vector<16xf32>
        %add3A_982 = arith.constant 19 : i32
        %add3A_983 = arith.addi %mul3A_285, %add3A_982 : i32
        %get3A_984 = arith.index_cast %add3A_983 : i32 to index
        %get3A_985 = arith.constant 64 : index
        %get3A_986 = tpu.vector_load %arg14[%get3A_984, %get3A_985] {strides = array<i32>} : memref<160x128xf32, #tpu.memory_space<vmem>>, vector<1x16xf32>,
        %get3A_987 = vector.shape_cast %get3A_986 : vector<1x16xf32> to vector<16xf32>
        %add3A_988 = arith.addf %add3A_981, %get3A_987 : vector<16xf32>
        %swap3A_989 = arith.index_cast %scan3A_283 : i32 to index
        %swap3A_990 = arith.constant 64 : index
        %swap3A_991 = tpu.vector_load %arg17[%swap3A_989, %swap3A_990] {strides = array<i32>} : memref<8x128xf32, #tpu.memory_space<vmem>>, vector<1x16xf32>,
        %swap3A_992 = vector.shape_cast %swap3A_991 : vector<1x16xf32> to vector<16xf32>
        %swap3A_993 = vector.shape_cast %add3A_988 : vector<16xf32> to vector<1x16xf32>
        tpu.vector_store %arg17[%swap3A_989, %swap3A_990], %swap3A_993 {strides = array<i32>} : memref<8x128xf32, #tpu.memory_space<vmem>>, vector<1x16xf32>,
        %get3A_994 = arith.index_cast %mul3A_285 : i32 to index
        %get3A_995 = arith.constant 80 : index
        %get3A_996 = tpu.vector_load %arg14[%get3A_994, %get3A_995] {strides = array<i32>} : memref<160x128xf32, #tpu.memory_space<vmem>>, vector<1x16xf32>,
        %get3A_997 = vector.shape_cast %get3A_996 : vector<1x16xf32> to vector<16xf32>
        %add3A_998 = arith.constant 1 : i32
        %add3A_999 = arith.addi %mul3A_285, %add3A_998 : i32
        %get3A_1000 = arith.index_cast %add3A_999 : i32 to index
        %get3A_1001 = arith.constant 80 : index
        %get3A_1002 = tpu.vector_load %arg14[%get3A_1000, %get3A_1001] {strides = array<i32>} : memref<160x128xf32, #tpu.memory_space<vmem>>, vector<1x16xf32>,
        %get3A_1003 = vector.shape_cast %get3A_1002 : vector<1x16xf32> to vector<16xf32>
        %add3A_1004 = arith.addf %get3A_997, %get3A_1003 : vector<16xf32>
        %add3A_1005 = arith.constant 2 : i32
        %add3A_1006 = arith.addi %mul3A_285, %add3A_1005 : i32
        %get3A_1007 = arith.index_cast %add3A_1006 : i32 to index
        %get3A_1008 = arith.constant 80 : index
        %get3A_1009 = tpu.vector_load %arg14[%get3A_1007, %get3A_1008] {strides = array<i32>} : memref<160x128xf32, #tpu.memory_space<vmem>>, vector<1x16xf32>,
        %get3A_1010 = vector.shape_cast %get3A_1009 : vector<1x16xf32> to vector<16xf32>
        %add3A_1011 = arith.addf %add3A_1004, %get3A_1010 : vector<16xf32>
        %add3A_1012 = arith.constant 3 : i32
        %add3A_1013 = arith.addi %mul3A_285, %add3A_1012 : i32
        %get3A_1014 = arith.index_cast %add3A_1013 : i32 to index
        %get3A_1015 = arith.constant 80 : index
        %get3A_1016 = tpu.vector_load %arg14[%get3A_1014, %get3A_1015] {strides = array<i32>} : memref<160x128xf32, #tpu.memory_space<vmem>>, vector<1x16xf32>,
        %get3A_1017 = vector.shape_cast %get3A_1016 : vector<1x16xf32> to vector<16xf32>
        %add3A_1018 = arith.addf %add3A_1011, %get3A_1017 : vector<16xf32>
        %add3A_1019 = arith.constant 4 : i32
        %add3A_1020 = arith.addi %mul3A_285, %add3A_1019 : i32
        %get3A_1021 = arith.index_cast %add3A_1020 : i32 to index
        %get3A_1022 = arith.constant 80 : index
        %get3A_1023 = tpu.vector_load %arg14[%get3A_1021, %get3A_1022] {strides = array<i32>} : memref<160x128xf32, #tpu.memory_space<vmem>>, vector<1x16xf32>,
        %get3A_1024 = vector.shape_cast %get3A_1023 : vector<1x16xf32> to vector<16xf32>
        %add3A_1025 = arith.addf %add3A_1018, %get3A_1024 : vector<16xf32>
        %add3A_1026 = arith.constant 5 : i32
        %add3A_1027 = arith.addi %mul3A_285, %add3A_1026 : i32
        %get3A_1028 = arith.index_cast %add3A_1027 : i32 to index
        %get3A_1029 = arith.constant 80 : index
        %get3A_1030 = tpu.vector_load %arg14[%get3A_1028, %get3A_1029] {strides = array<i32>} : memref<160x128xf32, #tpu.memory_space<vmem>>, vector<1x16xf32>,
        %get3A_1031 = vector.shape_cast %get3A_1030 : vector<1x16xf32> to vector<16xf32>
        %add3A_1032 = arith.addf %add3A_1025, %get3A_1031 : vector<16xf32>
        %add3A_1033 = arith.constant 6 : i32
        %add3A_1034 = arith.addi %mul3A_285, %add3A_1033 : i32
        %get3A_1035 = arith.index_cast %add3A_1034 : i32 to index
        %get3A_1036 = arith.constant 80 : index
        %get3A_1037 = tpu.vector_load %arg14[%get3A_1035, %get3A_1036] {strides = array<i32>} : memref<160x128xf32, #tpu.memory_space<vmem>>, vector<1x16xf32>,
        %get3A_1038 = vector.shape_cast %get3A_1037 : vector<1x16xf32> to vector<16xf32>
        %add3A_1039 = arith.addf %add3A_1032, %get3A_1038 : vector<16xf32>
        %add3A_1040 = arith.constant 7 : i32
        %add3A_1041 = arith.addi %mul3A_285, %add3A_1040 : i32
        %get3A_1042 = arith.index_cast %add3A_1041 : i32 to index
        %get3A_1043 = arith.constant 80 : index
        %get3A_1044 = tpu.vector_load %arg14[%get3A_1042, %get3A_1043] {strides = array<i32>} : memref<160x128xf32, #tpu.memory_space<vmem>>, vector<1x16xf32>,
        %get3A_1045 = vector.shape_cast %get3A_1044 : vector<1x16xf32> to vector<16xf32>
        %add3A_1046 = arith.addf %add3A_1039, %get3A_1045 : vector<16xf32>
        %add3A_1047 = arith.constant 8 : i32
        %add3A_1048 = arith.addi %mul3A_285, %add3A_1047 : i32
        %get3A_1049 = arith.index_cast %add3A_1048 : i32 to index
        %get3A_1050 = arith.constant 80 : index
        %get3A_1051 = tpu.vector_load %arg14[%get3A_1049, %get3A_1050] {strides = array<i32>} : memref<160x128xf32, #tpu.memory_space<vmem>>, vector<1x16xf32>,
        %get3A_1052 = vector.shape_cast %get3A_1051 : vector<1x16xf32> to vector<16xf32>
        %add3A_1053 = arith.addf %add3A_1046, %get3A_1052 : vector<16xf32>
        %add3A_1054 = arith.constant 9 : i32
        %add3A_1055 = arith.addi %mul3A_285, %add3A_1054 : i32
        %get3A_1056 = arith.index_cast %add3A_1055 : i32 to index
        %get3A_1057 = arith.constant 80 : index
        %get3A_1058 = tpu.vector_load %arg14[%get3A_1056, %get3A_1057] {strides = array<i32>} : memref<160x128xf32, #tpu.memory_space<vmem>>, vector<1x16xf32>,
        %get3A_1059 = vector.shape_cast %get3A_1058 : vector<1x16xf32> to vector<16xf32>
        %add3A_1060 = arith.addf %add3A_1053, %get3A_1059 : vector<16xf32>
        %add3A_1061 = arith.constant 10 : i32
        %add3A_1062 = arith.addi %mul3A_285, %add3A_1061 : i32
        %get3A_1063 = arith.index_cast %add3A_1062 : i32 to index
        %get3A_1064 = arith.constant 80 : index
        %get3A_1065 = tpu.vector_load %arg14[%get3A_1063, %get3A_1064] {strides = array<i32>} : memref<160x128xf32, #tpu.memory_space<vmem>>, vector<1x16xf32>,
        %get3A_1066 = vector.shape_cast %get3A_1065 : vector<1x16xf32> to vector<16xf32>
        %add3A_1067 = arith.addf %add3A_1060, %get3A_1066 : vector<16xf32>
        %add3A_1068 = arith.constant 11 : i32
        %add3A_1069 = arith.addi %mul3A_285, %add3A_1068 : i32
        %get3A_1070 = arith.index_cast %add3A_1069 : i32 to index
        %get3A_1071 = arith.constant 80 : index
        %get3A_1072 = tpu.vector_load %arg14[%get3A_1070, %get3A_1071] {strides = array<i32>} : memref<160x128xf32, #tpu.memory_space<vmem>>, vector<1x16xf32>,
        %get3A_1073 = vector.shape_cast %get3A_1072 : vector<1x16xf32> to vector<16xf32>
        %add3A_1074 = arith.addf %add3A_1067, %get3A_1073 : vector<16xf32>
        %add3A_1075 = arith.constant 12 : i32
        %add3A_1076 = arith.addi %mul3A_285, %add3A_1075 : i32
        %get3A_1077 = arith.index_cast %add3A_1076 : i32 to index
        %get3A_1078 = arith.constant 80 : index
        %get3A_1079 = tpu.vector_load %arg14[%get3A_1077, %get3A_1078] {strides = array<i32>} : memref<160x128xf32, #tpu.memory_space<vmem>>, vector<1x16xf32>,
        %get3A_1080 = vector.shape_cast %get3A_1079 : vector<1x16xf32> to vector<16xf32>
        %add3A_1081 = arith.addf %add3A_1074, %get3A_1080 : vector<16xf32>
        %add3A_1082 = arith.constant 13 : i32
        %add3A_1083 = arith.addi %mul3A_285, %add3A_1082 : i32
        %get3A_1084 = arith.index_cast %add3A_1083 : i32 to index
        %get3A_1085 = arith.constant 80 : index
        %get3A_1086 = tpu.vector_load %arg14[%get3A_1084, %get3A_1085] {strides = array<i32>} : memref<160x128xf32, #tpu.memory_space<vmem>>, vector<1x16xf32>,
        %get3A_1087 = vector.shape_cast %get3A_1086 : vector<1x16xf32> to vector<16xf32>
        %add3A_1088 = arith.addf %add3A_1081, %get3A_1087 : vector<16xf32>
        %add3A_1089 = arith.constant 14 : i32
        %add3A_1090 = arith.addi %mul3A_285, %add3A_1089 : i32
        %get3A_1091 = arith.index_cast %add3A_1090 : i32 to index
        %get3A_1092 = arith.constant 80 : index
        %get3A_1093 = tpu.vector_load %arg14[%get3A_1091, %get3A_1092] {strides = array<i32>} : memref<160x128xf32, #tpu.memory_space<vmem>>, vector<1x16xf32>,
        %get3A_1094 = vector.shape_cast %get3A_1093 : vector<1x16xf32> to vector<16xf32>
        %add3A_1095 = arith.addf %add3A_1088, %get3A_1094 : vector<16xf32>
        %add3A_1096 = arith.constant 15 : i32
        %add3A_1097 = arith.addi %mul3A_285, %add3A_1096 : i32
        %get3A_1098 = arith.index_cast %add3A_1097 : i32 to index
        %get3A_1099 = arith.constant 80 : index
        %get3A_1100 = tpu.vector_load %arg14[%get3A_1098, %get3A_1099] {strides = array<i32>} : memref<160x128xf32, #tpu.memory_space<vmem>>, vector<1x16xf32>,
        %get3A_1101 = vector.shape_cast %get3A_1100 : vector<1x16xf32> to vector<16xf32>
        %add3A_1102 = arith.addf %add3A_1095, %get3A_1101 : vector<16xf32>
        %add3A_1103 = arith.constant 16 : i32
        %add3A_1104 = arith.addi %mul3A_285, %add3A_1103 : i32
        %get3A_1105 = arith.index_cast %add3A_1104 : i32 to index
        %get3A_1106 = arith.constant 80 : index
        %get3A_1107 = tpu.vector_load %arg14[%get3A_1105, %get3A_1106] {strides = array<i32>} : memref<160x128xf32, #tpu.memory_space<vmem>>, vector<1x16xf32>,
        %get3A_1108 = vector.shape_cast %get3A_1107 : vector<1x16xf32> to vector<16xf32>
        %add3A_1109 = arith.addf %add3A_1102, %get3A_1108 : vector<16xf32>
        %add3A_1110 = arith.constant 17 : i32
        %add3A_1111 = arith.addi %mul3A_285, %add3A_1110 : i32
        %get3A_1112 = arith.index_cast %add3A_1111 : i32 to index
        %get3A_1113 = arith.constant 80 : index
        %get3A_1114 = tpu.vector_load %arg14[%get3A_1112, %get3A_1113] {strides = array<i32>} : memref<160x128xf32, #tpu.memory_space<vmem>>, vector<1x16xf32>,
        %get3A_1115 = vector.shape_cast %get3A_1114 : vector<1x16xf32> to vector<16xf32>
        %add3A_1116 = arith.addf %add3A_1109, %get3A_1115 : vector<16xf32>
        %add3A_1117 = arith.constant 18 : i32
        %add3A_1118 = arith.addi %mul3A_285, %add3A_1117 : i32
        %get3A_1119 = arith.index_cast %add3A_1118 : i32 to index
        %get3A_1120 = arith.constant 80 : index
        %get3A_1121 = tpu.vector_load %arg14[%get3A_1119, %get3A_1120] {strides = array<i32>} : memref<160x128xf32, #tpu.memory_space<vmem>>, vector<1x16xf32>,
        %get3A_1122 = vector.shape_cast %get3A_1121 : vector<1x16xf32> to vector<16xf32>
        %add3A_1123 = arith.addf %add3A_1116, %get3A_1122 : vector<16xf32>
        %add3A_1124 = arith.constant 19 : i32
        %add3A_1125 = arith.addi %mul3A_285, %add3A_1124 : i32
        %get3A_1126 = arith.index_cast %add3A_1125 : i32 to index
        %get3A_1127 = arith.constant 80 : index
        %get3A_1128 = tpu.vector_load %arg14[%get3A_1126, %get3A_1127] {strides = array<i32>} : memref<160x128xf32, #tpu.memory_space<vmem>>, vector<1x16xf32>,
        %get3A_1129 = vector.shape_cast %get3A_1128 : vector<1x16xf32> to vector<16xf32>
        %add3A_1130 = arith.addf %add3A_1123, %get3A_1129 : vector<16xf32>
        %swap3A_1131 = arith.index_cast %scan3A_283 : i32 to index
        %swap3A_1132 = arith.constant 80 : index
        %swap3A_1133 = tpu.vector_load %arg17[%swap3A_1131, %swap3A_1132] {strides = array<i32>} : memref<8x128xf32, #tpu.memory_space<vmem>>, vector<1x16xf32>,
        %swap3A_1134 = vector.shape_cast %swap3A_1133 : vector<1x16xf32> to vector<16xf32>
        %swap3A_1135 = vector.shape_cast %add3A_1130 : vector<16xf32> to vector<1x16xf32>
        tpu.vector_store %arg17[%swap3A_1131, %swap3A_1132], %swap3A_1135 {strides = array<i32>} : memref<8x128xf32, #tpu.memory_space<vmem>>, vector<1x16xf32>,
        %get3A_1136 = arith.index_cast %mul3A_285 : i32 to index
        %get3A_1137 = arith.constant 96 : index
        %get3A_1138 = tpu.vector_load %arg14[%get3A_1136, %get3A_1137] {strides = array<i32>} : memref<160x128xf32, #tpu.memory_space<vmem>>, vector<1x16xf32>,
        %get3A_1139 = vector.shape_cast %get3A_1138 : vector<1x16xf32> to vector<16xf32>
        %add3A_1140 = arith.constant 1 : i32
        %add3A_1141 = arith.addi %mul3A_285, %add3A_1140 : i32
        %get3A_1142 = arith.index_cast %add3A_1141 : i32 to index
        %get3A_1143 = arith.constant 96 : index
        %get3A_1144 = tpu.vector_load %arg14[%get3A_1142, %get3A_1143] {strides = array<i32>} : memref<160x128xf32, #tpu.memory_space<vmem>>, vector<1x16xf32>,
        %get3A_1145 = vector.shape_cast %get3A_1144 : vector<1x16xf32> to vector<16xf32>
        %add3A_1146 = arith.addf %get3A_1139, %get3A_1145 : vector<16xf32>
        %add3A_1147 = arith.constant 2 : i32
        %add3A_1148 = arith.addi %mul3A_285, %add3A_1147 : i32
        %get3A_1149 = arith.index_cast %add3A_1148 : i32 to index
        %get3A_1150 = arith.constant 96 : index
        %get3A_1151 = tpu.vector_load %arg14[%get3A_1149, %get3A_1150] {strides = array<i32>} : memref<160x128xf32, #tpu.memory_space<vmem>>, vector<1x16xf32>,
        %get3A_1152 = vector.shape_cast %get3A_1151 : vector<1x16xf32> to vector<16xf32>
        %add3A_1153 = arith.addf %add3A_1146, %get3A_1152 : vector<16xf32>
        %add3A_1154 = arith.constant 3 : i32
        %add3A_1155 = arith.addi %mul3A_285, %add3A_1154 : i32
        %get3A_1156 = arith.index_cast %add3A_1155 : i32 to index
        %get3A_1157 = arith.constant 96 : index
        %get3A_1158 = tpu.vector_load %arg14[%get3A_1156, %get3A_1157] {strides = array<i32>} : memref<160x128xf32, #tpu.memory_space<vmem>>, vector<1x16xf32>,
        %get3A_1159 = vector.shape_cast %get3A_1158 : vector<1x16xf32> to vector<16xf32>
        %add3A_1160 = arith.addf %add3A_1153, %get3A_1159 : vector<16xf32>
        %add3A_1161 = arith.constant 4 : i32
        %add3A_1162 = arith.addi %mul3A_285, %add3A_1161 : i32
        %get3A_1163 = arith.index_cast %add3A_1162 : i32 to index
        %get3A_1164 = arith.constant 96 : index
        %get3A_1165 = tpu.vector_load %arg14[%get3A_1163, %get3A_1164] {strides = array<i32>} : memref<160x128xf32, #tpu.memory_space<vmem>>, vector<1x16xf32>,
        %get3A_1166 = vector.shape_cast %get3A_1165 : vector<1x16xf32> to vector<16xf32>
        %add3A_1167 = arith.addf %add3A_1160, %get3A_1166 : vector<16xf32>
        %add3A_1168 = arith.constant 5 : i32
        %add3A_1169 = arith.addi %mul3A_285, %add3A_1168 : i32
        %get3A_1170 = arith.index_cast %add3A_1169 : i32 to index
        %get3A_1171 = arith.constant 96 : index
        %get3A_1172 = tpu.vector_load %arg14[%get3A_1170, %get3A_1171] {strides = array<i32>} : memref<160x128xf32, #tpu.memory_space<vmem>>, vector<1x16xf32>,
        %get3A_1173 = vector.shape_cast %get3A_1172 : vector<1x16xf32> to vector<16xf32>
        %add3A_1174 = arith.addf %add3A_1167, %get3A_1173 : vector<16xf32>
        %add3A_1175 = arith.constant 6 : i32
        %add3A_1176 = arith.addi %mul3A_285, %add3A_1175 : i32
        %get3A_1177 = arith.index_cast %add3A_1176 : i32 to index
        %get3A_1178 = arith.constant 96 : index
        %get3A_1179 = tpu.vector_load %arg14[%get3A_1177, %get3A_1178] {strides = array<i32>} : memref<160x128xf32, #tpu.memory_space<vmem>>, vector<1x16xf32>,
        %get3A_1180 = vector.shape_cast %get3A_1179 : vector<1x16xf32> to vector<16xf32>
        %add3A_1181 = arith.addf %add3A_1174, %get3A_1180 : vector<16xf32>
        %add3A_1182 = arith.constant 7 : i32
        %add3A_1183 = arith.addi %mul3A_285, %add3A_1182 : i32
        %get3A_1184 = arith.index_cast %add3A_1183 : i32 to index
        %get3A_1185 = arith.constant 96 : index
        %get3A_1186 = tpu.vector_load %arg14[%get3A_1184, %get3A_1185] {strides = array<i32>} : memref<160x128xf32, #tpu.memory_space<vmem>>, vector<1x16xf32>,
        %get3A_1187 = vector.shape_cast %get3A_1186 : vector<1x16xf32> to vector<16xf32>
        %add3A_1188 = arith.addf %add3A_1181, %get3A_1187 : vector<16xf32>
        %add3A_1189 = arith.constant 8 : i32
        %add3A_1190 = arith.addi %mul3A_285, %add3A_1189 : i32
        %get3A_1191 = arith.index_cast %add3A_1190 : i32 to index
        %get3A_1192 = arith.constant 96 : index
        %get3A_1193 = tpu.vector_load %arg14[%get3A_1191, %get3A_1192] {strides = array<i32>} : memref<160x128xf32, #tpu.memory_space<vmem>>, vector<1x16xf32>,
        %get3A_1194 = vector.shape_cast %get3A_1193 : vector<1x16xf32> to vector<16xf32>
        %add3A_1195 = arith.addf %add3A_1188, %get3A_1194 : vector<16xf32>
        %add3A_1196 = arith.constant 9 : i32
        %add3A_1197 = arith.addi %mul3A_285, %add3A_1196 : i32
        %get3A_1198 = arith.index_cast %add3A_1197 : i32 to index
        %get3A_1199 = arith.constant 96 : index
        %get3A_1200 = tpu.vector_load %arg14[%get3A_1198, %get3A_1199] {strides = array<i32>} : memref<160x128xf32, #tpu.memory_space<vmem>>, vector<1x16xf32>,
        %get3A_1201 = vector.shape_cast %get3A_1200 : vector<1x16xf32> to vector<16xf32>
        %add3A_1202 = arith.addf %add3A_1195, %get3A_1201 : vector<16xf32>
        %add3A_1203 = arith.constant 10 : i32
        %add3A_1204 = arith.addi %mul3A_285, %add3A_1203 : i32
        %get3A_1205 = arith.index_cast %add3A_1204 : i32 to index
        %get3A_1206 = arith.constant 96 : index
        %get3A_1207 = tpu.vector_load %arg14[%get3A_1205, %get3A_1206] {strides = array<i32>} : memref<160x128xf32, #tpu.memory_space<vmem>>, vector<1x16xf32>,
        %get3A_1208 = vector.shape_cast %get3A_1207 : vector<1x16xf32> to vector<16xf32>
        %add3A_1209 = arith.addf %add3A_1202, %get3A_1208 : vector<16xf32>
        %add3A_1210 = arith.constant 11 : i32
        %add3A_1211 = arith.addi %mul3A_285, %add3A_1210 : i32
        %get3A_1212 = arith.index_cast %add3A_1211 : i32 to index
        %get3A_1213 = arith.constant 96 : index
        %get3A_1214 = tpu.vector_load %arg14[%get3A_1212, %get3A_1213] {strides = array<i32>} : memref<160x128xf32, #tpu.memory_space<vmem>>, vector<1x16xf32>,
        %get3A_1215 = vector.shape_cast %get3A_1214 : vector<1x16xf32> to vector<16xf32>
        %add3A_1216 = arith.addf %add3A_1209, %get3A_1215 : vector<16xf32>
        %add3A_1217 = arith.constant 12 : i32
        %add3A_1218 = arith.addi %mul3A_285, %add3A_1217 : i32
        %get3A_1219 = arith.index_cast %add3A_1218 : i32 to index
        %get3A_1220 = arith.constant 96 : index
        %get3A_1221 = tpu.vector_load %arg14[%get3A_1219, %get3A_1220] {strides = array<i32>} : memref<160x128xf32, #tpu.memory_space<vmem>>, vector<1x16xf32>,
        %get3A_1222 = vector.shape_cast %get3A_1221 : vector<1x16xf32> to vector<16xf32>
        %add3A_1223 = arith.addf %add3A_1216, %get3A_1222 : vector<16xf32>
        %add3A_1224 = arith.constant 13 : i32
        %add3A_1225 = arith.addi %mul3A_285, %add3A_1224 : i32
        %get3A_1226 = arith.index_cast %add3A_1225 : i32 to index
        %get3A_1227 = arith.constant 96 : index
        %get3A_1228 = tpu.vector_load %arg14[%get3A_1226, %get3A_1227] {strides = array<i32>} : memref<160x128xf32, #tpu.memory_space<vmem>>, vector<1x16xf32>,
        %get3A_1229 = vector.shape_cast %get3A_1228 : vector<1x16xf32> to vector<16xf32>
        %add3A_1230 = arith.addf %add3A_1223, %get3A_1229 : vector<16xf32>
        %add3A_1231 = arith.constant 14 : i32
        %add3A_1232 = arith.addi %mul3A_285, %add3A_1231 : i32
        %get3A_1233 = arith.index_cast %add3A_1232 : i32 to index
        %get3A_1234 = arith.constant 96 : index
        %get3A_1235 = tpu.vector_load %arg14[%get3A_1233, %get3A_1234] {strides = array<i32>} : memref<160x128xf32, #tpu.memory_space<vmem>>, vector<1x16xf32>,
        %get3A_1236 = vector.shape_cast %get3A_1235 : vector<1x16xf32> to vector<16xf32>
        %add3A_1237 = arith.addf %add3A_1230, %get3A_1236 : vector<16xf32>
        %add3A_1238 = arith.constant 15 : i32
        %add3A_1239 = arith.addi %mul3A_285, %add3A_1238 : i32
        %get3A_1240 = arith.index_cast %add3A_1239 : i32 to index
        %get3A_1241 = arith.constant 96 : index
        %get3A_1242 = tpu.vector_load %arg14[%get3A_1240, %get3A_1241] {strides = array<i32>} : memref<160x128xf32, #tpu.memory_space<vmem>>, vector<1x16xf32>,
        %get3A_1243 = vector.shape_cast %get3A_1242 : vector<1x16xf32> to vector<16xf32>
        %add3A_1244 = arith.addf %add3A_1237, %get3A_1243 : vector<16xf32>
        %add3A_1245 = arith.constant 16 : i32
        %add3A_1246 = arith.addi %mul3A_285, %add3A_1245 : i32
        %get3A_1247 = arith.index_cast %add3A_1246 : i32 to index
        %get3A_1248 = arith.constant 96 : index
        %get3A_1249 = tpu.vector_load %arg14[%get3A_1247, %get3A_1248] {strides = array<i32>} : memref<160x128xf32, #tpu.memory_space<vmem>>, vector<1x16xf32>,
        %get3A_1250 = vector.shape_cast %get3A_1249 : vector<1x16xf32> to vector<16xf32>
        %add3A_1251 = arith.addf %add3A_1244, %get3A_1250 : vector<16xf32>
        %add3A_1252 = arith.constant 17 : i32
        %add3A_1253 = arith.addi %mul3A_285, %add3A_1252 : i32
        %get3A_1254 = arith.index_cast %add3A_1253 : i32 to index
        %get3A_1255 = arith.constant 96 : index
        %get3A_1256 = tpu.vector_load %arg14[%get3A_1254, %get3A_1255] {strides = array<i32>} : memref<160x128xf32, #tpu.memory_space<vmem>>, vector<1x16xf32>,
        %get3A_1257 = vector.shape_cast %get3A_1256 : vector<1x16xf32> to vector<16xf32>
        %add3A_1258 = arith.addf %add3A_1251, %get3A_1257 : vector<16xf32>
        %add3A_1259 = arith.constant 18 : i32
        %add3A_1260 = arith.addi %mul3A_285, %add3A_1259 : i32
        %get3A_1261 = arith.index_cast %add3A_1260 : i32 to index
        %get3A_1262 = arith.constant 96 : index
        %get3A_1263 = tpu.vector_load %arg14[%get3A_1261, %get3A_1262] {strides = array<i32>} : memref<160x128xf32, #tpu.memory_space<vmem>>, vector<1x16xf32>,
        %get3A_1264 = vector.shape_cast %get3A_1263 : vector<1x16xf32> to vector<16xf32>
        %add3A_1265 = arith.addf %add3A_1258, %get3A_1264 : vector<16xf32>
        %add3A_1266 = arith.constant 19 : i32
        %add3A_1267 = arith.addi %mul3A_285, %add3A_1266 : i32
        %get3A_1268 = arith.index_cast %add3A_1267 : i32 to index
        %get3A_1269 = arith.constant 96 : index
        %get3A_1270 = tpu.vector_load %arg14[%get3A_1268, %get3A_1269] {strides = array<i32>} : memref<160x128xf32, #tpu.memory_space<vmem>>, vector<1x16xf32>,
        %get3A_1271 = vector.shape_cast %get3A_1270 : vector<1x16xf32> to vector<16xf32>
        %add3A_1272 = arith.addf %add3A_1265, %get3A_1271 : vector<16xf32>
        %swap3A_1273 = arith.index_cast %scan3A_283 : i32 to index
        %swap3A_1274 = arith.constant 96 : index
        %swap3A_1275 = tpu.vector_load %arg17[%swap3A_1273, %swap3A_1274] {strides = array<i32>} : memref<8x128xf32, #tpu.memory_space<vmem>>, vector<1x16xf32>,
        %swap3A_1276 = vector.shape_cast %swap3A_1275 : vector<1x16xf32> to vector<16xf32>
        %swap3A_1277 = vector.shape_cast %add3A_1272 : vector<16xf32> to vector<1x16xf32>
        tpu.vector_store %arg17[%swap3A_1273, %swap3A_1274], %swap3A_1277 {strides = array<i32>} : memref<8x128xf32, #tpu.memory_space<vmem>>, vector<1x16xf32>,
        %get3A_1278 = arith.index_cast %mul3A_285 : i32 to index
        %get3A_1279 = arith.constant 112 : index
        %get3A_1280 = tpu.vector_load %arg14[%get3A_1278, %get3A_1279] {strides = array<i32>} : memref<160x128xf32, #tpu.memory_space<vmem>>, vector<1x16xf32>,
        %get3A_1281 = vector.shape_cast %get3A_1280 : vector<1x16xf32> to vector<16xf32>
        %add3A_1282 = arith.constant 1 : i32
        %add3A_1283 = arith.addi %mul3A_285, %add3A_1282 : i32
        %get3A_1284 = arith.index_cast %add3A_1283 : i32 to index
        %get3A_1285 = arith.constant 112 : index
        %get3A_1286 = tpu.vector_load %arg14[%get3A_1284, %get3A_1285] {strides = array<i32>} : memref<160x128xf32, #tpu.memory_space<vmem>>, vector<1x16xf32>,
        %get3A_1287 = vector.shape_cast %get3A_1286 : vector<1x16xf32> to vector<16xf32>
        %add3A_1288 = arith.addf %get3A_1281, %get3A_1287 : vector<16xf32>
        %add3A_1289 = arith.constant 2 : i32
        %add3A_1290 = arith.addi %mul3A_285, %add3A_1289 : i32
        %get3A_1291 = arith.index_cast %add3A_1290 : i32 to index
        %get3A_1292 = arith.constant 112 : index
        %get3A_1293 = tpu.vector_load %arg14[%get3A_1291, %get3A_1292] {strides = array<i32>} : memref<160x128xf32, #tpu.memory_space<vmem>>, vector<1x16xf32>,
        %get3A_1294 = vector.shape_cast %get3A_1293 : vector<1x16xf32> to vector<16xf32>
        %add3A_1295 = arith.addf %add3A_1288, %get3A_1294 : vector<16xf32>
        %add3A_1296 = arith.constant 3 : i32
        %add3A_1297 = arith.addi %mul3A_285, %add3A_1296 : i32
        %get3A_1298 = arith.index_cast %add3A_1297 : i32 to index
        %get3A_1299 = arith.constant 112 : index
        %get3A_1300 = tpu.vector_load %arg14[%get3A_1298, %get3A_1299] {strides = array<i32>} : memref<160x128xf32, #tpu.memory_space<vmem>>, vector<1x16xf32>,
        %get3A_1301 = vector.shape_cast %get3A_1300 : vector<1x16xf32> to vector<16xf32>
        %add3A_1302 = arith.addf %add3A_1295, %get3A_1301 : vector<16xf32>
        %add3A_1303 = arith.constant 4 : i32
        %add3A_1304 = arith.addi %mul3A_285, %add3A_1303 : i32
        %get3A_1305 = arith.index_cast %add3A_1304 : i32 to index
        %get3A_1306 = arith.constant 112 : index
        %get3A_1307 = tpu.vector_load %arg14[%get3A_1305, %get3A_1306] {strides = array<i32>} : memref<160x128xf32, #tpu.memory_space<vmem>>, vector<1x16xf32>,
        %get3A_1308 = vector.shape_cast %get3A_1307 : vector<1x16xf32> to vector<16xf32>
        %add3A_1309 = arith.addf %add3A_1302, %get3A_1308 : vector<16xf32>
        %add3A_1310 = arith.constant 5 : i32
        %add3A_1311 = arith.addi %mul3A_285, %add3A_1310 : i32
        %get3A_1312 = arith.index_cast %add3A_1311 : i32 to index
        %get3A_1313 = arith.constant 112 : index
        %get3A_1314 = tpu.vector_load %arg14[%get3A_1312, %get3A_1313] {strides = array<i32>} : memref<160x128xf32, #tpu.memory_space<vmem>>, vector<1x16xf32>,
        %get3A_1315 = vector.shape_cast %get3A_1314 : vector<1x16xf32> to vector<16xf32>
        %add3A_1316 = arith.addf %add3A_1309, %get3A_1315 : vector<16xf32>
        %add3A_1317 = arith.constant 6 : i32
        %add3A_1318 = arith.addi %mul3A_285, %add3A_1317 : i32
        %get3A_1319 = arith.index_cast %add3A_1318 : i32 to index
        %get3A_1320 = arith.constant 112 : index
        %get3A_1321 = tpu.vector_load %arg14[%get3A_1319, %get3A_1320] {strides = array<i32>} : memref<160x128xf32, #tpu.memory_space<vmem>>, vector<1x16xf32>,
        %get3A_1322 = vector.shape_cast %get3A_1321 : vector<1x16xf32> to vector<16xf32>
        %add3A_1323 = arith.addf %add3A_1316, %get3A_1322 : vector<16xf32>
        %add3A_1324 = arith.constant 7 : i32
        %add3A_1325 = arith.addi %mul3A_285, %add3A_1324 : i32
        %get3A_1326 = arith.index_cast %add3A_1325 : i32 to index
        %get3A_1327 = arith.constant 112 : index
        %get3A_1328 = tpu.vector_load %arg14[%get3A_1326, %get3A_1327] {strides = array<i32>} : memref<160x128xf32, #tpu.memory_space<vmem>>, vector<1x16xf32>,
        %get3A_1329 = vector.shape_cast %get3A_1328 : vector<1x16xf32> to vector<16xf32>
        %add3A_1330 = arith.addf %add3A_1323, %get3A_1329 : vector<16xf32>
        %add3A_1331 = arith.constant 8 : i32
        %add3A_1332 = arith.addi %mul3A_285, %add3A_1331 : i32
        %get3A_1333 = arith.index_cast %add3A_1332 : i32 to index
        %get3A_1334 = arith.constant 112 : index
        %get3A_1335 = tpu.vector_load %arg14[%get3A_1333, %get3A_1334] {strides = array<i32>} : memref<160x128xf32, #tpu.memory_space<vmem>>, vector<1x16xf32>,
        %get3A_1336 = vector.shape_cast %get3A_1335 : vector<1x16xf32> to vector<16xf32>
        %add3A_1337 = arith.addf %add3A_1330, %get3A_1336 : vector<16xf32>
        %add3A_1338 = arith.constant 9 : i32
        %add3A_1339 = arith.addi %mul3A_285, %add3A_1338 : i32
        %get3A_1340 = arith.index_cast %add3A_1339 : i32 to index
        %get3A_1341 = arith.constant 112 : index
        %get3A_1342 = tpu.vector_load %arg14[%get3A_1340, %get3A_1341] {strides = array<i32>} : memref<160x128xf32, #tpu.memory_space<vmem>>, vector<1x16xf32>,
        %get3A_1343 = vector.shape_cast %get3A_1342 : vector<1x16xf32> to vector<16xf32>
        %add3A_1344 = arith.addf %add3A_1337, %get3A_1343 : vector<16xf32>
        %add3A_1345 = arith.constant 10 : i32
        %add3A_1346 = arith.addi %mul3A_285, %add3A_1345 : i32
        %get3A_1347 = arith.index_cast %add3A_1346 : i32 to index
        %get3A_1348 = arith.constant 112 : index
        %get3A_1349 = tpu.vector_load %arg14[%get3A_1347, %get3A_1348] {strides = array<i32>} : memref<160x128xf32, #tpu.memory_space<vmem>>, vector<1x16xf32>,
        %get3A_1350 = vector.shape_cast %get3A_1349 : vector<1x16xf32> to vector<16xf32>
        %add3A_1351 = arith.addf %add3A_1344, %get3A_1350 : vector<16xf32>
        %add3A_1352 = arith.constant 11 : i32
        %add3A_1353 = arith.addi %mul3A_285, %add3A_1352 : i32
        %get3A_1354 = arith.index_cast %add3A_1353 : i32 to index
        %get3A_1355 = arith.constant 112 : index
        %get3A_1356 = tpu.vector_load %arg14[%get3A_1354, %get3A_1355] {strides = array<i32>} : memref<160x128xf32, #tpu.memory_space<vmem>>, vector<1x16xf32>,
        %get3A_1357 = vector.shape_cast %get3A_1356 : vector<1x16xf32> to vector<16xf32>
        %add3A_1358 = arith.addf %add3A_1351, %get3A_1357 : vector<16xf32>
        %add3A_1359 = arith.constant 12 : i32
        %add3A_1360 = arith.addi %mul3A_285, %add3A_1359 : i32
        %get3A_1361 = arith.index_cast %add3A_1360 : i32 to index
        %get3A_1362 = arith.constant 112 : index
        %get3A_1363 = tpu.vector_load %arg14[%get3A_1361, %get3A_1362] {strides = array<i32>} : memref<160x128xf32, #tpu.memory_space<vmem>>, vector<1x16xf32>,
        %get3A_1364 = vector.shape_cast %get3A_1363 : vector<1x16xf32> to vector<16xf32>
        %add3A_1365 = arith.addf %add3A_1358, %get3A_1364 : vector<16xf32>
        %add3A_1366 = arith.constant 13 : i32
        %add3A_1367 = arith.addi %mul3A_285, %add3A_1366 : i32
        %get3A_1368 = arith.index_cast %add3A_1367 : i32 to index
        %get3A_1369 = arith.constant 112 : index
        %get3A_1370 = tpu.vector_load %arg14[%get3A_1368, %get3A_1369] {strides = array<i32>} : memref<160x128xf32, #tpu.memory_space<vmem>>, vector<1x16xf32>,
        %get3A_1371 = vector.shape_cast %get3A_1370 : vector<1x16xf32> to vector<16xf32>
        %add3A_1372 = arith.addf %add3A_1365, %get3A_1371 : vector<16xf32>
        %add3A_1373 = arith.constant 14 : i32
        %add3A_1374 = arith.addi %mul3A_285, %add3A_1373 : i32
        %get3A_1375 = arith.index_cast %add3A_1374 : i32 to index
        %get3A_1376 = arith.constant 112 : index
        %get3A_1377 = tpu.vector_load %arg14[%get3A_1375, %get3A_1376] {strides = array<i32>} : memref<160x128xf32, #tpu.memory_space<vmem>>, vector<1x16xf32>,
        %get3A_1378 = vector.shape_cast %get3A_1377 : vector<1x16xf32> to vector<16xf32>
        %add3A_1379 = arith.addf %add3A_1372, %get3A_1378 : vector<16xf32>
        %add3A_1380 = arith.constant 15 : i32
        %add3A_1381 = arith.addi %mul3A_285, %add3A_1380 : i32
        %get3A_1382 = arith.index_cast %add3A_1381 : i32 to index
        %get3A_1383 = arith.constant 112 : index
        %get3A_1384 = tpu.vector_load %arg14[%get3A_1382, %get3A_1383] {strides = array<i32>} : memref<160x128xf32, #tpu.memory_space<vmem>>, vector<1x16xf32>,
        %get3A_1385 = vector.shape_cast %get3A_1384 : vector<1x16xf32> to vector<16xf32>
        %add3A_1386 = arith.addf %add3A_1379, %get3A_1385 : vector<16xf32>
        %add3A_1387 = arith.constant 16 : i32
        %add3A_1388 = arith.addi %mul3A_285, %add3A_1387 : i32
        %get3A_1389 = arith.index_cast %add3A_1388 : i32 to index
        %get3A_1390 = arith.constant 112 : index
        %get3A_1391 = tpu.vector_load %arg14[%get3A_1389, %get3A_1390] {strides = array<i32>} : memref<160x128xf32, #tpu.memory_space<vmem>>, vector<1x16xf32>,
        %get3A_1392 = vector.shape_cast %get3A_1391 : vector<1x16xf32> to vector<16xf32>
        %add3A_1393 = arith.addf %add3A_1386, %get3A_1392 : vector<16xf32>
        %add3A_1394 = arith.constant 17 : i32
        %add3A_1395 = arith.addi %mul3A_285, %add3A_1394 : i32
        %get3A_1396 = arith.index_cast %add3A_1395 : i32 to index
        %get3A_1397 = arith.constant 112 : index
        %get3A_1398 = tpu.vector_load %arg14[%get3A_1396, %get3A_1397] {strides = array<i32>} : memref<160x128xf32, #tpu.memory_space<vmem>>, vector<1x16xf32>,
        %get3A_1399 = vector.shape_cast %get3A_1398 : vector<1x16xf32> to vector<16xf32>
        %add3A_1400 = arith.addf %add3A_1393, %get3A_1399 : vector<16xf32>
        %add3A_1401 = arith.constant 18 : i32
        %add3A_1402 = arith.addi %mul3A_285, %add3A_1401 : i32
        %get3A_1403 = arith.index_cast %add3A_1402 : i32 to index
        %get3A_1404 = arith.constant 112 : index
        %get3A_1405 = tpu.vector_load %arg14[%get3A_1403, %get3A_1404] {strides = array<i32>} : memref<160x128xf32, #tpu.memory_space<vmem>>, vector<1x16xf32>,
        %get3A_1406 = vector.shape_cast %get3A_1405 : vector<1x16xf32> to vector<16xf32>
        %add3A_1407 = arith.addf %add3A_1400, %get3A_1406 : vector<16xf32>
        %add3A_1408 = arith.constant 19 : i32
        %add3A_1409 = arith.addi %mul3A_285, %add3A_1408 : i32
        %get3A_1410 = arith.index_cast %add3A_1409 : i32 to index
        %get3A_1411 = arith.constant 112 : index
        %get3A_1412 = tpu.vector_load %arg14[%get3A_1410, %get3A_1411] {strides = array<i32>} : memref<160x128xf32, #tpu.memory_space<vmem>>, vector<1x16xf32>,
        %get3A_1413 = vector.shape_cast %get3A_1412 : vector<1x16xf32> to vector<16xf32>
        %add3A_1414 = arith.addf %add3A_1407, %get3A_1413 : vector<16xf32>
        %swap3A_1415 = arith.index_cast %scan3A_283 : i32 to index
        %swap3A_1416 = arith.constant 112 : index
        %swap3A_1417 = tpu.vector_load %arg17[%swap3A_1415, %swap3A_1416] {strides = array<i32>} : memref<8x128xf32, #tpu.memory_space<vmem>>, vector<1x16xf32>,
        %swap3A_1418 = vector.shape_cast %swap3A_1417 : vector<1x16xf32> to vector<16xf32>
        %swap3A_1419 = vector.shape_cast %add3A_1414 : vector<16xf32> to vector<1x16xf32>
        tpu.vector_store %arg17[%swap3A_1415, %swap3A_1416], %swap3A_1419 {strides = array<i32>} : memref<8x128xf32, #tpu.memory_space<vmem>>, vector<1x16xf32>,
      }
      %scan3A_231 = arith.constant 8 : i32
      %mul3A_232 = arith.constant 104 : i32
      %mul3A_233 = arith.muli %add3A, %mul3A_232 : i32
      %add3A_234 = arith.addi %mul3A_233, %scan3A_53 : i32
      %jit3A_235 = arith.constant 128 : i32
      %div3A_236 = arith.divsi %add3A_234, %jit3A_235 : i32
      %sign3A_237 = arith.constant 0 : i32
      %sign3A_238 = arith.cmpi sgt, %add3A_234, %sign3A_237 : i32
      %sign3A_239 = arith.extui %sign3A_238 : i1 to i32
      %sign3A_240 = arith.constant 0 : i32
      %sign3A_241 = arith.cmpi slt, %add3A_234, %sign3A_240 : i32
      %sign3A_242 = arith.extui %sign3A_241 : i1 to i32
      %sign3A_243 = arith.subi %sign3A_239, %sign3A_242 : i32
      %sign3A_244 = arith.constant 0 : i32
      %sign3A_245 = arith.cmpi sgt, %jit3A_235, %sign3A_244 : i32
      %sign3A_246 = arith.extui %sign3A_245 : i1 to i32
      %sign3A_247 = arith.constant 0 : i32
      %sign3A_248 = arith.cmpi slt, %jit3A_235, %sign3A_247 : i32
      %sign3A_249 = arith.extui %sign3A_248 : i1 to i32
      %sign3A_250 = arith.subi %sign3A_246, %sign3A_249 : i32
      %ne3A_251 = arith.cmpi ne, %sign3A_243, %sign3A_250 : i32
      %rem3A_252 = arith.remsi %add3A_234, %jit3A_235 : i32
      %ne3A_253 = arith.constant 0 : i32
      %ne3A_254 = arith.cmpi ne, %rem3A_252, %ne3A_253 : i32
      %and3A_255 = arith.andi %ne3A_251, %ne3A_254 : i1
      %sub3A_256 = arith.constant 1 : i32
      %sub3A_257 = arith.subi %div3A_236, %sub3A_256 : i32
      %select_n3A_258 = arith.select %and3A_255, %sub3A_257, %div3A_236 : i32
      %jit3A_259 = arith.constant 128 : i32
      %eq3A_260 = arith.constant 0 : i32
      %eq3A_261 = arith.cmpi eq, %jit3A_259, %eq3A_260 : i32
      %jit3A_262 = arith.constant 1 : i32
      %select_n3A_263 = arith.select %eq3A_261, %jit3A_262, %jit3A_259 : i32
      %rem3A_264 = arith.remsi %add3A_234, %select_n3A_263 : i32
      %ne3A_265 = arith.constant 0 : i32
      %ne3A_266 = arith.cmpi ne, %rem3A_264, %ne3A_265 : i32
      %lt3A_267 = arith.constant 0 : i32
      %lt3A_268 = arith.cmpi slt, %rem3A_264, %lt3A_267 : i32
      %lt3A_269 = arith.constant 0 : i32
      %lt3A_270 = arith.cmpi slt, %select_n3A_263, %lt3A_269 : i32
      %ne3A_271 = arith.xori %lt3A_268, %lt3A_270 : i1
      %and3A_272 = arith.andi %ne3A_271, %ne3A_266 : i1
      %add3A_273 = arith.addi %rem3A_264, %select_n3A_263 : i32
      %select_n3A_274 = arith.select %and3A_272, %add3A_273, %rem3A_264 : i32
      %mul3A_275 = arith.constant 8 : i32
      %mul3A_276 = arith.muli %select_n3A_274, %mul3A_275 : i32
      %multiple_of3A_277 = tpu.assume_multiple %mul3A_276, 8 : i32
      %mul3A_278 = arith.constant 128 : i32
      %mul3A_279 = arith.muli %select_n3A_258, %mul3A_278 : i32
      %multiple_of3A_280 = tpu.assume_multiple %mul3A_279, 128 : i32
      %dma_start3A_281 = tpu.memref_slice %arg9[%multiple_of3A_277, %multiple_of3A_280] : memref<1024x3328xf32, #tpu.memory_space<hbm>> -> memref<8x128xf32, #tpu.memory_space<hbm>>
      %dma_start3A_282 = tpu.memref_slice %arg9[%multiple_of3A_277, %multiple_of3A_280] : memref<1024x3328xf32, #tpu.memory_space<hbm>> -> memref<8x128xf32, #tpu.memory_space<hbm>>
      tpu.enqueue_dma source(%arg17 : memref<8x128xf32, #tpu.memory_space<vmem>>) target(%dma_start3A_282 : memref<8x128xf32, #tpu.memory_space<hbm>>) target_semaphore(%arg25 : memref<!tpu.dma_semaphore, #tpu.memory_space<semaphore_mem>>)
    }
    %scan3A_41 = arith.constant 104 : i32
    %dma_wait3A = arith.constant 0 : i32
    %dma_wait3A_42 = arith.constant 0 : i32
    %dma_wait3A_43 = tpu.memref_slice %arg10[%dma_wait3A, %dma_wait3A_42] : memref<532480x128xf32, #tpu.memory_space<hbm>> -> memref<160x128xf32, #tpu.memory_space<hbm>>
    %dma_wait3A_44 = arith.constant 0 : i32
    %dma_wait3A_45 = arith.constant 0 : i32
    %dma_wait3A_46 = tpu.memref_slice %arg10[%dma_wait3A_44, %dma_wait3A_45] : memref<532480x128xf32, #tpu.memory_space<hbm>> -> memref<160x128xf32, #tpu.memory_space<hbm>>
    tpu.wait_dma2 semaphore(%arg24 : memref<!tpu.dma_semaphore, #tpu.memory_space<semaphore_mem>>) src(%arg13 : memref<160x128xf32, #tpu.memory_space<vmem>>) dst(%dma_wait3A_46 : memref<160x128xf32, #tpu.memory_space<hbm>>)
    %dma_wait3A_47 = arith.constant 0 : i32
    %dma_wait3A_48 = arith.constant 0 : i32
    %dma_wait3A_49 = tpu.memref_slice %arg9[%dma_wait3A_47, %dma_wait3A_48] : memref<1024x3328xf32, #tpu.memory_space<hbm>> -> memref<8x128xf32, #tpu.memory_space<hbm>>
    %dma_wait3A_50 = arith.constant 0 : i32
    %dma_wait3A_51 = arith.constant 0 : i32
    %dma_wait3A_52 = tpu.memref_slice %arg9[%dma_wait3A_50, %dma_wait3A_51] : memref<1024x3328xf32, #tpu.memory_space<hbm>> -> memref<8x128xf32, #tpu.memory_space<hbm>>
    tpu.wait_dma2 semaphore(%arg25 : memref<!tpu.dma_semaphore, #tpu.memory_space<semaphore_mem>>) src(%arg17 : memref<8x128xf32, #tpu.memory_space<vmem>>) dst(%dma_wait3A_52 : memref<8x128xf32, #tpu.memory_space<hbm>>)
    return
  }
}

</mosaic_0001>

<sc_bundles>
// kernel: kernel.3.cloned.1.call-start
scs
__scs_entry_jumppad:
0x0: {  	(pc) =	sbr.rel $0x88, $3  }
0x1: {  	(tag) =	ssettag $0x0;
	lr =	simm.s32 $0x1  }
0x2: {  	[smem:$0x3F9C] =	sst lr;
	_ =	strace $0xD0000000  }
0x3: {  	_ = 	snop  }
0x4: {  	_ = 	snop  }
0x5: {  	_ = 	snop  }
0x6: {  	_ = 	snop  }
0x7: {  	_ = 	snop  }
__scs_overlays_trampoline_lowered:
0x8: {  	[smem:$0x3FAB] =	sst s0  }
0x9: {  	[smem:$0x3FAC] =	sst s1  }
0xa: {  	[smem:$0x3FAD] =	sst s2  }
0xb: {  	[smem:$0x3FAE] =	sst s3  }
0xc: {  	[smem:$0x3FAF] =	sst s4  }
0xd: {  	[smem:$0x3FB0] =	sst s5  }
0xe: {  	[smem:$0x3FB1] =	sst s6  }
0xf: {  	[smem:$0x3FB2] =	sst s7  }
0x10: {  	[smem:$0x3FB3] =	sst s8  }
0x11: {  	[smem:$0x3FB4] =	sst s9;
	s0 =	simm.s32 @!p0 $0x0  }
0x12: {  	s1 =	sld [smem:$0x3F9A];
	s0 =	simm.s32 @p0 $0x1  }
0x13: {  	[smem:$0x3FB5] =	sst s0;
	s0 =	simm.s32 @!p1 $0x0  }
0x14: {  	s2 =	sld [smem:$0x3F99];
	s0 =	simm.s32 @p1 $0x1  }
0x15: {  	[smem:$0x3FB6] =	sst s0;
	s0 =	simm.s32 @!p2 $0x0  }
0x16: {  	s3 =	sld [smem:$0x3FDB];
	s0 =	simm.s32 @p2 $0x1  }
0x17: {  	s4 =	simm.s32 $0x1BF5;
	[smem:$0x3FB8] =	sst s0  }
0x18: {  	s0 =	sld [smem:$0x3F9B];
	_ =	swait.ge [sflag:s4], $0x0  }
0x19: {  	s7 =	sld [smem:$0x3F9C]  }
0x1a: {  	s8 =	sadd.s32 $0xFFFFE003, lr  }
0x1b: {  	s9 =	sadd.s32 $0xFFFFFEF7, lr;
	s5 =	simm.s32 $0xFFFFFFFF;
	p2 =	slt.u32 s8, $0xFFFFF086  }
0x1c: {  	p1 =	slt.u32 s9, $0xF7A;
	s5 =	simm.s32 @!p2 $0x0  }
0x1d: {  	s5 =	simm.s32 @p1 $0x1;
	p0 =	seq.s32 s7, s2  }
0x1e: {  	s7 =	smul.u32 @!p0 $0xF7A, s2;
	p2 =	seq.s32 @!p0 s5, $0x0  }
0x1f: {  	s9 =	smul.u32 $0xF7A, s1;
	s8 =	simm.s32 @!p0 $0x1BF5;
	p2 =	por !p2, p0  }
0x20: {  	[sflag:s8] =	ssyncset.s32 @!p0 $0xFFFFF086;
	s6 =	sadd.s32 @!p0 s3, s7;
	s7 =	simm.s32 @!p0 $0x108  }
0x21: {  	s3 =	sadd.s32 s3, s9;
	s6 =	sadd.s32 @!p0 $0x88, s6;
	s7 =	simm.s32 @p2 $0x1082  }
0x22: {  	[simem:s7], [sflag:s8] =	dma.local @!p0 [hbm:s6], $0xF7A  }
0x23: {  	s9 =	sor.u32 $0xD0000000, s2;
	s6 =	simm.s32 $0x108;
	_ =	swait.ge @!p0 [sflag:s8], $0x0  }
0x24: {  	s3 =	sadd.s32 $0x88, s3;
	s6 =	simm.s32 @!p1 $0x1082;
	[sflag:s4] =	ssyncset.s32 $0xFFFFF086  }
0x25: {  	[simem:s6], [sflag:s4] =	dma.local [hbm:s3], $0xF7A  }
0x26: {  	[smem:$0x3F9C] =	sst s1;
	(tag) =	ssettag s2;
	_ =	strace s9  }
0x27: {  	s1 =	sld [smem:$0x3FAC]  }
0x28: {  	s2 =	sld [smem:$0x3FAD]  }
0x29: {  	s4 =	sld [smem:$0x3FAF]  }
0x2a: {  	p0 =	seq.s32 s5, $0x0;
	s5 =	sld [smem:$0x3FB0]  }
0x2b: {  	s6 =	sld [smem:$0x3FB1]  }
0x2c: {  	s7 =	sld [smem:$0x3FB2]  }
0x2d: {  	s3 =	simm.s32 $0x108;
	s8 =	sld [smem:$0x3FB3]  }
0x2e: {  	s3 =	simm.s32 @!p0 $0x1082;
	s9 =	sld [smem:$0x3FB4]  }
0x2f: {  	lr =	sadd.s32 s0, s3;
	s0 =	sld [smem:$0x3FAB]  }
0x30: {  	s3 =	sld [smem:$0x3FAE]  }
0x31: {  	[smem:$0x3FB7] =	sst s10  }
0x32: {  	s10 =	sld [smem:$0x3FB5];
	_ =	sdelay $0x3  }
0x33: {  	p0 =	seq.s32 s10, $0x1;
	s10 =	sld [smem:$0x3FB7];
	_ =	sdelay $0x3  }
0x34: {  	[smem:$0x3FB7] =	sst s10  }
0x35: {  	s10 =	sld [smem:$0x3FB6];
	_ =	sdelay $0x3  }
0x36: {  	p1 =	seq.s32 s10, $0x1;
	s10 =	sld [smem:$0x3FB7];
	_ =	sdelay $0x3  }
0x37: {  	[smem:$0x3FB7] =	sst s10  }
0x38: {  	s10 =	sld [smem:$0x3FB8]  }
0x39: {  	_ = 	snop;
	(pc) =	sbr.ind lr, $3  }
0x3a: {  	_ = 	snop  }
0x3b: {  	_ = 	snop  }
0x3c: {  	p2 =	seq.s32 s10, $0x1;
	s10 =	sld [smem:$0x3FB7]  }
0x3d: {  	_ =	shalt  }
0x3e: {  	_ =	shalt  }
0x3f: {  	_ =	shalt  }
0x40: {  	_ =	shalt  }
0x41: {  	_ =	shalt  }
0x42: {  	_ =	shalt  }
0x43: {  	_ =	shalt  }
0x44: {  	_ =	shalt  }
0x45: {  	_ =	shalt  }
0x46: {  	_ =	shalt  }
0x47: {  	_ =	shalt  }
0x48: {  	_ =	shalt  }
0x49: {  	_ =	shalt  }
0x4a: {  	_ =	shalt  }
0x4b: {  	_ =	shalt  }
0x4c: {  	_ =	shalt  }
0x4d: {  	_ =	shalt  }
0x4e: {  	_ =	shalt  }
0x4f: {  	_ =	shalt  }
0x50: {  	_ =	shalt  }
0x51: {  	_ =	shalt  }
0x52: {  	_ =	shalt  }
0x53: {  	_ =	shalt  }
0x54: {  	_ =	shalt  }
0x55: {  	_ =	shalt  }
0x56: {  	_ =	shalt  }
0x57: {  	_ =	shalt  }
0x58: {  	_ =	shalt  }
0x59: {  	_ =	shalt  }
0x5a: {  	_ =	shalt  }
0x5b: {  	_ =	shalt  }
0x5c: {  	_ =	shalt  }
0x5d: {  	_ =	shalt  }
0x5e: {  	_ =	shalt  }
0x5f: {  	_ =	shalt  }
0x60: {  	_ =	shalt  }
0x61: {  	_ =	shalt  }
0x62: {  	_ =	shalt  }
0x63: {  	_ =	shalt  }
0x64: {  	_ =	shalt  }
0x65: {  	_ =	shalt  }
0x66: {  	_ =	shalt  }
0x67: {  	_ =	shalt  }
0x68: {  	_ =	shalt  }
0x69: {  	_ =	shalt  }
0x6a: {  	_ =	shalt  }
0x6b: {  	_ =	shalt  }
0x6c: {  	_ =	shalt  }
0x6d: {  	_ =	shalt  }
0x6e: {  	_ =	shalt  }
0x6f: {  	_ =	shalt  }
0x70: {  	_ =	shalt  }
0x71: {  	_ =	shalt  }
0x72: {  	_ =	shalt  }
0x73: {  	_ =	shalt  }
0x74: {  	_ =	shalt  }
0x75: {  	_ =	shalt  }
0x76: {  	_ =	shalt  }
0x77: {  	_ =	shalt  }
0x78: {  	_ =	shalt  }
0x79: {  	_ =	shalt  }
0x7a: {  	_ =	shalt  }
0x7b: {  	_ =	shalt  }
0x7c: {  	_ =	shalt  }
0x7d: {  	_ =	shalt  }
0x7e: {  	_ =	shalt  }
0x7f: {  	_ =	shalt  }
0x80: {  	_ =	shalt  }
0x81: {  	_ =	shalt  }
0x82: {  	_ =	shalt  }
0x83: {  	_ =	shalt  }
0x84: {  	_ =	shalt  }
0x85: {  	_ =	shalt  }
0x86: {  	_ =	shalt  }
0x87: {  	_ =	shalt  }
.Lfunc_end0:
.L_simem_size_0:
called_computation_lowered:
.L_overlay_start_0:
0x88: {  	s2 =	sld [smem:$0x3FD9]  }
0x89: {  	s3 =	sld [smem:$0x3FFE];
	_ =	sdelay $0x1  }
0x8a: {  	s1 =	srdreg.scid  }
0x8b: {  	s0 =	sand.u32 $0x1, s1  }
0x8c: {  	s14 =	sshll.u32 s0, $0xA;
	s2 =	sadd.s32 s3, s2  }
0x8d: {  	s2 =	sadd.s32 s2, s14  }
0x8e: {  	[smem:$0x3FC3] =	sst s2  }
0x8f: {  	_ = 	snop  }
0x90: {  	s2 =	sld [smem:$0x3FC8]  }
0x91: {  	s15 =	sld [smem:$0x3FD0]  }
0x92: {  	s4 =	sld [smem:$0x3FC7]  }
0x93: {  	s5 =	sld [smem:$0x3FC6]  }
0x94: {  	s7 =	simm.s32 $0xA;
	s8 =	simm.s32 $0x10;
	s6 =	sld [smem:$0x3FC5]  }
0x95: {  	[smem:s8], [sflag:s7] =	dma.local [hbm:s15], $0x1  }
0x96: {  	_ =	swait.eq [sflag:s7], $0x1  }
0x97: {  	s16 =	sld [smem:$0x10]  }
0x98: {  	s17 =	sld [smem:$0x11];
	[sflag:s7] =	ssyncset.done $0x0  }
0x99: {  	s9 =	sld [smem:$0x12];
	[sflag:s7] =	ssyncadd.s32 $0xFFFFFFFF  }
0x9a: {  	s18 =	sld [smem:$0x13];
	(tm) =	ssettm $0x1  }
0x9b: {  	s10 =	sld [smem:$0x3FFB];
	_ =	sdelay $0x3  }
0x9c: {  	_ =	strace s10  }
0x9d: {  	s10 =	sld [smem:$0x3FFC];
	_ =	sdelay $0x3  }
0x9e: {  	_ =	strace s10  }
0x9f: {  	s10 =	sld [smem:$0x3FFD];
	_ =	sdelay $0x3  }
0xa0: {  	_ =	strace s10  }
0xa1: {  	_ =	strace $0x8FFFFFFF  }
0xa2: {  	s19 =	sld [smem:$0x3FDB];
	_ =	sdelay $0x1  }
0xa3: {  	s11 =	simm.s32 $_scs_section_size  }
0xa4: {  	s12 =	simm.s32 $_size__tile_overlayer_lowered;
	s13 =	simm.s32 $_tile_overlayer_lowered  }
0xa5: {  	s22 =	simm.s32 $0x1BFF;
	s21 =	sshll.u32 s13, $0x1;
	s10 =	sadd.s32 s11, s19  }
0xa6: {  	s20 =	sshll.u32 s12, $0x1;
	s14 =	simm.s32 $0x0;
	s12 =	sadd.s32 s21, s10  }
0xa7: {  	[timem:s14], [sflag:s22] =	dma.local [hbm:s12], s20  }
0xa8: {  	_ =	swait.ge [sflag:s22], s20  }
0xa9: {  	s11 =	ssub.s32 $0x0, s20;
	[sflag:s22] =	ssyncset.done $0x0  }
0xaa: {  	[sflag:s22] =	ssyncadd.s32 s11;
	_ =	sdelay $0x1  }
0xab: {  	s23 =	simm.s32 $0x1B8B  }
0xac: {  	_ =	swait.ge [sflag:s23], $0x1  }
0xad: {  	[sflag:s23] =	ssyncset.done $0x0  }
0xae: {  	s25 =	simm.s32 $0x1B8E;
	s24 =	sld [smem:$0x3FFE];
	[sflag:s23] =	ssyncadd.s32 $0xFFFFFFFF  }
0xaf: {  	s26 =	simm.s32 $execute0_lowered;
	[smem:$0x3FD2] =	sst s25  }
0xb0: {  	s12 =	sshll.u32 s26, $0x1;
	_ =	strace $0x80000046;
	[dreg:$0x1] =	wrdreg $0xFFFFFFFF  }
0xb1: {  	s28 =	simm.s32 $_size_execute0_lowered;
	s10 =	sadd.s32 s10, s12;
	[dreg:$0x0] =	wrdreg $0x0  }
0xb2: {  	s12 =	sshll.u32 s28, $0x1;
	[dreg:$0x2] =	wrdreg s10  }
0xb3: {  	[dreg:$0x3] =	wrdreg s12  }
0xb4: {  	[dreg:$0x4] =	wrdreg $0xC0  }
0xb5: {  	_ =	task [dreg:s14], $0x5FFFF  }
0xb6: {  	[dreg:$0x1] =	wrdreg $0xFFFFFFFF  }
0xb7: {  	[dreg:$0x0] =	wrdreg $0x60  }
0xb8: {  	[dreg:$0x2] =	wrdreg s24  }
0xb9: {  	[dreg:$0x3] =	wrdreg s2  }
0xba: {  	[dreg:$0x4] =	wrdreg s4  }
0xbb: {  	[dreg:$0x5] =	wrdreg s5  }
0xbc: {  	[dreg:$0x6] =	wrdreg s6  }
0xbd: {  	[dreg:$0x7] =	wrdreg s16  }
0xbe: {  	[dreg:$0x8] =	wrdreg s17  }
0xbf: {  	[dreg:$0x9] =	wrdreg s9  }
0xc0: {  	[dreg:$0xa] =	wrdreg s18  }
0xc1: {  	[dreg:$0xb] =	wrdreg $0x9  }
0xc2: {  	_ =	task.clear_ibuf [dreg:s14], $0xCFFFF;
	_ =	strace $0x90000046  }
0xc3: {  	s29 =	simm.s32 $0x9;
	_ =	strace $0x80000048  }
0xc4: {  	_ =	swait.ge [sflag:s29], $0x1  }
0xc5: {  	[sflag:s29] =	ssyncadd.s32 $0xFFFFFFFF  }
0xc6: {  	_ =	strace $0x90000048  }
0xc7: {  	_ =	sfence  }
0xc8: {  	s30 =	sld [smem:$0x0];
	_ =	sdelay $0x2  }
0xc9: {  	s31 =	sshll.u32 s1, $0xD;
	s1 =	sshrl.u32 s1, $0x2  }
0xca: {  	s3 =	sand.u32 $0x4000, s31;
	s1 =	sadd.s32 s1, s30  }
0xcb: {  	s0 =	sor.u32 s3, s0;
	s1 =	sshll.u32 s1, $0x11  }
0xcc: {  	s0 =	sor.u32 s1, s0  }
0xcd: {  	s0 =	sadd.s32 $0x8F2B, s0  }
0xce: {  	[sflag:s0] =	ssyncadd.remote.s32 $0x1  }
0xcf: {  	_ =	sfence.sel $0xFFFF  }
0xd0: {  	[dreg:$0x0] =	wrdreg $0xFFFFFFFF;
	(pc) =	sbr.abs _section_cstart, $3  }
0xd1: {  	[dreg:$0x1] =	wrdreg $0xFFFFFFFF  }
0xd2: {  	_ =	task.clear_ibuf [dreg:s14], $0x2FFFF;
	_ =	strace $0x9FFFFFFF  }
0xd3: {  	(tm) =	ssettm $0x7FFFFFFF  }
tec
execute0_lowered:
.L_overlay_start_1:
0x0: {  	(tag) =	ssettag $0x1  }
0x1: {  	s2 =	rddreg [dreg:$0x0]  }
0x2: {  	s0 =	rddreg [dreg:$0x1]  }
0x3: {  	s1 =	rddreg [dreg:$0x2]  }
0x4: {  	s3 =	rddreg [dreg:$0x3]  }
0x5: {  	s4 =	rddreg [dreg:$0x4]  }
0x6: {  	s5 =	rddreg [dreg:$0x5];
	s7 =	srdreg.scid  }
0x7: {  	s8 =	stileid.u32;
	s6 =	rddreg [dreg:$0x6]  }
0x8: {  	s11 =	simm.s32 $0x0;
	s17 =	simm.s32 $0x50;
	s22 =	simm.s32 $0xA000  }
0x9: {  	s23 =	simm.s32 $0xC800;
	s24 =	simm.s32 $0x1;
	s28 =	simm.s32 $0x2  }
0xa: {  	s29 =	simm.s32 $0x18100;
	s30 =	simm.s32 $0x5;
	s31 =	simm.s32 $0x3  }
0xb: {  	s19 =	simm.s32 $0x18500;
	s7 =	sand.u32 $0x1, s7;
	s9 =	sshll.u32 s8, $0x1  }
0xc: {  	s15 =	simm.s32 $0x0;
	s8 =	rddreg [dreg:$0x7];
	s12 =	sor.u32 s7, s9  }
0xd: {  	[smem:$0x7FF] =	sst s11;
	s7 =	ssub.s32 $0x2, s7;
	s10 =	smul.u32 $0x4100, s12  }
0xe: {  	s9 =	rddreg [dreg:$0x8];
	_ =	strace $0x80000047;
	s25 =	sshrl.u32 s7, $0x1  }
0xf: {  	s7 =	ssub.s32 s7, s25;
	s25 =	simm.s32 $0xF000;
	s13 =	sshrl.u32 s10, $0x3  }
0x10: {  	s26 =	smax.u32 s7, $0x1;
	s7 =	simm.s32 $0x6;
	s2 =	sadd.s32 s13, s2  }
0x11: {  	s13 =	smul.u32 $0x68, s12;
	[dreg:$0xb] =	wrdreg s26;
	s2 =	sadd.s32 $0x600, s2  }
0x12: {  	s26 =	simm.s32 $0x11800;
	[dreg:$0xa] =	wrdreg s2;
	s2 =	simm.s32 $0x4  }
.LBB2_1:
0x13: {  	[dreg:$0xc] =	wrdreg s15  }
0x14: {  	s12 =	rddreg [dreg:$0xa];
	s14 =	simm.s32 $0x14000;
	s15 =	simm.s32 $0x9  }
0x15: {  	[tilespmem:s14], [sflag:$0x9] =	stream.linear.gather [hbm4b:s12+s11], $0x4100, $0x38;
	[tilespmem:$0x18900] =	vst v63  }
0x16: {  	_ =	swait.ge [sflag:s15], $0x4100  }
0x17: {  	[sflag:s15] =	ssyncset.done $0x0  }
0x18: {  	[sflag:s15] =	ssyncadd.s32 $0xFFFFBF00  }
0x19: {  	[tilespmem:s11], [sflag:$0x1] =	stream.indirect.gather [hbm4b:s1+s17], $0x80, s14, s17, $0xb8;
	[tilespmem:$0x18900] =	vst v63  }
0x1a: {  	s16 =	simm.s32 $0x14050;
	s18 =	simm.s32 $0x2800  }
0x1b: {  	[tilespmem:s18], [sflag:$0x1] =	stream.indirect.gather [hbm4b:s1+s17], $0x80, s16, s17, $0xb8;
	[tilespmem:$0x18900] =	vst v63  }
0x1c: {  	s20 =	simm.s32 $0x5000  }
0x1d: {  	[tilespmem:s20], [sflag:$0x2] =	stream.indirect.gather [hbm4b:s0+s17], $0x80, s14, s17, $0xb8;
	[tilespmem:$0x18900] =	vst v63  }
0x1e: {  	s21 =	simm.s32 $0x7800;
	s12 =	simm.s32 $0x0  }
0x1f: {  	[tilespmem:s21], [sflag:$0x2] =	stream.indirect.gather [hbm4b:s0+s17], $0x80, s16, s17, $0xb8;
	[tilespmem:$0x18900] =	vst v63  }
.LBB2_2:
0x20: {  	p0 =	seq.s32 s12, $0x0  }
0x21: {  	s14 =	simm.s32 @!p0 $0x7  }
0x22: {  	s15 =	smul.u32 $0xA0, s12;
	_ =	swait.ge @!p0 [sflag:s14], $0x5000  }
0x23: {  	[sflag:s14] =	ssyncset.done @!p0 $0x0  }
0x24: {  	s16 =	sadd.s32 $0x14000, s15;
	[sflag:s14] =	ssyncadd.s32 @!p0 $0xFFFFB000  }
0x25: {  	[tilespmem:s22], [sflag:$0x3] =	stream.indirect.gather [hbm4b:s4+s17], $0x80, s16, s17, $0xb8;
	[tilespmem:$0x18900] =	vst v63  }
0x26: {  	s20 =	sadd.s32 $0x14050, s15  }
0x27: {  	[tilespmem:s23], [sflag:$0x3] =	stream.indirect.gather [hbm4b:s4+s17], $0x80, s20, s17, $0xb8;
	[tilespmem:$0x18900] =	vst v63  }
0x28: {  	s18 =	sadd.s32 s10, s15;
	_ =	swait.ge [sflag:s24], $0x5000  }
0x29: {  	s14 =	sshll.u32 s18, $0x4;
	[sflag:s24] =	ssyncset.done $0x0  }
0x2a: {  	s15 =	simm.s32 @!p0 $0x8;
	s21 =	sadd.s32 s6, s14;
	[sflag:s24] =	ssyncadd.s32 $0xFFFFB000  }
0x2b: {  	[hbm4b:s21+s11] =	stream.linear.scatter [tilespmem:s11], [sflag:$0x5], $0x5000, $0x38;
	[tilespmem:$0x18900] =	vst v63  }
0x2c: {  	_ =	swait.ge @!p0 [sflag:s15], $0x400  }
0x2d: {  	[sflag:s15] =	ssyncset.done @!p0 $0x0  }
0x2e: {  	[sflag:s15] =	ssyncadd.s32 @!p0 $0xFFFFFC00  }
0x2f: {  	[tilespmem:s25], [sflag:$0x4] =	stream.indirect.gather [hbm4b:s3+s17], $0x80, s16, s17, $0xb8;
	[tilespmem:$0x18900] =	vst v63  }
0x30: {  	_ = 	snop  }
0x31: {  	[tilespmem:s26], [sflag:$0x4] =	stream.indirect.gather [hbm4b:s3+s17], $0x80, s20, s17, $0xb8;
	[tilespmem:$0x18900] =	vst v63  }
0x32: {  	_ =	swait.ge [sflag:s28], $0x5000  }
0x33: {  	[sflag:s28] =	ssyncset.done $0x0  }
0x34: {  	s15 =	simm.s32 $0x5500;
	[sflag:s28] =	ssyncadd.s32 $0xFFFFB000  }
0x35: {  	v0 =	vld [tilespmem:s15+$0xFFFFFB80]  }
0x36: {  	v1 =	vld [tilespmem:s15+$0xFFFFFB00];
	_ =	sdelay $0x1  }
0x37: {  	v2 =	vld [tilespmem:s15+$0xFFFFFC00];
	_ =	sdelay $0x1  }
0x38: {  	v3 =	vld [tilespmem:s15+$0xFFFFFC80]  }
0x39: {  	v0 =	vadd.f32 v0, v1  }
0x3a: {  	v1 =	vld [tilespmem:s15+$0xFFFFFD00]  }
0x3b: {  	v0 =	vadd.f32 v2, v0  }
0x3c: {  	v2 =	vld [tilespmem:s15+$0xFFFFFD80]  }
0x3d: {  	v0 =	vadd.f32 v3, v0  }
0x3e: {  	v3 =	vld [tilespmem:s15+$0xFFFFFE00]  }
0x3f: {  	v0 =	vadd.f32 v1, v0  }
0x40: {  	v1 =	vld [tilespmem:s15+$0xFFFFFE80]  }
0x41: {  	v0 =	vadd.f32 v2, v0  }
0x42: {  	v2 =	vld [tilespmem:s15+$0xFFFFFF00]  }
0x43: {  	v0 =	vadd.f32 v3, v0  }
0x44: {  	v3 =	vld [tilespmem:s15+$0xFFFFFF80]  }
0x45: {  	v0 =	vadd.f32 v1, v0  }
0x46: {  	v1 =	vld [tilespmem:s15+$0x0]  }
0x47: {  	v0 =	vadd.f32 v2, v0  }
0x48: {  	v2 =	vld [tilespmem:s15+$0x80]  }
0x49: {  	v0 =	vadd.f32 v3, v0  }
0x4a: {  	v3 =	vld [tilespmem:s15+$0x100]  }
0x4b: {  	v0 =	vadd.f32 v1, v0  }
0x4c: {  	v1 =	vld [tilespmem:s15+$0x180]  }
0x4d: {  	v0 =	vadd.f32 v2, v0  }
0x4e: {  	v2 =	vld [tilespmem:s15+$0x200]  }
0x4f: {  	v0 =	vadd.f32 v3, v0  }
0x50: {  	v3 =	vld [tilespmem:s15+$0x280]  }
0x51: {  	v0 =	vadd.f32 v1, v0  }
0x52: {  	v1 =	vld [tilespmem:s15+$0x300]  }
0x53: {  	v0 =	vadd.f32 v2, v0  }
0x54: {  	v2 =	vld [tilespmem:s15+$0x380]  }
0x55: {  	v0 =	vadd.f32 v3, v0  }
0x56: {  	v3 =	vld [tilespmem:s15+$0x400]  }
0x57: {  	v0 =	vadd.f32 v1, v0  }
0x58: {  	v1 =	vld [tilespmem:s15+$0x480]  }
0x59: {  	v0 =	vadd.f32 v2, v0;
	_ =	sdelay $0x1  }
0x5a: {  	v0 =	vadd.f32 v3, v0;
	_ =	sdelay $0x1  }
0x5b: {  	v0 =	vadd.f32 v1, v0  }
0x5c: {  	s16 =	simm.s32 $0x0  }
0x5d: {  	[tilespmem:s16+$0x18100] =	vst v0  }
0x5e: {  	v0 =	vld [tilespmem:s15+$0xFFFFFB10]  }
0x5f: {  	v1 =	vld [tilespmem:s15+$0xFFFFFB90];
	_ =	sdelay $0x1  }
0x60: {  	v2 =	vld [tilespmem:s15+$0xFFFFFC10];
	_ =	sdelay $0x1  }
0x61: {  	v3 =	vld [tilespmem:s15+$0xFFFFFC90]  }
0x62: {  	v0 =	vadd.f32 v1, v0  }
0x63: {  	v1 =	vld [tilespmem:s15+$0xFFFFFD10]  }
0x64: {  	v0 =	vadd.f32 v2, v0  }
0x65: {  	v2 =	vld [tilespmem:s15+$0xFFFFFD90]  }
0x66: {  	v0 =	vadd.f32 v3, v0  }
0x67: {  	v3 =	vld [tilespmem:s15+$0xFFFFFE10]  }
0x68: {  	v0 =	vadd.f32 v1, v0  }
0x69: {  	v1 =	vld [tilespmem:s15+$0xFFFFFE90]  }
0x6a: {  	v0 =	vadd.f32 v2, v0  }
0x6b: {  	v2 =	vld [tilespmem:s15+$0xFFFFFF10]  }
0x6c: {  	v0 =	vadd.f32 v3, v0  }
0x6d: {  	v3 =	vld [tilespmem:s15+$0xFFFFFF90]  }
0x6e: {  	v0 =	vadd.f32 v1, v0  }
0x6f: {  	v1 =	vld [tilespmem:s15+$0x10]  }
0x70: {  	v0 =	vadd.f32 v2, v0  }
0x71: {  	v2 =	vld [tilespmem:s15+$0x90]  }
0x72: {  	v0 =	vadd.f32 v3, v0  }
0x73: {  	v3 =	vld [tilespmem:s15+$0x110]  }
0x74: {  	v0 =	vadd.f32 v1, v0  }
0x75: {  	v1 =	vld [tilespmem:s15+$0x190]  }
0x76: {  	v0 =	vadd.f32 v2, v0  }
0x77: {  	v2 =	vld [tilespmem:s15+$0x210]  }
0x78: {  	v0 =	vadd.f32 v3, v0  }
0x79: {  	v3 =	vld [tilespmem:s15+$0x290]  }
0x7a: {  	v0 =	vadd.f32 v1, v0  }
0x7b: {  	v1 =	vld [tilespmem:s15+$0x310]  }
0x7c: {  	v0 =	vadd.f32 v2, v0  }
0x7d: {  	v2 =	vld [tilespmem:s15+$0x390]  }
0x7e: {  	v0 =	vadd.f32 v3, v0  }
0x7f: {  	v3 =	vld [tilespmem:s15+$0x410]  }
0x80: {  	v0 =	vadd.f32 v1, v0  }
0x81: {  	v1 =	vld [tilespmem:s15+$0x490]  }
0x82: {  	v0 =	vadd.f32 v2, v0;
	_ =	sdelay $0x1  }
0x83: {  	v0 =	vadd.f32 v3, v0;
	_ =	sdelay $0x1  }
0x84: {  	v0 =	vadd.f32 v1, v0;
	_ =	sdelay $0x1  }
0x85: {  	[tilespmem:s16+$0x18110] =	vst v0  }
0x86: {  	v0 =	vld [tilespmem:s15+$0xFFFFFB20]  }
0x87: {  	v1 =	vld [tilespmem:s15+$0xFFFFFBA0];
	_ =	sdelay $0x1  }
0x88: {  	v2 =	vld [tilespmem:s15+$0xFFFFFC20];
	_ =	sdelay $0x1  }
0x89: {  	v3 =	vld [tilespmem:s15+$0xFFFFFCA0]  }
0x8a: {  	v0 =	vadd.f32 v1, v0  }
0x8b: {  	v1 =	vld [tilespmem:s15+$0xFFFFFD20]  }
0x8c: {  	v0 =	vadd.f32 v2, v0  }
0x8d: {  	v2 =	vld [tilespmem:s15+$0xFFFFFDA0]  }
0x8e: {  	v0 =	vadd.f32 v3, v0  }
0x8f: {  	v3 =	vld [tilespmem:s15+$0xFFFFFE20]  }
0x90: {  	v0 =	vadd.f32 v1, v0  }
0x91: {  	v1 =	vld [tilespmem:s15+$0xFFFFFEA0]  }
0x92: {  	v0 =	vadd.f32 v2, v0  }
0x93: {  	v2 =	vld [tilespmem:s15+$0xFFFFFF20]  }
0x94: {  	v0 =	vadd.f32 v3, v0  }
0x95: {  	v3 =	vld [tilespmem:s15+$0xFFFFFFA0]  }
0x96: {  	v0 =	vadd.f32 v1, v0  }
0x97: {  	v1 =	vld [tilespmem:s15+$0x20]  }
0x98: {  	v0 =	vadd.f32 v2, v0  }
0x99: {  	v2 =	vld [tilespmem:s15+$0xA0]  }
0x9a: {  	v0 =	vadd.f32 v3, v0  }
0x9b: {  	v3 =	vld [tilespmem:s15+$0x120]  }
0x9c: {  	v0 =	vadd.f32 v1, v0  }
0x9d: {  	v1 =	vld [tilespmem:s15+$0x1A0]  }
0x9e: {  	v0 =	vadd.f32 v2, v0  }
0x9f: {  	v2 =	vld [tilespmem:s15+$0x220]  }
0xa0: {  	v0 =	vadd.f32 v3, v0  }
0xa1: {  	v3 =	vld [tilespmem:s15+$0x2A0]  }
0xa2: {  	v0 =	vadd.f32 v1, v0  }
0xa3: {  	v1 =	vld [tilespmem:s15+$0x320]  }
0xa4: {  	v0 =	vadd.f32 v2, v0  }
0xa5: {  	v2 =	vld [tilespmem:s15+$0x3A0]  }
0xa6: {  	v0 =	vadd.f32 v3, v0  }
0xa7: {  	v3 =	vld [tilespmem:s15+$0x420]  }
0xa8: {  	v0 =	vadd.f32 v1, v0  }
0xa9: {  	v1 =	vld [tilespmem:s15+$0x4A0]  }
0xaa: {  	v0 =	vadd.f32 v2, v0;
	_ =	sdelay $0x1  }
0xab: {  	v0 =	vadd.f32 v3, v0;
	_ =	sdelay $0x1  }
0xac: {  	v0 =	vadd.f32 v1, v0;
	_ =	sdelay $0x1  }
0xad: {  	[tilespmem:s16+$0x18120] =	vst v0  }
0xae: {  	v0 =	vld [tilespmem:s15+$0xFFFFFB30]  }
0xaf: {  	v1 =	vld [tilespmem:s15+$0xFFFFFBB0];
	_ =	sdelay $0x1  }
0xb0: {  	v2 =	vld [tilespmem:s15+$0xFFFFFC30];
	_ =	sdelay $0x1  }
0xb1: {  	v3 =	vld [tilespmem:s15+$0xFFFFFCB0]  }
0xb2: {  	v0 =	vadd.f32 v1, v0  }
0xb3: {  	v1 =	vld [tilespmem:s15+$0xFFFFFD30]  }
0xb4: {  	v0 =	vadd.f32 v2, v0  }
0xb5: {  	v2 =	vld [tilespmem:s15+$0xFFFFFDB0]  }
0xb6: {  	v0 =	vadd.f32 v3, v0  }
0xb7: {  	v3 =	vld [tilespmem:s15+$0xFFFFFE30]  }
0xb8: {  	v0 =	vadd.f32 v1, v0  }
0xb9: {  	v1 =	vld [tilespmem:s15+$0xFFFFFEB0]  }
0xba: {  	v0 =	vadd.f32 v2, v0  }
0xbb: {  	v2 =	vld [tilespmem:s15+$0xFFFFFF30]  }
0xbc: {  	v0 =	vadd.f32 v3, v0  }
0xbd: {  	v3 =	vld [tilespmem:s15+$0xFFFFFFB0]  }
0xbe: {  	v0 =	vadd.f32 v1, v0  }
0xbf: {  	v1 =	vld [tilespmem:s15+$0x30]  }
0xc0: {  	v0 =	vadd.f32 v2, v0  }
0xc1: {  	v2 =	vld [tilespmem:s15+$0xB0]  }
0xc2: {  	v0 =	vadd.f32 v3, v0  }
0xc3: {  	v3 =	vld [tilespmem:s15+$0x130]  }
0xc4: {  	v0 =	vadd.f32 v1, v0  }
0xc5: {  	v1 =	vld [tilespmem:s15+$0x1B0]  }
0xc6: {  	v0 =	vadd.f32 v2, v0  }
0xc7: {  	v2 =	vld [tilespmem:s15+$0x230]  }
0xc8: {  	v0 =	vadd.f32 v3, v0  }
0xc9: {  	v3 =	vld [tilespmem:s15+$0x2B0]  }
0xca: {  	v0 =	vadd.f32 v1, v0  }
0xcb: {  	v1 =	vld [tilespmem:s15+$0x330]  }
0xcc: {  	v0 =	vadd.f32 v2, v0  }
0xcd: {  	v2 =	vld [tilespmem:s15+$0x3B0]  }
0xce: {  	v0 =	vadd.f32 v3, v0  }
0xcf: {  	v3 =	vld [tilespmem:s15+$0x430]  }
0xd0: {  	v0 =	vadd.f32 v1, v0  }
0xd1: {  	v1 =	vld [tilespmem:s15+$0x4B0]  }
0xd2: {  	v0 =	vadd.f32 v2, v0;
	_ =	sdelay $0x1  }
0xd3: {  	v0 =	vadd.f32 v3, v0;
	_ =	sdelay $0x1  }
0xd4: {  	v0 =	vadd.f32 v1, v0;
	_ =	sdelay $0x1  }
0xd5: {  	[tilespmem:s16+$0x18130] =	vst v0  }
0xd6: {  	v0 =	vld [tilespmem:s15+$0xFFFFFB40]  }
0xd7: {  	v1 =	vld [tilespmem:s15+$0xFFFFFBC0];
	_ =	sdelay $0x1  }
0xd8: {  	v2 =	vld [tilespmem:s15+$0xFFFFFC40];
	_ =	sdelay $0x1  }
0xd9: {  	v3 =	vld [tilespmem:s15+$0xFFFFFCC0]  }
0xda: {  	v0 =	vadd.f32 v1, v0  }
0xdb: {  	v1 =	vld [tilespmem:s15+$0xFFFFFD40]  }
0xdc: {  	v0 =	vadd.f32 v2, v0  }
0xdd: {  	v2 =	vld [tilespmem:s15+$0xFFFFFDC0]  }
0xde: {  	v0 =	vadd.f32 v3, v0  }
0xdf: {  	v3 =	vld [tilespmem:s15+$0xFFFFFE40]  }
0xe0: {  	v0 =	vadd.f32 v1, v0  }
0xe1: {  	v1 =	vld [tilespmem:s15+$0xFFFFFEC0]  }
0xe2: {  	v0 =	vadd.f32 v2, v0  }
0xe3: {  	v2 =	vld [tilespmem:s15+$0xFFFFFF40]  }
0xe4: {  	v0 =	vadd.f32 v3, v0  }
0xe5: {  	v3 =	vld [tilespmem:s15+$0xFFFFFFC0]  }
0xe6: {  	v0 =	vadd.f32 v1, v0  }
0xe7: {  	v1 =	vld [tilespmem:s15+$0x40]  }
0xe8: {  	v0 =	vadd.f32 v2, v0  }
0xe9: {  	v2 =	vld [tilespmem:s15+$0xC0]  }
0xea: {  	v0 =	vadd.f32 v3, v0  }
0xeb: {  	v3 =	vld [tilespmem:s15+$0x140]  }
0xec: {  	v0 =	vadd.f32 v1, v0  }
0xed: {  	v1 =	vld [tilespmem:s15+$0x1C0]  }
0xee: {  	v0 =	vadd.f32 v2, v0  }
0xef: {  	v2 =	vld [tilespmem:s15+$0x240]  }
0xf0: {  	v0 =	vadd.f32 v3, v0  }
0xf1: {  	v3 =	vld [tilespmem:s15+$0x2C0]  }
0xf2: {  	v0 =	vadd.f32 v1, v0  }
0xf3: {  	v1 =	vld [tilespmem:s15+$0x340]  }
0xf4: {  	v0 =	vadd.f32 v2, v0  }
0xf5: {  	v2 =	vld [tilespmem:s15+$0x3C0]  }
0xf6: {  	v0 =	vadd.f32 v3, v0  }
0xf7: {  	v3 =	vld [tilespmem:s15+$0x440]  }
0xf8: {  	v0 =	vadd.f32 v1, v0  }
0xf9: {  	v1 =	vld [tilespmem:s15+$0x4C0]  }
0xfa: {  	v0 =	vadd.f32 v2, v0;
	_ =	sdelay $0x1  }
0xfb: {  	v0 =	vadd.f32 v3, v0;
	_ =	sdelay $0x1  }
0xfc: {  	v0 =	vadd.f32 v1, v0;
	_ =	sdelay $0x1  }
0xfd: {  	[tilespmem:s16+$0x18140] =	vst v0  }
0xfe: {  	v0 =	vld [tilespmem:s15+$0xFFFFFB50]  }
0xff: {  	v1 =	vld [tilespmem:s15+$0xFFFFFBD0];
	_ =	sdelay $0x1  }
0x100: {  	v2 =	vld [tilespmem:s15+$0xFFFFFC50];
	_ =	sdelay $0x1  }
0x101: {  	v3 =	vld [tilespmem:s15+$0xFFFFFCD0]  }
0x102: {  	v0 =	vadd.f32 v1, v0  }
0x103: {  	v1 =	vld [tilespmem:s15+$0xFFFFFD50]  }
0x104: {  	v0 =	vadd.f32 v2, v0  }
0x105: {  	v2 =	vld [tilespmem:s15+$0xFFFFFDD0]  }
0x106: {  	v0 =	vadd.f32 v3, v0  }
0x107: {  	v3 =	vld [tilespmem:s15+$0xFFFFFE50]  }
0x108: {  	v0 =	vadd.f32 v1, v0  }
0x109: {  	v1 =	vld [tilespmem:s15+$0xFFFFFED0]  }
0x10a: {  	v0 =	vadd.f32 v2, v0  }
0x10b: {  	v2 =	vld [tilespmem:s15+$0xFFFFFF50]  }
0x10c: {  	v0 =	vadd.f32 v3, v0  }
0x10d: {  	v3 =	vld [tilespmem:s15+$0xFFFFFFD0]  }
0x10e: {  	v0 =	vadd.f32 v1, v0  }
0x10f: {  	v1 =	vld [tilespmem:s15+$0x50]  }
0x110: {  	v0 =	vadd.f32 v2, v0  }
0x111: {  	v2 =	vld [tilespmem:s15+$0xD0]  }
0x112: {  	v0 =	vadd.f32 v3, v0  }
0x113: {  	v3 =	vld [tilespmem:s15+$0x150]  }
0x114: {  	v0 =	vadd.f32 v1, v0  }
0x115: {  	v1 =	vld [tilespmem:s15+$0x1D0]  }
0x116: {  	v0 =	vadd.f32 v2, v0  }
0x117: {  	v2 =	vld [tilespmem:s15+$0x250]  }
0x118: {  	v0 =	vadd.f32 v3, v0  }
0x119: {  	v3 =	vld [tilespmem:s15+$0x2D0]  }
0x11a: {  	v0 =	vadd.f32 v1, v0  }
0x11b: {  	v1 =	vld [tilespmem:s15+$0x350]  }
0x11c: {  	v0 =	vadd.f32 v2, v0  }
0x11d: {  	v2 =	vld [tilespmem:s15+$0x3D0]  }
0x11e: {  	v0 =	vadd.f32 v3, v0  }
0x11f: {  	v3 =	vld [tilespmem:s15+$0x450]  }
0x120: {  	v0 =	vadd.f32 v1, v0  }
0x121: {  	v1 =	vld [tilespmem:s15+$0x4D0]  }
0x122: {  	v0 =	vadd.f32 v2, v0;
	_ =	sdelay $0x1  }
0x123: {  	v0 =	vadd.f32 v3, v0;
	_ =	sdelay $0x1  }
0x124: {  	v0 =	vadd.f32 v1, v0;
	_ =	sdelay $0x1  }
0x125: {  	[tilespmem:s16+$0x18150] =	vst v0  }
0x126: {  	v0 =	vld [tilespmem:s15+$0xFFFFFB60]  }
0x127: {  	v1 =	vld [tilespmem:s15+$0xFFFFFBE0];
	_ =	sdelay $0x1  }
0x128: {  	v2 =	vld [tilespmem:s15+$0xFFFFFC60];
	_ =	sdelay $0x1  }
0x129: {  	v3 =	vld [tilespmem:s15+$0xFFFFFCE0]  }
0x12a: {  	v0 =	vadd.f32 v1, v0  }
0x12b: {  	v1 =	vld [tilespmem:s15+$0xFFFFFD60]  }
0x12c: {  	v0 =	vadd.f32 v2, v0  }
0x12d: {  	v2 =	vld [tilespmem:s15+$0xFFFFFDE0]  }
0x12e: {  	v0 =	vadd.f32 v3, v0  }
0x12f: {  	v3 =	vld [tilespmem:s15+$0xFFFFFE60]  }
0x130: {  	v0 =	vadd.f32 v1, v0  }
0x131: {  	v1 =	vld [tilespmem:s15+$0xFFFFFEE0]  }
0x132: {  	v0 =	vadd.f32 v2, v0  }
0x133: {  	v2 =	vld [tilespmem:s15+$0xFFFFFF60]  }
0x134: {  	v0 =	vadd.f32 v3, v0  }
0x135: {  	v3 =	vld [tilespmem:s15+$0xFFFFFFE0]  }
0x136: {  	v0 =	vadd.f32 v1, v0  }
0x137: {  	v1 =	vld [tilespmem:s15+$0x60]  }
0x138: {  	v0 =	vadd.f32 v2, v0  }
0x139: {  	v2 =	vld [tilespmem:s15+$0xE0]  }
0x13a: {  	v0 =	vadd.f32 v3, v0  }
0x13b: {  	v3 =	vld [tilespmem:s15+$0x160]  }
0x13c: {  	v0 =	vadd.f32 v1, v0  }
0x13d: {  	v1 =	vld [tilespmem:s15+$0x1E0]  }
0x13e: {  	v0 =	vadd.f32 v2, v0  }
0x13f: {  	v2 =	vld [tilespmem:s15+$0x260]  }
0x140: {  	v0 =	vadd.f32 v3, v0  }
0x141: {  	v3 =	vld [tilespmem:s15+$0x2E0]  }
0x142: {  	v0 =	vadd.f32 v1, v0  }
0x143: {  	v1 =	vld [tilespmem:s15+$0x360]  }
0x144: {  	v0 =	vadd.f32 v2, v0  }
0x145: {  	v2 =	vld [tilespmem:s15+$0x3E0]  }
0x146: {  	v0 =	vadd.f32 v3, v0  }
0x147: {  	v3 =	vld [tilespmem:s15+$0x460]  }
0x148: {  	v0 =	vadd.f32 v1, v0  }
0x149: {  	v1 =	vld [tilespmem:s15+$0x4E0]  }
0x14a: {  	v0 =	vadd.f32 v2, v0;
	_ =	sdelay $0x1  }
0x14b: {  	v0 =	vadd.f32 v3, v0;
	_ =	sdelay $0x1  }
0x14c: {  	v0 =	vadd.f32 v1, v0;
	_ =	sdelay $0x1  }
0x14d: {  	[tilespmem:s16+$0x18160] =	vst v0  }
0x14e: {  	v0 =	vld [tilespmem:s15+$0xFFFFFB70]  }
0x14f: {  	v1 =	vld [tilespmem:s15+$0xFFFFFBF0];
	_ =	sdelay $0x1  }
0x150: {  	v2 =	vld [tilespmem:s15+$0xFFFFFC70];
	_ =	sdelay $0x1  }
0x151: {  	v3 =	vld [tilespmem:s15+$0xFFFFFCF0]  }
0x152: {  	v0 =	vadd.f32 v1, v0  }
0x153: {  	v1 =	vld [tilespmem:s15+$0xFFFFFD70]  }
0x154: {  	v0 =	vadd.f32 v2, v0  }
0x155: {  	v2 =	vld [tilespmem:s15+$0xFFFFFDF0]  }
0x156: {  	v0 =	vadd.f32 v3, v0  }
0x157: {  	v3 =	vld [tilespmem:s15+$0xFFFFFE70]  }
0x158: {  	v0 =	vadd.f32 v1, v0  }
0x159: {  	v1 =	vld [tilespmem:s15+$0xFFFFFEF0]  }
0x15a: {  	v0 =	vadd.f32 v2, v0  }
0x15b: {  	v2 =	vld [tilespmem:s15+$0xFFFFFF70]  }
0x15c: {  	v0 =	vadd.f32 v3, v0  }
0x15d: {  	v3 =	vld [tilespmem:s15+$0xFFFFFFF0]  }
0x15e: {  	v0 =	vadd.f32 v1, v0  }
0x15f: {  	v1 =	vld [tilespmem:s15+$0x70]  }
0x160: {  	v0 =	vadd.f32 v2, v0  }
0x161: {  	v2 =	vld [tilespmem:s15+$0xF0]  }
0x162: {  	v0 =	vadd.f32 v3, v0  }
0x163: {  	v3 =	vld [tilespmem:s15+$0x170]  }
0x164: {  	v0 =	vadd.f32 v1, v0  }
0x165: {  	v1 =	vld [tilespmem:s15+$0x1F0]  }
0x166: {  	v0 =	vadd.f32 v2, v0  }
0x167: {  	v4 =	vld [tilespmem:s15+$0x270]  }
0x168: {  	v0 =	vadd.f32 v3, v0  }
0x169: {  	v5 =	vld [tilespmem:s15+$0x2F0]  }
0x16a: {  	v0 =	vadd.f32 v1, v0  }
0x16b: {  	v3 =	vld [tilespmem:s15+$0x370]  }
0x16c: {  	v2 =	vld [tilespmem:s15+$0x3F0];
	v4 =	vadd.f32 v4, v0  }
0x16d: {  	v1 =	vld [tilespmem:s15+$0x470]  }
0x16e: {  	s20 =	simm.s32 $0x200;
	v0 =	vld [tilespmem:s15+$0x4F0];
	v4 =	vadd.f32 v5, v4  }
.LBB2_3:
0x16f: {  	p0 =	sne.s32 s20, $0xE00  }
0x170: {  	s15 =	sadd.s32 $0xA00, s15;
	s21 =	smov.u32 s20;
	s20 =	sadd.s32 $0x200, s20;
	v3 =	vadd.f32 v3, v4  }
0x171: {  	_ = 	snop  }
0x172: {  	v2 =	vadd.f32 v2, v3;
	_ =	sdelay $0x1  }
0x173: {  	v1 =	vadd.f32 v1, v2;
	_ =	sdelay $0x1  }
0x174: {  	v0 =	vadd.f32 v0, v1;
	_ =	sdelay $0x1  }
0x175: {  	[tilespmem:s16+$0x18170] =	vst v0  }
0x176: {  	v0 =	vld [tilespmem:s15+$0xFFFFFB80]  }
0x177: {  	v1 =	vld [tilespmem:s15+$0xFFFFFB00]  }
0x178: {  	v2 =	vld [tilespmem:s15+$0xFFFFFC00];
	_ =	sdelay $0x2  }
0x179: {  	v3 =	vld [tilespmem:s15+$0xFFFFFC80]  }
0x17a: {  	v0 =	vadd.f32 v0, v1  }
0x17b: {  	v1 =	vld [tilespmem:s15+$0xFFFFFD00]  }
0x17c: {  	v0 =	vadd.f32 v2, v0  }
0x17d: {  	v2 =	vld [tilespmem:s15+$0xFFFFFD80]  }
0x17e: {  	v0 =	vadd.f32 v3, v0  }
0x17f: {  	v3 =	vld [tilespmem:s15+$0xFFFFFE00]  }
0x180: {  	v0 =	vadd.f32 v1, v0  }
0x181: {  	v1 =	vld [tilespmem:s15+$0xFFFFFE80]  }
0x182: {  	v0 =	vadd.f32 v2, v0  }
0x183: {  	v2 =	vld [tilespmem:s15+$0xFFFFFF00]  }
0x184: {  	v0 =	vadd.f32 v3, v0  }
0x185: {  	v3 =	vld [tilespmem:s15+$0xFFFFFF80]  }
0x186: {  	v0 =	vadd.f32 v1, v0  }
0x187: {  	v1 =	vld [tilespmem:s15+$0x0]  }
0x188: {  	v0 =	vadd.f32 v2, v0  }
0x189: {  	v2 =	vld [tilespmem:s15+$0x80]  }
0x18a: {  	v0 =	vadd.f32 v3, v0  }
0x18b: {  	v3 =	vld [tilespmem:s15+$0x100]  }
0x18c: {  	v0 =	vadd.f32 v1, v0  }
0x18d: {  	v1 =	vld [tilespmem:s15+$0x180]  }
0x18e: {  	v0 =	vadd.f32 v2, v0  }
0x18f: {  	v2 =	vld [tilespmem:s15+$0x200]  }
0x190: {  	v0 =	vadd.f32 v3, v0  }
0x191: {  	v3 =	vld [tilespmem:s15+$0x280]  }
0x192: {  	v0 =	vadd.f32 v1, v0  }
0x193: {  	v1 =	vld [tilespmem:s15+$0x300]  }
0x194: {  	v0 =	vadd.f32 v2, v0  }
0x195: {  	v2 =	vld [tilespmem:s15+$0x380]  }
0x196: {  	v0 =	vadd.f32 v3, v0  }
0x197: {  	v3 =	vld [tilespmem:s15+$0x400]  }
0x198: {  	v0 =	vadd.f32 v1, v0  }
0x199: {  	v1 =	vld [tilespmem:s15+$0x480]  }
0x19a: {  	v0 =	vadd.f32 v2, v0;
	_ =	sdelay $0x1  }
0x19b: {  	v0 =	vadd.f32 v3, v0;
	_ =	sdelay $0x1  }
0x19c: {  	v0 =	vadd.f32 v1, v0  }
0x19d: {  	s16 =	sshra.s32 s21, $0x2  }
0x19e: {  	[tilespmem:s16+$0x18100] =	vst v0  }
0x19f: {  	v0 =	vld [tilespmem:s15+$0xFFFFFB10]  }
0x1a0: {  	v1 =	vld [tilespmem:s15+$0xFFFFFB90];
	_ =	sdelay $0x1  }
0x1a1: {  	v2 =	vld [tilespmem:s15+$0xFFFFFC10];
	_ =	sdelay $0x1  }
0x1a2: {  	v3 =	vld [tilespmem:s15+$0xFFFFFC90]  }
0x1a3: {  	v0 =	vadd.f32 v1, v0  }
0x1a4: {  	v1 =	vld [tilespmem:s15+$0xFFFFFD10]  }
0x1a5: {  	v0 =	vadd.f32 v2, v0  }
0x1a6: {  	v2 =	vld [tilespmem:s15+$0xFFFFFD90]  }
0x1a7: {  	v0 =	vadd.f32 v3, v0  }
0x1a8: {  	v3 =	vld [tilespmem:s15+$0xFFFFFE10]  }
0x1a9: {  	v0 =	vadd.f32 v1, v0  }
0x1aa: {  	v1 =	vld [tilespmem:s15+$0xFFFFFE90]  }
0x1ab: {  	v0 =	vadd.f32 v2, v0  }
0x1ac: {  	v2 =	vld [tilespmem:s15+$0xFFFFFF10]  }
0x1ad: {  	v0 =	vadd.f32 v3, v0  }
0x1ae: {  	v3 =	vld [tilespmem:s15+$0xFFFFFF90]  }
0x1af: {  	v0 =	vadd.f32 v1, v0  }
0x1b0: {  	v1 =	vld [tilespmem:s15+$0x10]  }
0x1b1: {  	v0 =	vadd.f32 v2, v0  }
0x1b2: {  	v2 =	vld [tilespmem:s15+$0x90]  }
0x1b3: {  	v0 =	vadd.f32 v3, v0  }
0x1b4: {  	v3 =	vld [tilespmem:s15+$0x110]  }
0x1b5: {  	v0 =	vadd.f32 v1, v0  }
0x1b6: {  	v1 =	vld [tilespmem:s15+$0x190]  }
0x1b7: {  	v0 =	vadd.f32 v2, v0  }
0x1b8: {  	v2 =	vld [tilespmem:s15+$0x210]  }
0x1b9: {  	v0 =	vadd.f32 v3, v0  }
0x1ba: {  	v3 =	vld [tilespmem:s15+$0x290]  }
0x1bb: {  	v0 =	vadd.f32 v1, v0  }
0x1bc: {  	v1 =	vld [tilespmem:s15+$0x310]  }
0x1bd: {  	v0 =	vadd.f32 v2, v0  }
0x1be: {  	v2 =	vld [tilespmem:s15+$0x390]  }
0x1bf: {  	v0 =	vadd.f32 v3, v0  }
0x1c0: {  	v3 =	vld [tilespmem:s15+$0x410]  }
0x1c1: {  	v0 =	vadd.f32 v1, v0  }
0x1c2: {  	v1 =	vld [tilespmem:s15+$0x490]  }
0x1c3: {  	v0 =	vadd.f32 v2, v0;
	_ =	sdelay $0x1  }
0x1c4: {  	v0 =	vadd.f32 v3, v0;
	_ =	sdelay $0x1  }
0x1c5: {  	v0 =	vadd.f32 v1, v0;
	_ =	sdelay $0x1  }
0x1c6: {  	[tilespmem:s16+$0x18110] =	vst v0  }
0x1c7: {  	v0 =	vld [tilespmem:s15+$0xFFFFFB20]  }
0x1c8: {  	v1 =	vld [tilespmem:s15+$0xFFFFFBA0];
	_ =	sdelay $0x1  }
0x1c9: {  	v2 =	vld [tilespmem:s15+$0xFFFFFC20];
	_ =	sdelay $0x1  }
0x1ca: {  	v3 =	vld [tilespmem:s15+$0xFFFFFCA0]  }
0x1cb: {  	v0 =	vadd.f32 v1, v0  }
0x1cc: {  	v1 =	vld [tilespmem:s15+$0xFFFFFD20]  }
0x1cd: {  	v0 =	vadd.f32 v2, v0  }
0x1ce: {  	v2 =	vld [tilespmem:s15+$0xFFFFFDA0]  }
0x1cf: {  	v0 =	vadd.f32 v3, v0  }
0x1d0: {  	v3 =	vld [tilespmem:s15+$0xFFFFFE20]  }
0x1d1: {  	v0 =	vadd.f32 v1, v0  }
0x1d2: {  	v1 =	vld [tilespmem:s15+$0xFFFFFEA0]  }
0x1d3: {  	v0 =	vadd.f32 v2, v0  }
0x1d4: {  	v2 =	vld [tilespmem:s15+$0xFFFFFF20]  }
0x1d5: {  	v0 =	vadd.f32 v3, v0  }
0x1d6: {  	v3 =	vld [tilespmem:s15+$0xFFFFFFA0]  }
0x1d7: {  	v0 =	vadd.f32 v1, v0  }
0x1d8: {  	v1 =	vld [tilespmem:s15+$0x20]  }
0x1d9: {  	v0 =	vadd.f32 v2, v0  }
0x1da: {  	v2 =	vld [tilespmem:s15+$0xA0]  }
0x1db: {  	v0 =	vadd.f32 v3, v0  }
0x1dc: {  	v3 =	vld [tilespmem:s15+$0x120]  }
0x1dd: {  	v0 =	vadd.f32 v1, v0  }
0x1de: {  	v1 =	vld [tilespmem:s15+$0x1A0]  }
0x1df: {  	v0 =	vadd.f32 v2, v0  }
0x1e0: {  	v2 =	vld [tilespmem:s15+$0x220]  }
0x1e1: {  	v0 =	vadd.f32 v3, v0  }
0x1e2: {  	v3 =	vld [tilespmem:s15+$0x2A0]  }
0x1e3: {  	v0 =	vadd.f32 v1, v0  }
0x1e4: {  	v1 =	vld [tilespmem:s15+$0x320]  }
0x1e5: {  	v0 =	vadd.f32 v2, v0  }
0x1e6: {  	v2 =	vld [tilespmem:s15+$0x3A0]  }
0x1e7: {  	v0 =	vadd.f32 v3, v0  }
0x1e8: {  	v3 =	vld [tilespmem:s15+$0x420]  }
0x1e9: {  	v0 =	vadd.f32 v1, v0  }
0x1ea: {  	v1 =	vld [tilespmem:s15+$0x4A0]  }
0x1eb: {  	v0 =	vadd.f32 v2, v0;
	_ =	sdelay $0x1  }
0x1ec: {  	v0 =	vadd.f32 v3, v0;
	_ =	sdelay $0x1  }
0x1ed: {  	v0 =	vadd.f32 v1, v0;
	_ =	sdelay $0x1  }
0x1ee: {  	[tilespmem:s16+$0x18120] =	vst v0  }
0x1ef: {  	v0 =	vld [tilespmem:s15+$0xFFFFFB30]  }
0x1f0: {  	v1 =	vld [tilespmem:s15+$0xFFFFFBB0]  }
0x1f1: {  	v2 =	vld [tilespmem:s15+$0xFFFFFC30];
	_ =	sdelay $0x2  }
0x1f2: {  	v3 =	vld [tilespmem:s15+$0xFFFFFCB0]  }
0x1f3: {  	v0 =	vadd.f32 v1, v0  }
0x1f4: {  	v1 =	vld [tilespmem:s15+$0xFFFFFD30]  }
0x1f5: {  	v0 =	vadd.f32 v2, v0  }
0x1f6: {  	v2 =	vld [tilespmem:s15+$0xFFFFFDB0]  }
0x1f7: {  	v0 =	vadd.f32 v3, v0  }
0x1f8: {  	v3 =	vld [tilespmem:s15+$0xFFFFFE30]  }
0x1f9: {  	v0 =	vadd.f32 v1, v0  }
0x1fa: {  	v1 =	vld [tilespmem:s15+$0xFFFFFEB0]  }
0x1fb: {  	v0 =	vadd.f32 v2, v0  }
0x1fc: {  	v2 =	vld [tilespmem:s15+$0xFFFFFF30]  }
0x1fd: {  	v0 =	vadd.f32 v3, v0  }
0x1fe: {  	v3 =	vld [tilespmem:s15+$0xFFFFFFB0]  }
0x1ff: {  	v0 =	vadd.f32 v1, v0  }
0x200: {  	v1 =	vld [tilespmem:s15+$0x30]  }
0x201: {  	v0 =	vadd.f32 v2, v0  }
0x202: {  	v2 =	vld [tilespmem:s15+$0xB0]  }
0x203: {  	v0 =	vadd.f32 v3, v0  }
0x204: {  	v3 =	vld [tilespmem:s15+$0x130]  }
0x205: {  	v0 =	vadd.f32 v1, v0  }
0x206: {  	v1 =	vld [tilespmem:s15+$0x1B0]  }
0x207: {  	v0 =	vadd.f32 v2, v0  }
0x208: {  	v2 =	vld [tilespmem:s15+$0x230]  }
0x209: {  	v0 =	vadd.f32 v3, v0  }
0x20a: {  	v3 =	vld [tilespmem:s15+$0x2B0]  }
0x20b: {  	v0 =	vadd.f32 v1, v0  }
0x20c: {  	v1 =	vld [tilespmem:s15+$0x330]  }
0x20d: {  	v0 =	vadd.f32 v2, v0  }
0x20e: {  	v2 =	vld [tilespmem:s15+$0x3B0]  }
0x20f: {  	v0 =	vadd.f32 v3, v0  }
0x210: {  	v3 =	vld [tilespmem:s15+$0x430]  }
0x211: {  	v0 =	vadd.f32 v1, v0  }
0x212: {  	v1 =	vld [tilespmem:s15+$0x4B0]  }
0x213: {  	v0 =	vadd.f32 v2, v0;
	_ =	sdelay $0x1  }
0x214: {  	v0 =	vadd.f32 v3, v0;
	_ =	sdelay $0x1  }
0x215: {  	v0 =	vadd.f32 v1, v0;
	_ =	sdelay $0x1  }
0x216: {  	[tilespmem:s16+$0x18130] =	vst v0  }
0x217: {  	v0 =	vld [tilespmem:s15+$0xFFFFFB40]  }
0x218: {  	v1 =	vld [tilespmem:s15+$0xFFFFFBC0];
	_ =	sdelay $0x1  }
0x219: {  	v2 =	vld [tilespmem:s15+$0xFFFFFC40];
	_ =	sdelay $0x1  }
0x21a: {  	v3 =	vld [tilespmem:s15+$0xFFFFFCC0]  }
0x21b: {  	v0 =	vadd.f32 v1, v0  }
0x21c: {  	v1 =	vld [tilespmem:s15+$0xFFFFFD40]  }
0x21d: {  	v0 =	vadd.f32 v2, v0  }
0x21e: {  	v2 =	vld [tilespmem:s15+$0xFFFFFDC0]  }
0x21f: {  	v0 =	vadd.f32 v3, v0  }
0x220: {  	v3 =	vld [tilespmem:s15+$0xFFFFFE40]  }
0x221: {  	v0 =	vadd.f32 v1, v0  }
0x222: {  	v1 =	vld [tilespmem:s15+$0xFFFFFEC0]  }
0x223: {  	v0 =	vadd.f32 v2, v0  }
0x224: {  	v2 =	vld [tilespmem:s15+$0xFFFFFF40]  }
0x225: {  	v0 =	vadd.f32 v3, v0  }
0x226: {  	v3 =	vld [tilespmem:s15+$0xFFFFFFC0]  }
0x227: {  	v0 =	vadd.f32 v1, v0  }
0x228: {  	v1 =	vld [tilespmem:s15+$0x40]  }
0x229: {  	v0 =	vadd.f32 v2, v0  }
0x22a: {  	v2 =	vld [tilespmem:s15+$0xC0]  }
0x22b: {  	v0 =	vadd.f32 v3, v0  }
0x22c: {  	v3 =	vld [tilespmem:s15+$0x140]  }
0x22d: {  	v0 =	vadd.f32 v1, v0  }
0x22e: {  	v1 =	vld [tilespmem:s15+$0x1C0]  }
0x22f: {  	v0 =	vadd.f32 v2, v0  }
0x230: {  	v2 =	vld [tilespmem:s15+$0x240]  }
0x231: {  	v0 =	vadd.f32 v3, v0  }
0x232: {  	v3 =	vld [tilespmem:s15+$0x2C0]  }
0x233: {  	v0 =	vadd.f32 v1, v0  }
0x234: {  	v1 =	vld [tilespmem:s15+$0x340]  }
0x235: {  	v0 =	vadd.f32 v2, v0  }
0x236: {  	v2 =	vld [tilespmem:s15+$0x3C0]  }
0x237: {  	v0 =	vadd.f32 v3, v0  }
0x238: {  	v3 =	vld [tilespmem:s15+$0x440]  }
0x239: {  	v0 =	vadd.f32 v1, v0  }
0x23a: {  	v1 =	vld [tilespmem:s15+$0x4C0]  }
0x23b: {  	v0 =	vadd.f32 v2, v0;
	_ =	sdelay $0x1  }
0x23c: {  	v0 =	vadd.f32 v3, v0;
	_ =	sdelay $0x1  }
0x23d: {  	v0 =	vadd.f32 v1, v0;
	_ =	sdelay $0x1  }
0x23e: {  	[tilespmem:s16+$0x18140] =	vst v0  }
0x23f: {  	v0 =	vld [tilespmem:s15+$0xFFFFFB50]  }
0x240: {  	v1 =	vld [tilespmem:s15+$0xFFFFFBD0]  }
0x241: {  	v2 =	vld [tilespmem:s15+$0xFFFFFC50]  }
0x242: {  	v3 =	vld [tilespmem:s15+$0xFFFFFCD0]  }
0x243: {  	v4 =	vld [tilespmem:s15+$0xFFFFFD50]  }
0x244: {  	v5 =	vld [tilespmem:s15+$0xFFFFFDD0]  }
0x245: {  	v0 =	vadd.f32 v1, v0;
	v1 =	vld [tilespmem:s15+$0xFFFFFE50]  }
0x246: {  	v6 =	vld [tilespmem:s15+$0xFFFFFED0]  }
0x247: {  	v0 =	vadd.f32 v2, v0;
	v2 =	vld [tilespmem:s15+$0xFFFFFF50]  }
0x248: {  	v7 =	vld [tilespmem:s15+$0xFFFFFFD0]  }
0x249: {  	v0 =	vadd.f32 v3, v0;
	v3 =	vld [tilespmem:s15+$0x50]  }
0x24a: {  	v8 =	vld [tilespmem:s15+$0xD0]  }
0x24b: {  	v0 =	vadd.f32 v4, v0;
	v4 =	vld [tilespmem:s15+$0x150]  }
0x24c: {  	v9 =	vld [tilespmem:s15+$0x1D0]  }
0x24d: {  	v0 =	vadd.f32 v5, v0;
	v5 =	vld [tilespmem:s15+$0x250]  }
0x24e: {  	v10 =	vld [tilespmem:s15+$0x2D0]  }
0x24f: {  	v0 =	vadd.f32 v1, v0;
	v1 =	vld [tilespmem:s15+$0x350]  }
0x250: {  	v11 =	vld [tilespmem:s15+$0x3D0]  }
0x251: {  	v0 =	vadd.f32 v6, v0;
	v6 =	vld [tilespmem:s15+$0x450]  }
0x252: {  	v12 =	vld [tilespmem:s15+$0x4D0]  }
0x253: {  	v0 =	vadd.f32 v2, v0;
	_ =	sdelay $0x1  }
0x254: {  	v0 =	vadd.f32 v7, v0;
	_ =	sdelay $0x1  }
0x255: {  	v0 =	vadd.f32 v3, v0;
	_ =	sdelay $0x1  }
0x256: {  	v0 =	vadd.f32 v8, v0;
	_ =	sdelay $0x1  }
0x257: {  	v0 =	vadd.f32 v4, v0;
	_ =	sdelay $0x1  }
0x258: {  	v0 =	vadd.f32 v9, v0;
	_ =	sdelay $0x1  }
0x259: {  	v0 =	vadd.f32 v5, v0;
	_ =	sdelay $0x1  }
0x25a: {  	v0 =	vadd.f32 v10, v0;
	_ =	sdelay $0x1  }
0x25b: {  	v0 =	vadd.f32 v1, v0;
	_ =	sdelay $0x1  }
0x25c: {  	v0 =	vadd.f32 v11, v0;
	_ =	sdelay $0x1  }
0x25d: {  	v0 =	vadd.f32 v6, v0;
	_ =	sdelay $0x1  }
0x25e: {  	v0 =	vadd.f32 v12, v0;
	_ =	sdelay $0x1  }
0x25f: {  	[tilespmem:s16+$0x18150] =	vst v0  }
0x260: {  	v0 =	vld [tilespmem:s15+$0xFFFFFB60]  }
0x261: {  	v1 =	vld [tilespmem:s15+$0xFFFFFBE0]  }
0x262: {  	v2 =	vld [tilespmem:s15+$0xFFFFFC60]  }
0x263: {  	v3 =	vld [tilespmem:s15+$0xFFFFFCE0]  }
0x264: {  	v4 =	vld [tilespmem:s15+$0xFFFFFD60]  }
0x265: {  	v5 =	vld [tilespmem:s15+$0xFFFFFDE0]  }
0x266: {  	v0 =	vadd.f32 v1, v0;
	v1 =	vld [tilespmem:s15+$0xFFFFFE60]  }
0x267: {  	v6 =	vld [tilespmem:s15+$0xFFFFFEE0]  }
0x268: {  	v0 =	vadd.f32 v2, v0;
	v2 =	vld [tilespmem:s15+$0xFFFFFF60]  }
0x269: {  	v7 =	vld [tilespmem:s15+$0xFFFFFFE0]  }
0x26a: {  	v0 =	vadd.f32 v3, v0;
	v3 =	vld [tilespmem:s15+$0x60]  }
0x26b: {  	v8 =	vld [tilespmem:s15+$0xE0]  }
0x26c: {  	v0 =	vadd.f32 v4, v0;
	v4 =	vld [tilespmem:s15+$0x160]  }
0x26d: {  	v9 =	vld [tilespmem:s15+$0x1E0]  }
0x26e: {  	v0 =	vadd.f32 v5, v0;
	v5 =	vld [tilespmem:s15+$0x260]  }
0x26f: {  	v10 =	vld [tilespmem:s15+$0x2E0]  }
0x270: {  	v0 =	vadd.f32 v1, v0;
	v1 =	vld [tilespmem:s15+$0x360]  }
0x271: {  	v11 =	vld [tilespmem:s15+$0x3E0]  }
0x272: {  	v0 =	vadd.f32 v6, v0;
	v6 =	vld [tilespmem:s15+$0x460]  }
0x273: {  	v12 =	vld [tilespmem:s15+$0x4E0]  }
0x274: {  	v0 =	vadd.f32 v2, v0;
	_ =	sdelay $0x1  }
0x275: {  	v0 =	vadd.f32 v7, v0;
	_ =	sdelay $0x1  }
0x276: {  	v0 =	vadd.f32 v3, v0;
	_ =	sdelay $0x1  }
0x277: {  	v0 =	vadd.f32 v8, v0;
	_ =	sdelay $0x1  }
0x278: {  	v0 =	vadd.f32 v4, v0;
	_ =	sdelay $0x1  }
0x279: {  	v0 =	vadd.f32 v9, v0;
	_ =	sdelay $0x1  }
0x27a: {  	v0 =	vadd.f32 v5, v0;
	_ =	sdelay $0x1  }
0x27b: {  	v0 =	vadd.f32 v10, v0;
	_ =	sdelay $0x1  }
0x27c: {  	v0 =	vadd.f32 v1, v0;
	_ =	sdelay $0x1  }
0x27d: {  	v0 =	vadd.f32 v11, v0;
	_ =	sdelay $0x1  }
0x27e: {  	v0 =	vadd.f32 v6, v0;
	_ =	sdelay $0x1  }
0x27f: {  	v0 =	vadd.f32 v12, v0;
	_ =	sdelay $0x1  }
0x280: {  	[tilespmem:s16+$0x18160] =	vst v0  }
0x281: {  	v0 =	vld [tilespmem:s15+$0xFFFFFB70]  }
0x282: {  	v1 =	vld [tilespmem:s15+$0xFFFFFBF0]  }
0x283: {  	v2 =	vld [tilespmem:s15+$0xFFFFFC70]  }
0x284: {  	v3 =	vld [tilespmem:s15+$0xFFFFFCF0]  }
0x285: {  	v4 =	vld [tilespmem:s15+$0xFFFFFD70]  }
0x286: {  	v5 =	vld [tilespmem:s15+$0xFFFFFDF0]  }
0x287: {  	v0 =	vadd.f32 v1, v0;
	v1 =	vld [tilespmem:s15+$0xFFFFFE70]  }
0x288: {  	v6 =	vld [tilespmem:s15+$0xFFFFFEF0]  }
0x289: {  	v0 =	vadd.f32 v2, v0;
	v7 =	vld [tilespmem:s15+$0xFFFFFF70]  }
0x28a: {  	v8 =	vld [tilespmem:s15+$0xFFFFFFF0]  }
0x28b: {  	v0 =	vadd.f32 v3, v0;
	v9 =	vld [tilespmem:s15+$0x70]  }
0x28c: {  	v10 =	vld [tilespmem:s15+$0xF0]  }
0x28d: {  	v0 =	vadd.f32 v4, v0;
	v4 =	vld [tilespmem:s15+$0x170]  }
0x28e: {  	v11 =	vld [tilespmem:s15+$0x1F0]  }
0x28f: {  	v0 =	vadd.f32 v5, v0;
	v5 =	vld [tilespmem:s15+$0x270]  }
0x290: {  	v12 =	vld [tilespmem:s15+$0x2F0]  }
0x291: {  	v0 =	vadd.f32 v1, v0;
	v3 =	vld [tilespmem:s15+$0x370]  }
0x292: {  	v2 =	vld [tilespmem:s15+$0x3F0]  }
0x293: {  	v6 =	vadd.f32 v6, v0;
	v1 =	vld [tilespmem:s15+$0x470]  }
0x294: {  	v0 =	vld [tilespmem:s15+$0x4F0]  }
0x295: {  	v6 =	vadd.f32 v7, v6;
	_ =	sdelay $0x1  }
0x296: {  	v6 =	vadd.f32 v8, v6;
	_ =	sdelay $0x1  }
0x297: {  	v6 =	vadd.f32 v9, v6;
	_ =	sdelay $0x1  }
0x298: {  	v6 =	vadd.f32 v10, v6;
	_ =	sdelay $0x1  }
0x299: {  	v4 =	vadd.f32 v4, v6;
	_ =	sdelay $0x1  }
.Ltmp0:
0x29a: {  	v4 =	vadd.f32 v11, v4;
	(pc) =	sbr.rel @p0 .LBB2_3-.Ltmp0, $3  }
0x29b: {  	_ = 	snop  }
0x29c: {  	v4 =	vadd.f32 v5, v4;
	_ =	sdelay $0x1  }
0x29d: {  	v4 =	vadd.f32 v12, v4  }
0x29e: {  	_ = 	snop  }
0x29f: {  	v3 =	vadd.f32 v3, v4;
	_ =	sdelay $0x1  }
0x2a0: {  	s15 =	sadd.s32 s13, s12;
	v2 =	vadd.f32 v2, v3  }
0x2a1: {  	s20 =	sand.u32 $0x7F, s15  }
0x2a2: {  	s15 =	sshll.u32 s15, $0x3;
	s20 =	smul.u32 $0x6800, s20;
	v1 =	vadd.f32 v1, v2  }
0x2a3: {  	s15 =	sand.u32 $0x7FFFFC00, s15  }
0x2a4: {  	s15 =	sadd.s32 s15, s20;
	v0 =	vadd.f32 v0, v1  }
0x2a5: {  	s15 =	sshrl.u32 s15, $0x3  }
0x2a6: {  	p0 =	seq.s32 s12, $0x67;
	s21 =	sadd.s32 s5, s15;
	[tilespmem:s16+$0x18170] =	vst v0;
	s16 =	sadd.s32 $0x1, s12  }
0x2a7: {  	[hbm4b:s21+s11] =	stream.linear.scatter [tilespmem:s29], [sflag:$0x6], $0x400, $0x38;
	[tilespmem:$0x18900] =	vst v63  }
0x2a8: {  	s12 =	smul.u32 @!p0 $0x280, s16  }
0x2a9: {  	_ =	swait.ge [sflag:s30], $0x5000  }
0x2aa: {  	s18 =	simm.s32 @!p0 $0x0;
	[sflag:s30] =	ssyncset.done $0x0;
	s12 =	sshra.s32 @!p0 s12, $0x2  }
0x2ab: {  	s21 =	simm.s32 @!p0 $0x50;
	[sflag:s30] =	ssyncadd.s32 $0xFFFFB000;
	s20 =	sadd.s32 @!p0 $0x14000, s12  }
0x2ac: {  	[tilespmem:s18], [sflag:$0x1] =	stream.indirect.gather @!p0 [hbm4b:s1+s21], $0x80, s20, s21, $0xb8;
	[tilespmem:$0x18900] =	vst v63  }
0x2ad: {  	s12 =	sadd.s32 @!p0 $0x14050, s12;
	s18 =	simm.s32 @!p0 $0x2800  }
0x2ae: {  	[tilespmem:s18], [sflag:$0x1] =	stream.indirect.gather @!p0 [hbm4b:s1+s21], $0x80, s12, s21, $0xb8;
	[tilespmem:$0x18900] =	vst v63  }
0x2af: {  	_ =	swait.ge [sflag:s31], $0x5000  }
0x2b0: {  	[sflag:s31] =	ssyncset.done $0x0  }
0x2b1: {  	s14 =	sadd.s32 s9, s14;
	[sflag:s31] =	ssyncadd.s32 $0xFFFFB000  }
0x2b2: {  	[hbm4b:s14+s11] =	stream.linear.scatter [tilespmem:s22], [sflag:$0x7], $0x5000, $0x38;
	[tilespmem:$0x18900] =	vst v63  }
0x2b3: {  	_ =	swait.ge [sflag:s7], $0x400  }
0x2b4: {  	[sflag:s7] =	ssyncset.done $0x0  }
0x2b5: {  	s14 =	simm.s32 @!p0 $0x5000;
	[sflag:s7] =	ssyncadd.s32 $0xFFFFFC00  }
0x2b6: {  	[tilespmem:s14], [sflag:$0x2] =	stream.indirect.gather @!p0 [hbm4b:s0+s21], $0x80, s20, s21, $0xb8;
	[tilespmem:$0x18900] =	vst v63  }
0x2b7: {  	s14 =	simm.s32 @!p0 $0x7800  }
0x2b8: {  	[tilespmem:s14], [sflag:$0x2] =	stream.indirect.gather @!p0 [hbm4b:s0+s21], $0x80, s12, s21, $0xb8;
	[tilespmem:$0x18900] =	vst v63  }
0x2b9: {  	_ =	swait.ge [sflag:s2], $0x5000  }
0x2ba: {  	[sflag:s2] =	ssyncset.done $0x0  }
0x2bb: {  	s12 =	simm.s32 $0xF500;
	[sflag:s2] =	ssyncadd.s32 $0xFFFFB000  }
0x2bc: {  	v0 =	vld [tilespmem:s12+$0xFFFFFB80]  }
0x2bd: {  	v1 =	vld [tilespmem:s12+$0xFFFFFB00];
	_ =	sdelay $0x1  }
0x2be: {  	v2 =	vld [tilespmem:s12+$0xFFFFFC00];
	_ =	sdelay $0x1  }
0x2bf: {  	v3 =	vld [tilespmem:s12+$0xFFFFFC80]  }
0x2c0: {  	v0 =	vadd.f32 v0, v1  }
0x2c1: {  	v1 =	vld [tilespmem:s12+$0xFFFFFD00]  }
0x2c2: {  	v0 =	vadd.f32 v2, v0  }
0x2c3: {  	v2 =	vld [tilespmem:s12+$0xFFFFFD80]  }
0x2c4: {  	v0 =	vadd.f32 v3, v0  }
0x2c5: {  	v3 =	vld [tilespmem:s12+$0xFFFFFE00]  }
0x2c6: {  	v0 =	vadd.f32 v1, v0  }
0x2c7: {  	v1 =	vld [tilespmem:s12+$0xFFFFFE80]  }
0x2c8: {  	v0 =	vadd.f32 v2, v0  }
0x2c9: {  	v2 =	vld [tilespmem:s12+$0xFFFFFF00]  }
0x2ca: {  	v0 =	vadd.f32 v3, v0  }
0x2cb: {  	v3 =	vld [tilespmem:s12+$0xFFFFFF80]  }
0x2cc: {  	v0 =	vadd.f32 v1, v0  }
0x2cd: {  	v1 =	vld [tilespmem:s12+$0x0]  }
0x2ce: {  	v0 =	vadd.f32 v2, v0  }
0x2cf: {  	v2 =	vld [tilespmem:s12+$0x80]  }
0x2d0: {  	v0 =	vadd.f32 v3, v0  }
0x2d1: {  	v3 =	vld [tilespmem:s12+$0x100]  }
0x2d2: {  	v0 =	vadd.f32 v1, v0  }
0x2d3: {  	v1 =	vld [tilespmem:s12+$0x180]  }
0x2d4: {  	v0 =	vadd.f32 v2, v0  }
0x2d5: {  	v2 =	vld [tilespmem:s12+$0x200]  }
0x2d6: {  	v0 =	vadd.f32 v3, v0  }
0x2d7: {  	v3 =	vld [tilespmem:s12+$0x280]  }
0x2d8: {  	v0 =	vadd.f32 v1, v0  }
0x2d9: {  	v1 =	vld [tilespmem:s12+$0x300]  }
0x2da: {  	v0 =	vadd.f32 v2, v0  }
0x2db: {  	v2 =	vld [tilespmem:s12+$0x380]  }
0x2dc: {  	v0 =	vadd.f32 v3, v0  }
0x2dd: {  	v3 =	vld [tilespmem:s12+$0x400]  }
0x2de: {  	v0 =	vadd.f32 v1, v0  }
0x2df: {  	v1 =	vld [tilespmem:s12+$0x480]  }
0x2e0: {  	v0 =	vadd.f32 v2, v0;
	_ =	sdelay $0x1  }
0x2e1: {  	v0 =	vadd.f32 v3, v0;
	_ =	sdelay $0x1  }
0x2e2: {  	v0 =	vadd.f32 v1, v0  }
0x2e3: {  	s14 =	simm.s32 $0x0  }
0x2e4: {  	[tilespmem:s14+$0x18500] =	vst v0  }
0x2e5: {  	v0 =	vld [tilespmem:s12+$0xFFFFFB10]  }
0x2e6: {  	v1 =	vld [tilespmem:s12+$0xFFFFFB90];
	_ =	sdelay $0x1  }
0x2e7: {  	v2 =	vld [tilespmem:s12+$0xFFFFFC10];
	_ =	sdelay $0x1  }
0x2e8: {  	v3 =	vld [tilespmem:s12+$0xFFFFFC90]  }
0x2e9: {  	v0 =	vadd.f32 v1, v0  }
0x2ea: {  	v1 =	vld [tilespmem:s12+$0xFFFFFD10]  }
0x2eb: {  	v0 =	vadd.f32 v2, v0  }
0x2ec: {  	v2 =	vld [tilespmem:s12+$0xFFFFFD90]  }
0x2ed: {  	v0 =	vadd.f32 v3, v0  }
0x2ee: {  	v3 =	vld [tilespmem:s12+$0xFFFFFE10]  }
0x2ef: {  	v0 =	vadd.f32 v1, v0  }
0x2f0: {  	v1 =	vld [tilespmem:s12+$0xFFFFFE90]  }
0x2f1: {  	v0 =	vadd.f32 v2, v0  }
0x2f2: {  	v2 =	vld [tilespmem:s12+$0xFFFFFF10]  }
0x2f3: {  	v0 =	vadd.f32 v3, v0  }
0x2f4: {  	v3 =	vld [tilespmem:s12+$0xFFFFFF90]  }
0x2f5: {  	v0 =	vadd.f32 v1, v0  }
0x2f6: {  	v1 =	vld [tilespmem:s12+$0x10]  }
0x2f7: {  	v0 =	vadd.f32 v2, v0  }
0x2f8: {  	v2 =	vld [tilespmem:s12+$0x90]  }
0x2f9: {  	v0 =	vadd.f32 v3, v0  }
0x2fa: {  	v3 =	vld [tilespmem:s12+$0x110]  }
0x2fb: {  	v0 =	vadd.f32 v1, v0  }
0x2fc: {  	v1 =	vld [tilespmem:s12+$0x190]  }
0x2fd: {  	v0 =	vadd.f32 v2, v0  }
0x2fe: {  	v2 =	vld [tilespmem:s12+$0x210]  }
0x2ff: {  	v0 =	vadd.f32 v3, v0  }
0x300: {  	v3 =	vld [tilespmem:s12+$0x290]  }
0x301: {  	v0 =	vadd.f32 v1, v0  }
0x302: {  	v1 =	vld [tilespmem:s12+$0x310]  }
0x303: {  	v0 =	vadd.f32 v2, v0  }
0x304: {  	v2 =	vld [tilespmem:s12+$0x390]  }
0x305: {  	v0 =	vadd.f32 v3, v0  }
0x306: {  	v3 =	vld [tilespmem:s12+$0x410]  }
0x307: {  	v0 =	vadd.f32 v1, v0  }
0x308: {  	v1 =	vld [tilespmem:s12+$0x490]  }
0x309: {  	v0 =	vadd.f32 v2, v0;
	_ =	sdelay $0x1  }
0x30a: {  	v0 =	vadd.f32 v3, v0;
	_ =	sdelay $0x1  }
0x30b: {  	v0 =	vadd.f32 v1, v0;
	_ =	sdelay $0x1  }
0x30c: {  	[tilespmem:s14+$0x18510] =	vst v0  }
0x30d: {  	v0 =	vld [tilespmem:s12+$0xFFFFFB20]  }
0x30e: {  	v1 =	vld [tilespmem:s12+$0xFFFFFBA0];
	_ =	sdelay $0x1  }
0x30f: {  	v2 =	vld [tilespmem:s12+$0xFFFFFC20];
	_ =	sdelay $0x1  }
0x310: {  	v3 =	vld [tilespmem:s12+$0xFFFFFCA0]  }
0x311: {  	v0 =	vadd.f32 v1, v0  }
0x312: {  	v1 =	vld [tilespmem:s12+$0xFFFFFD20]  }
0x313: {  	v0 =	vadd.f32 v2, v0  }
0x314: {  	v2 =	vld [tilespmem:s12+$0xFFFFFDA0]  }
0x315: {  	v0 =	vadd.f32 v3, v0  }
0x316: {  	v3 =	vld [tilespmem:s12+$0xFFFFFE20]  }
0x317: {  	v0 =	vadd.f32 v1, v0  }
0x318: {  	v1 =	vld [tilespmem:s12+$0xFFFFFEA0]  }
0x319: {  	v0 =	vadd.f32 v2, v0  }
0x31a: {  	v2 =	vld [tilespmem:s12+$0xFFFFFF20]  }
0x31b: {  	v0 =	vadd.f32 v3, v0  }
0x31c: {  	v3 =	vld [tilespmem:s12+$0xFFFFFFA0]  }
0x31d: {  	v0 =	vadd.f32 v1, v0  }
0x31e: {  	v1 =	vld [tilespmem:s12+$0x20]  }
0x31f: {  	v0 =	vadd.f32 v2, v0  }
0x320: {  	v2 =	vld [tilespmem:s12+$0xA0]  }
0x321: {  	v0 =	vadd.f32 v3, v0  }
0x322: {  	v3 =	vld [tilespmem:s12+$0x120]  }
0x323: {  	v0 =	vadd.f32 v1, v0  }
0x324: {  	v1 =	vld [tilespmem:s12+$0x1A0]  }
0x325: {  	v0 =	vadd.f32 v2, v0  }
0x326: {  	v2 =	vld [tilespmem:s12+$0x220]  }
0x327: {  	v0 =	vadd.f32 v3, v0  }
0x328: {  	v3 =	vld [tilespmem:s12+$0x2A0]  }
0x329: {  	v0 =	vadd.f32 v1, v0  }
0x32a: {  	v1 =	vld [tilespmem:s12+$0x320]  }
0x32b: {  	v0 =	vadd.f32 v2, v0  }
0x32c: {  	v2 =	vld [tilespmem:s12+$0x3A0]  }
0x32d: {  	v0 =	vadd.f32 v3, v0  }
0x32e: {  	v3 =	vld [tilespmem:s12+$0x420]  }
0x32f: {  	v0 =	vadd.f32 v1, v0  }
0x330: {  	v1 =	vld [tilespmem:s12+$0x4A0]  }
0x331: {  	v0 =	vadd.f32 v2, v0;
	_ =	sdelay $0x1  }
0x332: {  	v0 =	vadd.f32 v3, v0;
	_ =	sdelay $0x1  }
0x333: {  	v0 =	vadd.f32 v1, v0;
	_ =	sdelay $0x1  }
0x334: {  	[tilespmem:s14+$0x18520] =	vst v0  }
0x335: {  	v0 =	vld [tilespmem:s12+$0xFFFFFB30]  }
0x336: {  	v1 =	vld [tilespmem:s12+$0xFFFFFBB0];
	_ =	sdelay $0x1  }
0x337: {  	v2 =	vld [tilespmem:s12+$0xFFFFFC30];
	_ =	sdelay $0x1  }
0x338: {  	v3 =	vld [tilespmem:s12+$0xFFFFFCB0]  }
0x339: {  	v0 =	vadd.f32 v1, v0  }
0x33a: {  	v1 =	vld [tilespmem:s12+$0xFFFFFD30]  }
0x33b: {  	v0 =	vadd.f32 v2, v0  }
0x33c: {  	v2 =	vld [tilespmem:s12+$0xFFFFFDB0]  }
0x33d: {  	v0 =	vadd.f32 v3, v0  }
0x33e: {  	v3 =	vld [tilespmem:s12+$0xFFFFFE30]  }
0x33f: {  	v0 =	vadd.f32 v1, v0  }
0x340: {  	v1 =	vld [tilespmem:s12+$0xFFFFFEB0]  }
0x341: {  	v0 =	vadd.f32 v2, v0  }
0x342: {  	v2 =	vld [tilespmem:s12+$0xFFFFFF30]  }
0x343: {  	v0 =	vadd.f32 v3, v0  }
0x344: {  	v3 =	vld [tilespmem:s12+$0xFFFFFFB0]  }
0x345: {  	v0 =	vadd.f32 v1, v0  }
0x346: {  	v1 =	vld [tilespmem:s12+$0x30]  }
0x347: {  	v0 =	vadd.f32 v2, v0  }
0x348: {  	v2 =	vld [tilespmem:s12+$0xB0]  }
0x349: {  	v0 =	vadd.f32 v3, v0  }
0x34a: {  	v3 =	vld [tilespmem:s12+$0x130]  }
0x34b: {  	v0 =	vadd.f32 v1, v0  }
0x34c: {  	v1 =	vld [tilespmem:s12+$0x1B0]  }
0x34d: {  	v0 =	vadd.f32 v2, v0  }
0x34e: {  	v2 =	vld [tilespmem:s12+$0x230]  }
0x34f: {  	v0 =	vadd.f32 v3, v0  }
0x350: {  	v3 =	vld [tilespmem:s12+$0x2B0]  }
0x351: {  	v0 =	vadd.f32 v1, v0  }
0x352: {  	v1 =	vld [tilespmem:s12+$0x330]  }
0x353: {  	v0 =	vadd.f32 v2, v0  }
0x354: {  	v2 =	vld [tilespmem:s12+$0x3B0]  }
0x355: {  	v0 =	vadd.f32 v3, v0  }
0x356: {  	v3 =	vld [tilespmem:s12+$0x430]  }
0x357: {  	v0 =	vadd.f32 v1, v0  }
0x358: {  	v1 =	vld [tilespmem:s12+$0x4B0]  }
0x359: {  	v0 =	vadd.f32 v2, v0;
	_ =	sdelay $0x1  }
0x35a: {  	v0 =	vadd.f32 v3, v0;
	_ =	sdelay $0x1  }
0x35b: {  	v0 =	vadd.f32 v1, v0;
	_ =	sdelay $0x1  }
0x35c: {  	[tilespmem:s14+$0x18530] =	vst v0  }
0x35d: {  	v0 =	vld [tilespmem:s12+$0xFFFFFB40]  }
0x35e: {  	v1 =	vld [tilespmem:s12+$0xFFFFFBC0];
	_ =	sdelay $0x1  }
0x35f: {  	v2 =	vld [tilespmem:s12+$0xFFFFFC40];
	_ =	sdelay $0x1  }
0x360: {  	v3 =	vld [tilespmem:s12+$0xFFFFFCC0]  }
0x361: {  	v0 =	vadd.f32 v1, v0  }
0x362: {  	v1 =	vld [tilespmem:s12+$0xFFFFFD40]  }
0x363: {  	v0 =	vadd.f32 v2, v0  }
0x364: {  	v2 =	vld [tilespmem:s12+$0xFFFFFDC0]  }
0x365: {  	v0 =	vadd.f32 v3, v0  }
0x366: {  	v3 =	vld [tilespmem:s12+$0xFFFFFE40]  }
0x367: {  	v0 =	vadd.f32 v1, v0  }
0x368: {  	v1 =	vld [tilespmem:s12+$0xFFFFFEC0]  }
0x369: {  	v0 =	vadd.f32 v2, v0  }
0x36a: {  	v2 =	vld [tilespmem:s12+$0xFFFFFF40]  }
0x36b: {  	v0 =	vadd.f32 v3, v0  }
0x36c: {  	v3 =	vld [tilespmem:s12+$0xFFFFFFC0]  }
0x36d: {  	v0 =	vadd.f32 v1, v0  }
0x36e: {  	v1 =	vld [tilespmem:s12+$0x40]  }
0x36f: {  	v0 =	vadd.f32 v2, v0  }
0x370: {  	v2 =	vld [tilespmem:s12+$0xC0]  }
0x371: {  	v0 =	vadd.f32 v3, v0  }
0x372: {  	v3 =	vld [tilespmem:s12+$0x140]  }
0x373: {  	v0 =	vadd.f32 v1, v0  }
0x374: {  	v1 =	vld [tilespmem:s12+$0x1C0]  }
0x375: {  	v0 =	vadd.f32 v2, v0  }
0x376: {  	v2 =	vld [tilespmem:s12+$0x240]  }
0x377: {  	v0 =	vadd.f32 v3, v0  }
0x378: {  	v3 =	vld [tilespmem:s12+$0x2C0]  }
0x379: {  	v0 =	vadd.f32 v1, v0  }
0x37a: {  	v1 =	vld [tilespmem:s12+$0x340]  }
0x37b: {  	v0 =	vadd.f32 v2, v0  }
0x37c: {  	v2 =	vld [tilespmem:s12+$0x3C0]  }
0x37d: {  	v0 =	vadd.f32 v3, v0  }
0x37e: {  	v3 =	vld [tilespmem:s12+$0x440]  }
0x37f: {  	v0 =	vadd.f32 v1, v0  }
0x380: {  	v1 =	vld [tilespmem:s12+$0x4C0]  }
0x381: {  	v0 =	vadd.f32 v2, v0;
	_ =	sdelay $0x1  }
0x382: {  	v0 =	vadd.f32 v3, v0;
	_ =	sdelay $0x1  }
0x383: {  	v0 =	vadd.f32 v1, v0;
	_ =	sdelay $0x1  }
0x384: {  	[tilespmem:s14+$0x18540] =	vst v0  }
0x385: {  	v0 =	vld [tilespmem:s12+$0xFFFFFB50]  }
0x386: {  	v1 =	vld [tilespmem:s12+$0xFFFFFBD0];
	_ =	sdelay $0x1  }
0x387: {  	v2 =	vld [tilespmem:s12+$0xFFFFFC50];
	_ =	sdelay $0x1  }
0x388: {  	v3 =	vld [tilespmem:s12+$0xFFFFFCD0]  }
0x389: {  	v0 =	vadd.f32 v1, v0  }
0x38a: {  	v1 =	vld [tilespmem:s12+$0xFFFFFD50]  }
0x38b: {  	v0 =	vadd.f32 v2, v0  }
0x38c: {  	v2 =	vld [tilespmem:s12+$0xFFFFFDD0]  }
0x38d: {  	v0 =	vadd.f32 v3, v0  }
0x38e: {  	v3 =	vld [tilespmem:s12+$0xFFFFFE50]  }
0x38f: {  	v0 =	vadd.f32 v1, v0  }
0x390: {  	v1 =	vld [tilespmem:s12+$0xFFFFFED0]  }
0x391: {  	v0 =	vadd.f32 v2, v0  }
0x392: {  	v2 =	vld [tilespmem:s12+$0xFFFFFF50]  }
0x393: {  	v0 =	vadd.f32 v3, v0  }
0x394: {  	v3 =	vld [tilespmem:s12+$0xFFFFFFD0]  }
0x395: {  	v0 =	vadd.f32 v1, v0  }
0x396: {  	v1 =	vld [tilespmem:s12+$0x50]  }
0x397: {  	v0 =	vadd.f32 v2, v0  }
0x398: {  	v2 =	vld [tilespmem:s12+$0xD0]  }
0x399: {  	v0 =	vadd.f32 v3, v0  }
0x39a: {  	v3 =	vld [tilespmem:s12+$0x150]  }
0x39b: {  	v0 =	vadd.f32 v1, v0  }
0x39c: {  	v1 =	vld [tilespmem:s12+$0x1D0]  }
0x39d: {  	v0 =	vadd.f32 v2, v0  }
0x39e: {  	v2 =	vld [tilespmem:s12+$0x250]  }
0x39f: {  	v0 =	vadd.f32 v3, v0  }
0x3a0: {  	v3 =	vld [tilespmem:s12+$0x2D0]  }
0x3a1: {  	v0 =	vadd.f32 v1, v0  }
0x3a2: {  	v1 =	vld [tilespmem:s12+$0x350]  }
0x3a3: {  	v0 =	vadd.f32 v2, v0  }
0x3a4: {  	v2 =	vld [tilespmem:s12+$0x3D0]  }
0x3a5: {  	v0 =	vadd.f32 v3, v0  }
0x3a6: {  	v3 =	vld [tilespmem:s12+$0x450]  }
0x3a7: {  	v0 =	vadd.f32 v1, v0  }
0x3a8: {  	v1 =	vld [tilespmem:s12+$0x4D0]  }
0x3a9: {  	v0 =	vadd.f32 v2, v0;
	_ =	sdelay $0x1  }
0x3aa: {  	v0 =	vadd.f32 v3, v0;
	_ =	sdelay $0x1  }
0x3ab: {  	v0 =	vadd.f32 v1, v0;
	_ =	sdelay $0x1  }
0x3ac: {  	[tilespmem:s14+$0x18550] =	vst v0  }
0x3ad: {  	v0 =	vld [tilespmem:s12+$0xFFFFFB60]  }
0x3ae: {  	v1 =	vld [tilespmem:s12+$0xFFFFFBE0];
	_ =	sdelay $0x1  }
0x3af: {  	v2 =	vld [tilespmem:s12+$0xFFFFFC60];
	_ =	sdelay $0x1  }
0x3b0: {  	v3 =	vld [tilespmem:s12+$0xFFFFFCE0]  }
0x3b1: {  	v0 =	vadd.f32 v1, v0  }
0x3b2: {  	v1 =	vld [tilespmem:s12+$0xFFFFFD60]  }
0x3b3: {  	v0 =	vadd.f32 v2, v0  }
0x3b4: {  	v2 =	vld [tilespmem:s12+$0xFFFFFDE0]  }
0x3b5: {  	v0 =	vadd.f32 v3, v0  }
0x3b6: {  	v3 =	vld [tilespmem:s12+$0xFFFFFE60]  }
0x3b7: {  	v0 =	vadd.f32 v1, v0  }
0x3b8: {  	v1 =	vld [tilespmem:s12+$0xFFFFFEE0]  }
0x3b9: {  	v0 =	vadd.f32 v2, v0  }
0x3ba: {  	v2 =	vld [tilespmem:s12+$0xFFFFFF60]  }
0x3bb: {  	v0 =	vadd.f32 v3, v0  }
0x3bc: {  	v3 =	vld [tilespmem:s12+$0xFFFFFFE0]  }
0x3bd: {  	v0 =	vadd.f32 v1, v0  }
0x3be: {  	v1 =	vld [tilespmem:s12+$0x60]  }
0x3bf: {  	v0 =	vadd.f32 v2, v0  }
0x3c0: {  	v2 =	vld [tilespmem:s12+$0xE0]  }
0x3c1: {  	v0 =	vadd.f32 v3, v0  }
0x3c2: {  	v3 =	vld [tilespmem:s12+$0x160]  }
0x3c3: {  	v0 =	vadd.f32 v1, v0  }
0x3c4: {  	v1 =	vld [tilespmem:s12+$0x1E0]  }
0x3c5: {  	v0 =	vadd.f32 v2, v0  }
0x3c6: {  	v2 =	vld [tilespmem:s12+$0x260]  }
0x3c7: {  	v0 =	vadd.f32 v3, v0  }
0x3c8: {  	v3 =	vld [tilespmem:s12+$0x2E0]  }
0x3c9: {  	v0 =	vadd.f32 v1, v0  }
0x3ca: {  	v1 =	vld [tilespmem:s12+$0x360]  }
0x3cb: {  	v0 =	vadd.f32 v2, v0  }
0x3cc: {  	v2 =	vld [tilespmem:s12+$0x3E0]  }
0x3cd: {  	v0 =	vadd.f32 v3, v0  }
0x3ce: {  	v3 =	vld [tilespmem:s12+$0x460]  }
0x3cf: {  	v0 =	vadd.f32 v1, v0  }
0x3d0: {  	v1 =	vld [tilespmem:s12+$0x4E0]  }
0x3d1: {  	v0 =	vadd.f32 v2, v0;
	_ =	sdelay $0x1  }
0x3d2: {  	v0 =	vadd.f32 v3, v0;
	_ =	sdelay $0x1  }
0x3d3: {  	v0 =	vadd.f32 v1, v0;
	_ =	sdelay $0x1  }
0x3d4: {  	[tilespmem:s14+$0x18560] =	vst v0  }
0x3d5: {  	v0 =	vld [tilespmem:s12+$0xFFFFFB70]  }
0x3d6: {  	v1 =	vld [tilespmem:s12+$0xFFFFFBF0];
	_ =	sdelay $0x1  }
0x3d7: {  	v2 =	vld [tilespmem:s12+$0xFFFFFC70];
	_ =	sdelay $0x1  }
0x3d8: {  	v3 =	vld [tilespmem:s12+$0xFFFFFCF0]  }
0x3d9: {  	v0 =	vadd.f32 v1, v0  }
0x3da: {  	v1 =	vld [tilespmem:s12+$0xFFFFFD70]  }
0x3db: {  	v0 =	vadd.f32 v2, v0  }
0x3dc: {  	v2 =	vld [tilespmem:s12+$0xFFFFFDF0]  }
0x3dd: {  	v0 =	vadd.f32 v3, v0  }
0x3de: {  	v3 =	vld [tilespmem:s12+$0xFFFFFE70]  }
0x3df: {  	v0 =	vadd.f32 v1, v0  }
0x3e0: {  	v1 =	vld [tilespmem:s12+$0xFFFFFEF0]  }
0x3e1: {  	v0 =	vadd.f32 v2, v0  }
0x3e2: {  	v2 =	vld [tilespmem:s12+$0xFFFFFF70]  }
0x3e3: {  	v0 =	vadd.f32 v3, v0  }
0x3e4: {  	v3 =	vld [tilespmem:s12+$0xFFFFFFF0]  }
0x3e5: {  	v0 =	vadd.f32 v1, v0  }
0x3e6: {  	v1 =	vld [tilespmem:s12+$0x70]  }
0x3e7: {  	v0 =	vadd.f32 v2, v0  }
0x3e8: {  	v2 =	vld [tilespmem:s12+$0xF0]  }
0x3e9: {  	v0 =	vadd.f32 v3, v0  }
0x3ea: {  	v3 =	vld [tilespmem:s12+$0x170]  }
0x3eb: {  	v0 =	vadd.f32 v1, v0  }
0x3ec: {  	v1 =	vld [tilespmem:s12+$0x1F0]  }
0x3ed: {  	v0 =	vadd.f32 v2, v0  }
0x3ee: {  	v2 =	vld [tilespmem:s12+$0x270]  }
0x3ef: {  	v0 =	vadd.f32 v3, v0  }
0x3f0: {  	v4 =	vld [tilespmem:s12+$0x2F0]  }
0x3f1: {  	v1 =	vadd.f32 v1, v0  }
0x3f2: {  	v3 =	vld [tilespmem:s12+$0x370]  }
0x3f3: {  	v0 =	vld [tilespmem:s12+$0x3F0];
	v5 =	vadd.f32 v2, v1  }
0x3f4: {  	v1 =	vld [tilespmem:s12+$0x470]  }
0x3f5: {  	s20 =	simm.s32 $0x200;
	v2 =	vld [tilespmem:s12+$0x4F0];
	v4 =	vadd.f32 v4, v5  }
.LBB2_5:
0x3f6: {  	p0 =	sne.s32 s20, $0xE00  }
0x3f7: {  	s12 =	sadd.s32 $0xA00, s12;
	s21 =	smov.u32 s20;
	s20 =	sadd.s32 $0x200, s20;
	v3 =	vadd.f32 v3, v4  }
0x3f8: {  	_ = 	snop  }
0x3f9: {  	v0 =	vadd.f32 v0, v3;
	_ =	sdelay $0x1  }
0x3fa: {  	v0 =	vadd.f32 v1, v0;
	_ =	sdelay $0x1  }
0x3fb: {  	v0 =	vadd.f32 v2, v0;
	_ =	sdelay $0x1  }
0x3fc: {  	[tilespmem:s14+$0x18570] =	vst v0  }
0x3fd: {  	v0 =	vld [tilespmem:s12+$0xFFFFFB80]  }
0x3fe: {  	v1 =	vld [tilespmem:s12+$0xFFFFFB00]  }
0x3ff: {  	v2 =	vld [tilespmem:s12+$0xFFFFFC00];
	_ =	sdelay $0x2  }
0x400: {  	v3 =	vld [tilespmem:s12+$0xFFFFFC80]  }
0x401: {  	v0 =	vadd.f32 v0, v1  }
0x402: {  	v1 =	vld [tilespmem:s12+$0xFFFFFD00]  }
0x403: {  	v0 =	vadd.f32 v2, v0  }
0x404: {  	v2 =	vld [tilespmem:s12+$0xFFFFFD80]  }
0x405: {  	v0 =	vadd.f32 v3, v0  }
0x406: {  	v3 =	vld [tilespmem:s12+$0xFFFFFE00]  }
0x407: {  	v0 =	vadd.f32 v1, v0  }
0x408: {  	v1 =	vld [tilespmem:s12+$0xFFFFFE80]  }
0x409: {  	v0 =	vadd.f32 v2, v0  }
0x40a: {  	v2 =	vld [tilespmem:s12+$0xFFFFFF00]  }
0x40b: {  	v0 =	vadd.f32 v3, v0  }
0x40c: {  	v3 =	vld [tilespmem:s12+$0xFFFFFF80]  }
0x40d: {  	v0 =	vadd.f32 v1, v0  }
0x40e: {  	v1 =	vld [tilespmem:s12+$0x0]  }
0x40f: {  	v0 =	vadd.f32 v2, v0  }
0x410: {  	v2 =	vld [tilespmem:s12+$0x80]  }
0x411: {  	v0 =	vadd.f32 v3, v0  }
0x412: {  	v3 =	vld [tilespmem:s12+$0x100]  }
0x413: {  	v0 =	vadd.f32 v1, v0  }
0x414: {  	v1 =	vld [tilespmem:s12+$0x180]  }
0x415: {  	v0 =	vadd.f32 v2, v0  }
0x416: {  	v2 =	vld [tilespmem:s12+$0x200]  }
0x417: {  	v0 =	vadd.f32 v3, v0  }
0x418: {  	v3 =	vld [tilespmem:s12+$0x280]  }
0x419: {  	v0 =	vadd.f32 v1, v0  }
0x41a: {  	v1 =	vld [tilespmem:s12+$0x300]  }
0x41b: {  	v0 =	vadd.f32 v2, v0  }
0x41c: {  	v2 =	vld [tilespmem:s12+$0x380]  }
0x41d: {  	v0 =	vadd.f32 v3, v0  }
0x41e: {  	v3 =	vld [tilespmem:s12+$0x400]  }
0x41f: {  	v0 =	vadd.f32 v1, v0  }
0x420: {  	v1 =	vld [tilespmem:s12+$0x480]  }
0x421: {  	v0 =	vadd.f32 v2, v0;
	_ =	sdelay $0x1  }
0x422: {  	v0 =	vadd.f32 v3, v0;
	_ =	sdelay $0x1  }
0x423: {  	v0 =	vadd.f32 v1, v0  }
0x424: {  	s14 =	sshra.s32 s21, $0x2  }
0x425: {  	[tilespmem:s14+$0x18500] =	vst v0  }
0x426: {  	v0 =	vld [tilespmem:s12+$0xFFFFFB10]  }
0x427: {  	v1 =	vld [tilespmem:s12+$0xFFFFFB90];
	_ =	sdelay $0x1  }
0x428: {  	v2 =	vld [tilespmem:s12+$0xFFFFFC10];
	_ =	sdelay $0x1  }
0x429: {  	v3 =	vld [tilespmem:s12+$0xFFFFFC90]  }
0x42a: {  	v0 =	vadd.f32 v1, v0  }
0x42b: {  	v1 =	vld [tilespmem:s12+$0xFFFFFD10]  }
0x42c: {  	v0 =	vadd.f32 v2, v0  }
0x42d: {  	v2 =	vld [tilespmem:s12+$0xFFFFFD90]  }
0x42e: {  	v0 =	vadd.f32 v3, v0  }
0x42f: {  	v3 =	vld [tilespmem:s12+$0xFFFFFE10]  }
0x430: {  	v0 =	vadd.f32 v1, v0  }
0x431: {  	v1 =	vld [tilespmem:s12+$0xFFFFFE90]  }
0x432: {  	v0 =	vadd.f32 v2, v0  }
0x433: {  	v2 =	vld [tilespmem:s12+$0xFFFFFF10]  }
0x434: {  	v0 =	vadd.f32 v3, v0  }
0x435: {  	v3 =	vld [tilespmem:s12+$0xFFFFFF90]  }
0x436: {  	v0 =	vadd.f32 v1, v0  }
0x437: {  	v1 =	vld [tilespmem:s12+$0x10]  }
0x438: {  	v0 =	vadd.f32 v2, v0  }
0x439: {  	v2 =	vld [tilespmem:s12+$0x90]  }
0x43a: {  	v0 =	vadd.f32 v3, v0  }
0x43b: {  	v3 =	vld [tilespmem:s12+$0x110]  }
0x43c: {  	v0 =	vadd.f32 v1, v0  }
0x43d: {  	v1 =	vld [tilespmem:s12+$0x190]  }
0x43e: {  	v0 =	vadd.f32 v2, v0  }
0x43f: {  	v2 =	vld [tilespmem:s12+$0x210]  }
0x440: {  	v0 =	vadd.f32 v3, v0  }
0x441: {  	v3 =	vld [tilespmem:s12+$0x290]  }
0x442: {  	v0 =	vadd.f32 v1, v0  }
0x443: {  	v1 =	vld [tilespmem:s12+$0x310]  }
0x444: {  	v0 =	vadd.f32 v2, v0  }
0x445: {  	v2 =	vld [tilespmem:s12+$0x390]  }
0x446: {  	v0 =	vadd.f32 v3, v0  }
0x447: {  	v3 =	vld [tilespmem:s12+$0x410]  }
0x448: {  	v0 =	vadd.f32 v1, v0  }
0x449: {  	v1 =	vld [tilespmem:s12+$0x490]  }
0x44a: {  	v0 =	vadd.f32 v2, v0;
	_ =	sdelay $0x1  }
0x44b: {  	v0 =	vadd.f32 v3, v0;
	_ =	sdelay $0x1  }
0x44c: {  	v0 =	vadd.f32 v1, v0;
	_ =	sdelay $0x1  }
0x44d: {  	[tilespmem:s14+$0x18510] =	vst v0  }
0x44e: {  	v0 =	vld [tilespmem:s12+$0xFFFFFB20]  }
0x44f: {  	v1 =	vld [tilespmem:s12+$0xFFFFFBA0];
	_ =	sdelay $0x1  }
0x450: {  	v2 =	vld [tilespmem:s12+$0xFFFFFC20];
	_ =	sdelay $0x1  }
0x451: {  	v3 =	vld [tilespmem:s12+$0xFFFFFCA0]  }
0x452: {  	v0 =	vadd.f32 v1, v0  }
0x453: {  	v1 =	vld [tilespmem:s12+$0xFFFFFD20]  }
0x454: {  	v0 =	vadd.f32 v2, v0  }
0x455: {  	v2 =	vld [tilespmem:s12+$0xFFFFFDA0]  }
0x456: {  	v0 =	vadd.f32 v3, v0  }
0x457: {  	v3 =	vld [tilespmem:s12+$0xFFFFFE20]  }
0x458: {  	v0 =	vadd.f32 v1, v0  }
0x459: {  	v1 =	vld [tilespmem:s12+$0xFFFFFEA0]  }
0x45a: {  	v0 =	vadd.f32 v2, v0  }
0x45b: {  	v2 =	vld [tilespmem:s12+$0xFFFFFF20]  }
0x45c: {  	v0 =	vadd.f32 v3, v0  }
0x45d: {  	v3 =	vld [tilespmem:s12+$0xFFFFFFA0]  }
0x45e: {  	v0 =	vadd.f32 v1, v0  }
0x45f: {  	v1 =	vld [tilespmem:s12+$0x20]  }
0x460: {  	v0 =	vadd.f32 v2, v0  }
0x461: {  	v2 =	vld [tilespmem:s12+$0xA0]  }
0x462: {  	v0 =	vadd.f32 v3, v0  }
0x463: {  	v3 =	vld [tilespmem:s12+$0x120]  }
0x464: {  	v0 =	vadd.f32 v1, v0  }
0x465: {  	v1 =	vld [tilespmem:s12+$0x1A0]  }
0x466: {  	v0 =	vadd.f32 v2, v0  }
0x467: {  	v2 =	vld [tilespmem:s12+$0x220]  }
0x468: {  	v0 =	vadd.f32 v3, v0  }
0x469: {  	v3 =	vld [tilespmem:s12+$0x2A0]  }
0x46a: {  	v0 =	vadd.f32 v1, v0  }
0x46b: {  	v1 =	vld [tilespmem:s12+$0x320]  }
0x46c: {  	v0 =	vadd.f32 v2, v0  }
0x46d: {  	v2 =	vld [tilespmem:s12+$0x3A0]  }
0x46e: {  	v0 =	vadd.f32 v3, v0  }
0x46f: {  	v3 =	vld [tilespmem:s12+$0x420]  }
0x470: {  	v0 =	vadd.f32 v1, v0  }
0x471: {  	v1 =	vld [tilespmem:s12+$0x4A0]  }
0x472: {  	v0 =	vadd.f32 v2, v0;
	_ =	sdelay $0x1  }
0x473: {  	v0 =	vadd.f32 v3, v0;
	_ =	sdelay $0x1  }
0x474: {  	v0 =	vadd.f32 v1, v0;
	_ =	sdelay $0x1  }
0x475: {  	[tilespmem:s14+$0x18520] =	vst v0  }
0x476: {  	v0 =	vld [tilespmem:s12+$0xFFFFFB30]  }
0x477: {  	v1 =	vld [tilespmem:s12+$0xFFFFFBB0]  }
0x478: {  	v2 =	vld [tilespmem:s12+$0xFFFFFC30];
	_ =	sdelay $0x2  }
0x479: {  	v3 =	vld [tilespmem:s12+$0xFFFFFCB0]  }
0x47a: {  	v0 =	vadd.f32 v1, v0  }
0x47b: {  	v1 =	vld [tilespmem:s12+$0xFFFFFD30]  }
0x47c: {  	v0 =	vadd.f32 v2, v0  }
0x47d: {  	v2 =	vld [tilespmem:s12+$0xFFFFFDB0]  }
0x47e: {  	v0 =	vadd.f32 v3, v0  }
0x47f: {  	v3 =	vld [tilespmem:s12+$0xFFFFFE30]  }
0x480: {  	v0 =	vadd.f32 v1, v0  }
0x481: {  	v1 =	vld [tilespmem:s12+$0xFFFFFEB0]  }
0x482: {  	v0 =	vadd.f32 v2, v0  }
0x483: {  	v2 =	vld [tilespmem:s12+$0xFFFFFF30]  }
0x484: {  	v0 =	vadd.f32 v3, v0  }
0x485: {  	v3 =	vld [tilespmem:s12+$0xFFFFFFB0]  }
0x486: {  	v0 =	vadd.f32 v1, v0  }
0x487: {  	v1 =	vld [tilespmem:s12+$0x30]  }
0x488: {  	v0 =	vadd.f32 v2, v0  }
0x489: {  	v2 =	vld [tilespmem:s12+$0xB0]  }
0x48a: {  	v0 =	vadd.f32 v3, v0  }
0x48b: {  	v3 =	vld [tilespmem:s12+$0x130]  }
0x48c: {  	v0 =	vadd.f32 v1, v0  }
0x48d: {  	v1 =	vld [tilespmem:s12+$0x1B0]  }
0x48e: {  	v0 =	vadd.f32 v2, v0  }
0x48f: {  	v2 =	vld [tilespmem:s12+$0x230]  }
0x490: {  	v0 =	vadd.f32 v3, v0  }
0x491: {  	v3 =	vld [tilespmem:s12+$0x2B0]  }
0x492: {  	v0 =	vadd.f32 v1, v0  }
0x493: {  	v1 =	vld [tilespmem:s12+$0x330]  }
0x494: {  	v0 =	vadd.f32 v2, v0  }
0x495: {  	v2 =	vld [tilespmem:s12+$0x3B0]  }
0x496: {  	v0 =	vadd.f32 v3, v0  }
0x497: {  	v3 =	vld [tilespmem:s12+$0x430]  }
0x498: {  	v0 =	vadd.f32 v1, v0  }
0x499: {  	v1 =	vld [tilespmem:s12+$0x4B0]  }
0x49a: {  	v0 =	vadd.f32 v2, v0;
	_ =	sdelay $0x1  }
0x49b: {  	v0 =	vadd.f32 v3, v0;
	_ =	sdelay $0x1  }
0x49c: {  	v0 =	vadd.f32 v1, v0;
	_ =	sdelay $0x1  }
0x49d: {  	[tilespmem:s14+$0x18530] =	vst v0  }
0x49e: {  	v0 =	vld [tilespmem:s12+$0xFFFFFB40]  }
0x49f: {  	v1 =	vld [tilespmem:s12+$0xFFFFFBC0];
	_ =	sdelay $0x1  }
0x4a0: {  	v2 =	vld [tilespmem:s12+$0xFFFFFC40];
	_ =	sdelay $0x1  }
0x4a1: {  	v3 =	vld [tilespmem:s12+$0xFFFFFCC0]  }
0x4a2: {  	v0 =	vadd.f32 v1, v0  }
0x4a3: {  	v1 =	vld [tilespmem:s12+$0xFFFFFD40]  }
0x4a4: {  	v0 =	vadd.f32 v2, v0  }
0x4a5: {  	v2 =	vld [tilespmem:s12+$0xFFFFFDC0]  }
0x4a6: {  	v0 =	vadd.f32 v3, v0  }
0x4a7: {  	v3 =	vld [tilespmem:s12+$0xFFFFFE40]  }
0x4a8: {  	v0 =	vadd.f32 v1, v0  }
0x4a9: {  	v1 =	vld [tilespmem:s12+$0xFFFFFEC0]  }
0x4aa: {  	v0 =	vadd.f32 v2, v0  }
0x4ab: {  	v2 =	vld [tilespmem:s12+$0xFFFFFF40]  }
0x4ac: {  	v0 =	vadd.f32 v3, v0  }
0x4ad: {  	v3 =	vld [tilespmem:s12+$0xFFFFFFC0]  }
0x4ae: {  	v0 =	vadd.f32 v1, v0  }
0x4af: {  	v1 =	vld [tilespmem:s12+$0x40]  }
0x4b0: {  	v0 =	vadd.f32 v2, v0  }
0x4b1: {  	v2 =	vld [tilespmem:s12+$0xC0]  }
0x4b2: {  	v0 =	vadd.f32 v3, v0  }
0x4b3: {  	v3 =	vld [tilespmem:s12+$0x140]  }
0x4b4: {  	v0 =	vadd.f32 v1, v0  }
0x4b5: {  	v1 =	vld [tilespmem:s12+$0x1C0]  }
0x4b6: {  	v0 =	vadd.f32 v2, v0  }
0x4b7: {  	v2 =	vld [tilespmem:s12+$0x240]  }
0x4b8: {  	v0 =	vadd.f32 v3, v0  }
0x4b9: {  	v3 =	vld [tilespmem:s12+$0x2C0]  }
0x4ba: {  	v0 =	vadd.f32 v1, v0  }
0x4bb: {  	v1 =	vld [tilespmem:s12+$0x340]  }
0x4bc: {  	v0 =	vadd.f32 v2, v0  }
0x4bd: {  	v2 =	vld [tilespmem:s12+$0x3C0]  }
0x4be: {  	v0 =	vadd.f32 v3, v0  }
0x4bf: {  	v3 =	vld [tilespmem:s12+$0x440]  }
0x4c0: {  	v0 =	vadd.f32 v1, v0  }
0x4c1: {  	v1 =	vld [tilespmem:s12+$0x4C0]  }
0x4c2: {  	v0 =	vadd.f32 v2, v0;
	_ =	sdelay $0x1  }
0x4c3: {  	v0 =	vadd.f32 v3, v0;
	_ =	sdelay $0x1  }
0x4c4: {  	v0 =	vadd.f32 v1, v0;
	_ =	sdelay $0x1  }
0x4c5: {  	[tilespmem:s14+$0x18540] =	vst v0  }
0x4c6: {  	v0 =	vld [tilespmem:s12+$0xFFFFFB50]  }
0x4c7: {  	v1 =	vld [tilespmem:s12+$0xFFFFFBD0]  }
0x4c8: {  	v2 =	vld [tilespmem:s12+$0xFFFFFC50]  }
0x4c9: {  	v3 =	vld [tilespmem:s12+$0xFFFFFCD0]  }
0x4ca: {  	v4 =	vld [tilespmem:s12+$0xFFFFFD50]  }
0x4cb: {  	v5 =	vld [tilespmem:s12+$0xFFFFFDD0]  }
0x4cc: {  	v0 =	vadd.f32 v1, v0;
	v1 =	vld [tilespmem:s12+$0xFFFFFE50]  }
0x4cd: {  	v6 =	vld [tilespmem:s12+$0xFFFFFED0]  }
0x4ce: {  	v0 =	vadd.f32 v2, v0;
	v2 =	vld [tilespmem:s12+$0xFFFFFF50]  }
0x4cf: {  	v7 =	vld [tilespmem:s12+$0xFFFFFFD0]  }
0x4d0: {  	v0 =	vadd.f32 v3, v0;
	v3 =	vld [tilespmem:s12+$0x50]  }
0x4d1: {  	v8 =	vld [tilespmem:s12+$0xD0]  }
0x4d2: {  	v0 =	vadd.f32 v4, v0;
	v4 =	vld [tilespmem:s12+$0x150]  }
0x4d3: {  	v9 =	vld [tilespmem:s12+$0x1D0]  }
0x4d4: {  	v0 =	vadd.f32 v5, v0;
	v5 =	vld [tilespmem:s12+$0x250]  }
0x4d5: {  	v10 =	vld [tilespmem:s12+$0x2D0]  }
0x4d6: {  	v0 =	vadd.f32 v1, v0;
	v1 =	vld [tilespmem:s12+$0x350]  }
0x4d7: {  	v11 =	vld [tilespmem:s12+$0x3D0]  }
0x4d8: {  	v0 =	vadd.f32 v6, v0;
	v6 =	vld [tilespmem:s12+$0x450]  }
0x4d9: {  	v12 =	vld [tilespmem:s12+$0x4D0]  }
0x4da: {  	v0 =	vadd.f32 v2, v0;
	_ =	sdelay $0x1  }
0x4db: {  	v0 =	vadd.f32 v7, v0;
	_ =	sdelay $0x1  }
0x4dc: {  	v0 =	vadd.f32 v3, v0;
	_ =	sdelay $0x1  }
0x4dd: {  	v0 =	vadd.f32 v8, v0;
	_ =	sdelay $0x1  }
0x4de: {  	v0 =	vadd.f32 v4, v0;
	_ =	sdelay $0x1  }
0x4df: {  	v0 =	vadd.f32 v9, v0;
	_ =	sdelay $0x1  }
0x4e0: {  	v0 =	vadd.f32 v5, v0;
	_ =	sdelay $0x1  }
0x4e1: {  	v0 =	vadd.f32 v10, v0;
	_ =	sdelay $0x1  }
0x4e2: {  	v0 =	vadd.f32 v1, v0;
	_ =	sdelay $0x1  }
0x4e3: {  	v0 =	vadd.f32 v11, v0;
	_ =	sdelay $0x1  }
0x4e4: {  	v0 =	vadd.f32 v6, v0;
	_ =	sdelay $0x1  }
0x4e5: {  	v0 =	vadd.f32 v12, v0;
	_ =	sdelay $0x1  }
0x4e6: {  	[tilespmem:s14+$0x18550] =	vst v0  }
0x4e7: {  	v0 =	vld [tilespmem:s12+$0xFFFFFB60]  }
0x4e8: {  	v1 =	vld [tilespmem:s12+$0xFFFFFBE0]  }
0x4e9: {  	v2 =	vld [tilespmem:s12+$0xFFFFFC60]  }
0x4ea: {  	v3 =	vld [tilespmem:s12+$0xFFFFFCE0]  }
0x4eb: {  	v4 =	vld [tilespmem:s12+$0xFFFFFD60]  }
0x4ec: {  	v5 =	vld [tilespmem:s12+$0xFFFFFDE0]  }
0x4ed: {  	v0 =	vadd.f32 v1, v0;
	v1 =	vld [tilespmem:s12+$0xFFFFFE60]  }
0x4ee: {  	v6 =	vld [tilespmem:s12+$0xFFFFFEE0]  }
0x4ef: {  	v0 =	vadd.f32 v2, v0;
	v2 =	vld [tilespmem:s12+$0xFFFFFF60]  }
0x4f0: {  	v7 =	vld [tilespmem:s12+$0xFFFFFFE0]  }
0x4f1: {  	v0 =	vadd.f32 v3, v0;
	v3 =	vld [tilespmem:s12+$0x60]  }
0x4f2: {  	v8 =	vld [tilespmem:s12+$0xE0]  }
0x4f3: {  	v0 =	vadd.f32 v4, v0;
	v4 =	vld [tilespmem:s12+$0x160]  }
0x4f4: {  	v9 =	vld [tilespmem:s12+$0x1E0]  }
0x4f5: {  	v0 =	vadd.f32 v5, v0;
	v5 =	vld [tilespmem:s12+$0x260]  }
0x4f6: {  	v10 =	vld [tilespmem:s12+$0x2E0]  }
0x4f7: {  	v0 =	vadd.f32 v1, v0;
	v1 =	vld [tilespmem:s12+$0x360]  }
0x4f8: {  	v11 =	vld [tilespmem:s12+$0x3E0]  }
0x4f9: {  	v0 =	vadd.f32 v6, v0;
	v6 =	vld [tilespmem:s12+$0x460]  }
0x4fa: {  	v12 =	vld [tilespmem:s12+$0x4E0]  }
0x4fb: {  	v0 =	vadd.f32 v2, v0;
	_ =	sdelay $0x1  }
0x4fc: {  	v0 =	vadd.f32 v7, v0;
	_ =	sdelay $0x1  }
0x4fd: {  	v0 =	vadd.f32 v3, v0;
	_ =	sdelay $0x1  }
0x4fe: {  	v0 =	vadd.f32 v8, v0;
	_ =	sdelay $0x1  }
0x4ff: {  	v0 =	vadd.f32 v4, v0;
	_ =	sdelay $0x1  }
0x500: {  	v0 =	vadd.f32 v9, v0;
	_ =	sdelay $0x1  }
0x501: {  	v0 =	vadd.f32 v5, v0;
	_ =	sdelay $0x1  }
0x502: {  	v0 =	vadd.f32 v10, v0;
	_ =	sdelay $0x1  }
0x503: {  	v0 =	vadd.f32 v1, v0;
	_ =	sdelay $0x1  }
0x504: {  	v0 =	vadd.f32 v11, v0;
	_ =	sdelay $0x1  }
0x505: {  	v0 =	vadd.f32 v6, v0;
	_ =	sdelay $0x1  }
0x506: {  	v0 =	vadd.f32 v12, v0;
	_ =	sdelay $0x1  }
0x507: {  	[tilespmem:s14+$0x18560] =	vst v0  }
0x508: {  	v0 =	vld [tilespmem:s12+$0xFFFFFB70]  }
0x509: {  	v1 =	vld [tilespmem:s12+$0xFFFFFBF0]  }
0x50a: {  	v2 =	vld [tilespmem:s12+$0xFFFFFC70]  }
0x50b: {  	v3 =	vld [tilespmem:s12+$0xFFFFFCF0]  }
0x50c: {  	v4 =	vld [tilespmem:s12+$0xFFFFFD70]  }
0x50d: {  	v5 =	vld [tilespmem:s12+$0xFFFFFDF0]  }
0x50e: {  	v0 =	vadd.f32 v1, v0;
	v1 =	vld [tilespmem:s12+$0xFFFFFE70]  }
0x50f: {  	v6 =	vld [tilespmem:s12+$0xFFFFFEF0]  }
0x510: {  	v0 =	vadd.f32 v2, v0;
	v7 =	vld [tilespmem:s12+$0xFFFFFF70]  }
0x511: {  	v8 =	vld [tilespmem:s12+$0xFFFFFFF0]  }
0x512: {  	v0 =	vadd.f32 v3, v0;
	v9 =	vld [tilespmem:s12+$0x70]  }
0x513: {  	v10 =	vld [tilespmem:s12+$0xF0]  }
0x514: {  	v0 =	vadd.f32 v4, v0;
	v4 =	vld [tilespmem:s12+$0x170]  }
0x515: {  	v11 =	vld [tilespmem:s12+$0x1F0]  }
0x516: {  	v0 =	vadd.f32 v5, v0;
	v5 =	vld [tilespmem:s12+$0x270]  }
0x517: {  	v12 =	vld [tilespmem:s12+$0x2F0]  }
0x518: {  	v1 =	vadd.f32 v1, v0;
	v3 =	vld [tilespmem:s12+$0x370]  }
0x519: {  	v0 =	vld [tilespmem:s12+$0x3F0]  }
0x51a: {  	v6 =	vadd.f32 v6, v1;
	v1 =	vld [tilespmem:s12+$0x470]  }
0x51b: {  	v2 =	vld [tilespmem:s12+$0x4F0]  }
0x51c: {  	v6 =	vadd.f32 v7, v6;
	_ =	sdelay $0x1  }
0x51d: {  	v6 =	vadd.f32 v8, v6;
	_ =	sdelay $0x1  }
0x51e: {  	v6 =	vadd.f32 v9, v6;
	_ =	sdelay $0x1  }
0x51f: {  	v6 =	vadd.f32 v10, v6;
	_ =	sdelay $0x1  }
0x520: {  	v4 =	vadd.f32 v4, v6;
	_ =	sdelay $0x1  }
.Ltmp1:
0x521: {  	v4 =	vadd.f32 v11, v4;
	(pc) =	sbr.rel @p0 .LBB2_5-.Ltmp1, $3  }
0x522: {  	_ = 	snop  }
0x523: {  	v4 =	vadd.f32 v5, v4;
	_ =	sdelay $0x1  }
0x524: {  	v4 =	vadd.f32 v12, v4  }
0x525: {  	_ = 	snop  }
0x526: {  	v3 =	vadd.f32 v3, v4;
	_ =	sdelay $0x1  }
0x527: {  	v0 =	vadd.f32 v0, v3;
	_ =	sdelay $0x1  }
0x528: {  	v0 =	vadd.f32 v1, v0  }
0x529: {  	p0 =	sne.s32 s16, $0x68  }
.Ltmp2:
0x52a: {  	v0 =	vadd.f32 v2, v0;
	(pc) =	sbr.rel @p0 .LBB2_2-.Ltmp2, $4  }
0x52b: {  	_ = 	snop  }
0x52c: {  	s12 =	sadd.s32 s8, s15;
	[tilespmem:s14+$0x18570] =	vst v0  }
0x52d: {  	[hbm4b:s12+s11] =	stream.linear.scatter [tilespmem:s19], [sflag:$0x8], $0x400, $0x38;
	[tilespmem:$0x18900] =	vst v63  }
0x52e: {  	s12 =	smov.u32 s16  }
0x52f: {  	s12 =	simm.s32 $0x7  }
0x530: {  	_ =	swait.ge [sflag:s12], $0x5000  }
0x531: {  	[sflag:s12] =	ssyncset.done $0x0  }
0x532: {  	s14 =	simm.s32 $0x8;
	[sflag:s12] =	ssyncadd.s32 $0xFFFFB000  }
0x533: {  	_ =	swait.ge [sflag:s14], $0x400  }
0x534: {  	s15 =	rddreg [dreg:$0xc]  }
0x535: {  	s21 =	rddreg [dreg:$0xb];
	s15 =	sadd.s32 $0x1, s15  }
0x536: {  	p0 =	sne.s32 s15, s21  }
.Ltmp3:
0x537: {  	_ = 	snop;
	(pc) =	sbr.rel @p0 .LBB2_1-.Ltmp3, $3  }
0x538: {  	_ =	sdelay $0x1  }
0x539: {  	[sflag:s14] =	ssyncset.done $0x0  }
0x53a: {  	[sflag:s14] =	ssyncadd.s32 $0xFFFFFC00  }
0x53b: {  	_ =	sfence.sel $0x180000  }
0x53c: {  	[bflag:$0x0] =	sbarrier.arrive $0xFFFF  }
0x53d: {  	_ =	strace $0x90000047  }
0x53e: {  	s0 =	stileid.u32;
	[bflag:$0x2] =	sbarrier.arrive $0xFFFF  }
0x53f: {  	p0 =	sne.s32 s0, $0x0;
	s0 =	rddreg [dreg:$0x9]  }
0x540: {  	s0 =	sadd.s32 @!p0 $0x100000, s0  }
0x541: {  	[sflag:s0] =	ssyncadd.tile.s32 @!p0 $0x1;
	_ =	shalt  }
.Lfunc_end2:
_tile_overlayer_lowered:
.L_overlay_start_2:
0x542: {  	(tag) =	ssettag $0x2  }
0x543: {  	s0 =	rddreg [dreg:$0x0];
	s2 =	stileid.u32  }
0x544: {  	s1 =	rddreg [dreg:$0x1];
	p0 =	sne.s32 s2, $0x0  }
0x545: {  	s3 =	rddreg [dreg:$0x2];
	[bflag:$0x3] =	sbarrier.arrive $0xFFFF;
	s2 =	simm.s32 @!p0 $0x1C09  }
0x546: {  	[timem:s3], [sflag:s2] =	dma.local @!p0 [hbm:s0], s1  }
0x547: {  	s0 =	simm.s32 @!p0 $0x9  }
0x548: {  	_ =	swait.ge @!p0 [sflag:s0], s1  }
0x549: {  	s1 =	ssub.s32 @!p0 $0x0, s1;
	[sflag:s0] =	ssyncset.done @!p0 $0x0  }
0x54a: {  	[sflag:s0] =	ssyncadd.s32 @!p0 s1  }
0x54b: {  	[bflag:$0x3] =	sbarrier.arrive $0xFFFF  }
0x54c: {  	_ =	shalt  }

</sc_bundles>
